<compile_context>
chip_gen: v7x
topology: tpu7x:2x2x1
jax: 0.10.2.dev20260603
libtpu: 0.0.44.dev20260713+nightly
codegen_flags: <defaults>
</compile_context>

<pallas_src>
import functools

import jax
import jax.numpy as jnp
from jax import lax
from jax.experimental import pallas as pl
from jax.experimental.pallas import tpu as pltpu
from jax.experimental.pallas import tpu_sc as plsc

_B = 4
_S = 8192
_D = 128
_C = 128

_info = plsc.get_sparse_core_info()
_NC, _NS, _L = _info.num_cores, _info.num_subcores, _info.num_lanes
_NW = _NC * _NS
_SPW = _S // _NW
_NSS = _SPW // _C
_NB = 5

_CHUNKS = ([(0, _C, b) for b in range(_B)]
           + [(_C, _C, b) for b in range(_B - 1)]
           + [(_C, _C // 2, _B - 1), (_C + _C // 2, _C // 2, _B - 1)])
_NCH = len(_CHUNKS)


@functools.partial(
    pl.kernel,
    mesh=plsc.VectorSubcoreMesh(core_axis_name="c", subcore_axis_name="s"),
    out_type=jax.ShapeDtypeStruct((_B, _S, _D), jnp.float32),
    scratch_types=[
        pltpu.VMEM((_B, _SPW), jnp.int32),
        pltpu.VMEM((_SPW, _D), jnp.float32),
        pltpu.VMEM((_NB, _C, _D), jnp.float32),
        pltpu.SemaphoreType.DMA,
        pltpu.SemaphoreType.DMA,
        pltpu.SemaphoreType.DMA,
        pltpu.SemaphoreType.DMA,
        pltpu.SemaphoreType.DMA,
        pltpu.SemaphoreType.DMA,
        pltpu.SemaphoreType.DMA,
        pltpu.SemaphoreType.DMA,
        pltpu.SemaphoreType.DMA,
        pltpu.SemaphoreType.DMA,
        pltpu.SemaphoreType.DMA,
        pltpu.SemaphoreType.DMA,
    ],
)
def _emb_lookup(x_hbm, table_hbm, pos_hbm, out_hbm,
                idx_v, pos_v, tok_v,
                isem, psem, g0, g1, g2, g3, g4, s0, s1, s2, s3, s4):
    wid = lax.axis_index("s") * _NC + lax.axis_index("c")
    s_base = wid * _SPW

    icopy = pltpu.async_copy(x_hbm.at[:, pl.ds(s_base, _SPW)], idx_v, isem)
    pcopy = pltpu.async_copy(pos_hbm.at[pl.ds(s_base, _SPW)], pos_v, psem)

    gsems = [g0, g1, g2, g3, g4]
    ssems = [s0, s1, s2, s3, s4]
    gathers = [None] * _NB
    stores = [None] * _NB

    def issue_gather(j):
        s_off, n, b = _CHUNKS[j]
        m = j % _NB
        gathers[m] = pltpu.async_copy(
            table_hbm.at[idx_v.at[b, pl.ds(s_off, n)]],
            tok_v.at[m, pl.ds(0, n)], gsems[m])

    icopy.wait()
    issue_gather(0)
    issue_gather(1)
    issue_gather(2)
    pcopy.wait()

    for j, (s_off, n, b) in enumerate(_CHUNKS):
        m = j % _NB
        if j + 3 < _NCH:
            m2 = (j + 3) % _NB
            if stores[m2] is not None:
                stores[m2].wait()
            issue_gather(j + 3)
        gathers[m].wait()
        tok = tok_v.at[m]

        def add_row(r, carry, tok=tok, s_off=s_off):
            for k in range(_D // _L):
                sl = pl.ds(k * _L, _L)
                plsc.addupdate(tok.at[r, sl], pos_v[s_off + r, sl])
            return carry

        lax.fori_loop(0, n, add_row, 0)
        stores[m] = pltpu.async_copy(
            tok.at[pl.ds(0, n)],
            out_hbm.at[b, pl.ds(s_base + s_off, n)], ssems[m])

    for m in range(_NB):
        if stores[m] is not None:
            stores[m].wait()


def kernel(x, token_table, pos_table):
    return _emb_lookup(x.astype(jnp.int32), token_table, pos_table)

# --- scband reference (transcript-rebuilt; emitter-appended) ---
"""Pipeline reference for scband-transformer-embedding-46583215292566 (READ-ONLY COPY).

The authoritative reference and input builder live on the scoring server;
editing this copy changes nothing except your own understanding.
"""

import jax, jax.numpy as jnp
import numpy as np

VOCAB = 1000000
D_MODEL = 128
BATCH = 4
SEQ_LEN = 8192

def setup_inputs(seed: int = 0) -> dict:
    key = jax.random.key(seed)
    k1, k2, k3 = jax.random.split(key, 3)
    x = jax.random.randint(k1, (BATCH, SEQ_LEN), 0, VOCAB, dtype=jnp.int64 if jax.config.jax_enable_x64 else jnp.int32)
    token_table = jax.random.normal(k2, (VOCAB, D_MODEL), dtype=jnp.float32) * 0.02
    pos_table = jax.random.normal(k3, (SEQ_LEN, D_MODEL), dtype=jnp.float32) * 0.02
    return {"x": x, "token_table": token_table, "pos_table": pos_table}

def reference(x, token_table, pos_table):
    # token_embed: embedding gather
    tok = jnp.take(token_table, x, axis=0)  # [B, S, D]
    # pos_embed: learned positional embedding added to token embeddings
    out = tok + pos_table[None, :x.shape[1], :]
    # dropout is identity in eval mode
    return out

if __name__ == "__main__":
    import jax
    _d = setup_inputs()
    print(jax.jit(kernel)(*tuple(_d.values())))

</pallas_src>

<mosaic_0001>
#map = affine_map<(d0, d1) -> (0, 0)>
#map1 = affine_map<(d0, d1) -> (0, 0, 0)>
module attributes {stable_mosaic.version = 14 : i64} {
  func.func @_emb_lookup(%arg0: i32, %arg1: i32, %arg2: memref<4x8192xi32, #tpu.memory_space<hbm>>, %arg3: memref<1000000x128xf32, #tpu.memory_space<hbm>>, %arg4: memref<8192x128xf32, #tpu.memory_space<hbm>>, %arg5: memref<4x8192x128xf32, #tpu.memory_space<hbm>>, %arg6: memref<4x256xi32, #tpu.memory_space<vmem>>, %arg7: memref<256x128xf32, #tpu.memory_space<vmem>>, %arg8: memref<5x128x128xf32, #tpu.memory_space<vmem>>, %arg9: memref<!tpu.dma_semaphore, #tpu.memory_space<semaphore_mem>>, %arg10: memref<!tpu.dma_semaphore, #tpu.memory_space<semaphore_mem>>, %arg11: memref<!tpu.dma_semaphore, #tpu.memory_space<semaphore_mem>>, %arg12: memref<!tpu.dma_semaphore, #tpu.memory_space<semaphore_mem>>, %arg13: memref<!tpu.dma_semaphore, #tpu.memory_space<semaphore_mem>>, %arg14: memref<!tpu.dma_semaphore, #tpu.memory_space<semaphore_mem>>, %arg15: memref<!tpu.dma_semaphore, #tpu.memory_space<semaphore_mem>>, %arg16: memref<!tpu.dma_semaphore, #tpu.memory_space<semaphore_mem>>, %arg17: memref<!tpu.dma_semaphore, #tpu.memory_space<semaphore_mem>>, %arg18: memref<!tpu.dma_semaphore, #tpu.memory_space<semaphore_mem>>, %arg19: memref<!tpu.dma_semaphore, #tpu.memory_space<semaphore_mem>>, %arg20: memref<!tpu.dma_semaphore, #tpu.memory_space<semaphore_mem>>) attributes {dimension_semantics = [#tpu.dimension_semantics<core_parallel>, #tpu.dimension_semantics<subcore_parallel>], iteration_bounds = array<i64: 2, 16>, scalar_prefetch = 0 : i64, scratch_operands = 15 : i64, tpu.core_type = #tpu.core_type<sc_vector_subcore>, window_params = [{transform_indices = #map}, {transform_indices = #map}, {transform_indices = #map}, {transform_indices = #map1}]} {
    %mul3A = arith.constant 2 : i32
    %mul3A_0 = arith.muli %arg1, %mul3A : i32
    %add3A = arith.addi %mul3A_0, %arg0 : i32
    %mul3A_1 = arith.constant 256 : i32
    %mul3A_2 = arith.muli %add3A, %mul3A_1 : i32
    %dma_start3A = arith.constant 0 : i32
    %dma_start3A_3 = tpu.memref_slice %arg2[%dma_start3A, %mul3A_2] : memref<4x8192xi32, #tpu.memory_space<hbm>> -> memref<4x256xi32, #tpu.memory_space<hbm>>
    %dma_start3A_4 = arith.constant 0 : i32
    %dma_start3A_5 = tpu.memref_slice %arg2[%dma_start3A_4, %mul3A_2] : memref<4x8192xi32, #tpu.memory_space<hbm>> -> memref<4x256xi32, #tpu.memory_space<hbm>>
    tpu.enqueue_dma source(%dma_start3A_5 : memref<4x256xi32, #tpu.memory_space<hbm>>) target(%arg6 : memref<4x256xi32, #tpu.memory_space<vmem>>) target_semaphore(%arg9 : memref<!tpu.dma_semaphore, #tpu.memory_space<semaphore_mem>>)
    %dma_start3A_6 = arith.constant 0 : i32
    %dma_start3A_7 = tpu.memref_slice %arg4[%mul3A_2, %dma_start3A_6] : memref<8192x128xf32, #tpu.memory_space<hbm>> -> memref<256x128xf32, #tpu.memory_space<hbm>>
    %dma_start3A_8 = arith.constant 0 : i32
    %dma_start3A_9 = tpu.memref_slice %arg4[%mul3A_2, %dma_start3A_8] : memref<8192x128xf32, #tpu.memory_space<hbm>> -> memref<256x128xf32, #tpu.memory_space<hbm>>
    tpu.enqueue_dma source(%dma_start3A_9 : memref<256x128xf32, #tpu.memory_space<hbm>>) target(%arg7 : memref<256x128xf32, #tpu.memory_space<vmem>>) target_semaphore(%arg10 : memref<!tpu.dma_semaphore, #tpu.memory_space<semaphore_mem>>)
    %dma_wait3A = arith.constant 0 : i32
    %dma_wait3A_10 = tpu.memref_slice %arg2[%dma_wait3A, %mul3A_2] : memref<4x8192xi32, #tpu.memory_space<hbm>> -> memref<4x256xi32, #tpu.memory_space<hbm>>
    %dma_wait3A_11 = arith.constant 0 : i32
    %dma_wait3A_12 = tpu.memref_slice %arg2[%dma_wait3A_11, %mul3A_2] : memref<4x8192xi32, #tpu.memory_space<hbm>> -> memref<4x256xi32, #tpu.memory_space<hbm>>
    tpu.wait_dma2 semaphore(%arg9 : memref<!tpu.dma_semaphore, #tpu.memory_space<semaphore_mem>>) src(%dma_wait3A_12 : memref<4x256xi32, #tpu.memory_space<hbm>>) dst(%arg6 : memref<4x256xi32, #tpu.memory_space<vmem>>)
    %dma_start3A_13 = arith.constant 0 : i32
    %dma_start3A_14 = arith.constant 0 : i32
    %dma_start3A_15 = arith.constant 0 : i32
    %dma_start3A_16 = arith.constant 0 : i32
    %dma_start3A_17 = tpu.memref_slice %arg8[%dma_start3A_14, %dma_start3A_15, %dma_start3A_16] : memref<5x128x128xf32, #tpu.memory_space<vmem>> -> memref<1x128x128xf32, #tpu.memory_space<vmem>>
    %dma_start3A_18 = tpu.memref_squeeze %dma_start3A_17 : memref<1x128x128xf32, #tpu.memory_space<vmem>> -> memref<128x128xf32, #tpu.memory_space<vmem>>
    %dma_start3A_19 = arith.constant 0 : i32
    %dma_start3A_20 = tpu.memref_slice %arg6[%dma_start3A_13, %dma_start3A_19] : memref<4x256xi32, #tpu.memory_space<vmem>> -> memref<1x128xi32, #tpu.memory_space<vmem>>
    %dma_start3A_21 = tpu.memref_squeeze %dma_start3A_20 : memref<1x128xi32, #tpu.memory_space<vmem>> -> memref<128xi32, #tpu.memory_space<vmem>>
    %dma_start3A_22 = arith.constant 0 : i32
    %dma_start3A_23 = arith.constant 0 : i32
    %dma_start3A_24 = tpu.memref_slice %arg3[%dma_start3A_22, %dma_start3A_23] : memref<1000000x128xf32, #tpu.memory_space<hbm>> -> memref<1000000x128xf32, #tpu.memory_space<hbm>>
    tpu.enqueue_indirect_dma source(%dma_start3A_24 : memref<1000000x128xf32, #tpu.memory_space<hbm>>) target(%dma_start3A_18 : memref<128x128xf32, #tpu.memory_space<vmem>>) offsets(%dma_start3A_21 : memref<128xi32, #tpu.memory_space<vmem>>) semaphore(%arg11 : memref<!tpu.dma_semaphore, #tpu.memory_space<semaphore_mem>>)
    %dma_start3A_25 = arith.constant 1 : i32
    %dma_start3A_26 = arith.constant 1 : i32
    %dma_start3A_27 = arith.constant 0 : i32
    %dma_start3A_28 = arith.constant 0 : i32
    %dma_start3A_29 = tpu.memref_slice %arg8[%dma_start3A_26, %dma_start3A_27, %dma_start3A_28] : memref<5x128x128xf32, #tpu.memory_space<vmem>> -> memref<1x128x128xf32, #tpu.memory_space<vmem>>
    %dma_start3A_30 = tpu.memref_squeeze %dma_start3A_29 : memref<1x128x128xf32, #tpu.memory_space<vmem>> -> memref<128x128xf32, #tpu.memory_space<vmem>>
    %dma_start3A_31 = arith.constant 0 : i32
    %dma_start3A_32 = tpu.memref_slice %arg6[%dma_start3A_25, %dma_start3A_31] : memref<4x256xi32, #tpu.memory_space<vmem>> -> memref<1x128xi32, #tpu.memory_space<vmem>>
    %dma_start3A_33 = tpu.memref_squeeze %dma_start3A_32 : memref<1x128xi32, #tpu.memory_space<vmem>> -> memref<128xi32, #tpu.memory_space<vmem>>
    %dma_start3A_34 = arith.constant 0 : i32
    %dma_start3A_35 = arith.constant 0 : i32
    %dma_start3A_36 = tpu.memref_slice %arg3[%dma_start3A_34, %dma_start3A_35] : memref<1000000x128xf32, #tpu.memory_space<hbm>> -> memref<1000000x128xf32, #tpu.memory_space<hbm>>
    tpu.enqueue_indirect_dma source(%dma_start3A_36 : memref<1000000x128xf32, #tpu.memory_space<hbm>>) target(%dma_start3A_30 : memref<128x128xf32, #tpu.memory_space<vmem>>) offsets(%dma_start3A_33 : memref<128xi32, #tpu.memory_space<vmem>>) semaphore(%arg12 : memref<!tpu.dma_semaphore, #tpu.memory_space<semaphore_mem>>)
    %dma_start3A_37 = arith.constant 2 : i32
    %dma_start3A_38 = arith.constant 2 : i32
    %dma_start3A_39 = arith.constant 0 : i32
    %dma_start3A_40 = arith.constant 0 : i32
    %dma_start3A_41 = tpu.memref_slice %arg8[%dma_start3A_38, %dma_start3A_39, %dma_start3A_40] : memref<5x128x128xf32, #tpu.memory_space<vmem>> -> memref<1x128x128xf32, #tpu.memory_space<vmem>>
    %dma_start3A_42 = tpu.memref_squeeze %dma_start3A_41 : memref<1x128x128xf32, #tpu.memory_space<vmem>> -> memref<128x128xf32, #tpu.memory_space<vmem>>
    %dma_start3A_43 = arith.constant 0 : i32
    %dma_start3A_44 = tpu.memref_slice %arg6[%dma_start3A_37, %dma_start3A_43] : memref<4x256xi32, #tpu.memory_space<vmem>> -> memref<1x128xi32, #tpu.memory_space<vmem>>
    %dma_start3A_45 = tpu.memref_squeeze %dma_start3A_44 : memref<1x128xi32, #tpu.memory_space<vmem>> -> memref<128xi32, #tpu.memory_space<vmem>>
    %dma_start3A_46 = arith.constant 0 : i32
    %dma_start3A_47 = arith.constant 0 : i32
    %dma_start3A_48 = tpu.memref_slice %arg3[%dma_start3A_46, %dma_start3A_47] : memref<1000000x128xf32, #tpu.memory_space<hbm>> -> memref<1000000x128xf32, #tpu.memory_space<hbm>>
    tpu.enqueue_indirect_dma source(%dma_start3A_48 : memref<1000000x128xf32, #tpu.memory_space<hbm>>) target(%dma_start3A_42 : memref<128x128xf32, #tpu.memory_space<vmem>>) offsets(%dma_start3A_45 : memref<128xi32, #tpu.memory_space<vmem>>) semaphore(%arg13 : memref<!tpu.dma_semaphore, #tpu.memory_space<semaphore_mem>>)
    %dma_wait3A_49 = arith.constant 0 : i32
    %dma_wait3A_50 = tpu.memref_slice %arg4[%mul3A_2, %dma_wait3A_49] : memref<8192x128xf32, #tpu.memory_space<hbm>> -> memref<256x128xf32, #tpu.memory_space<hbm>>
    %dma_wait3A_51 = arith.constant 0 : i32
    %dma_wait3A_52 = tpu.memref_slice %arg4[%mul3A_2, %dma_wait3A_51] : memref<8192x128xf32, #tpu.memory_space<hbm>> -> memref<256x128xf32, #tpu.memory_space<hbm>>
    tpu.wait_dma2 semaphore(%arg10 : memref<!tpu.dma_semaphore, #tpu.memory_space<semaphore_mem>>) src(%dma_wait3A_52 : memref<256x128xf32, #tpu.memory_space<hbm>>) dst(%arg7 : memref<256x128xf32, #tpu.memory_space<vmem>>)
    %dma_start3A_53 = arith.constant 3 : i32
    %dma_start3A_54 = arith.constant 3 : i32
    %dma_start3A_55 = arith.constant 0 : i32
    %dma_start3A_56 = arith.constant 0 : i32
    %dma_start3A_57 = tpu.memref_slice %arg8[%dma_start3A_54, %dma_start3A_55, %dma_start3A_56] : memref<5x128x128xf32, #tpu.memory_space<vmem>> -> memref<1x128x128xf32, #tpu.memory_space<vmem>>
    %dma_start3A_58 = tpu.memref_squeeze %dma_start3A_57 : memref<1x128x128xf32, #tpu.memory_space<vmem>> -> memref<128x128xf32, #tpu.memory_space<vmem>>
    %dma_start3A_59 = arith.constant 0 : i32
    %dma_start3A_60 = tpu.memref_slice %arg6[%dma_start3A_53, %dma_start3A_59] : memref<4x256xi32, #tpu.memory_space<vmem>> -> memref<1x128xi32, #tpu.memory_space<vmem>>
    %dma_start3A_61 = tpu.memref_squeeze %dma_start3A_60 : memref<1x128xi32, #tpu.memory_space<vmem>> -> memref<128xi32, #tpu.memory_space<vmem>>
    %dma_start3A_62 = arith.constant 0 : i32
    %dma_start3A_63 = arith.constant 0 : i32
    %dma_start3A_64 = tpu.memref_slice %arg3[%dma_start3A_62, %dma_start3A_63] : memref<1000000x128xf32, #tpu.memory_space<hbm>> -> memref<1000000x128xf32, #tpu.memory_space<hbm>>
    tpu.enqueue_indirect_dma source(%dma_start3A_64 : memref<1000000x128xf32, #tpu.memory_space<hbm>>) target(%dma_start3A_58 : memref<128x128xf32, #tpu.memory_space<vmem>>) offsets(%dma_start3A_61 : memref<128xi32, #tpu.memory_space<vmem>>) semaphore(%arg14 : memref<!tpu.dma_semaphore, #tpu.memory_space<semaphore_mem>>)
    %dma_wait3A_65 = arith.constant 0 : i32
    %dma_wait3A_66 = arith.constant 0 : i32
    %dma_wait3A_67 = arith.constant 0 : i32
    %dma_wait3A_68 = arith.constant 0 : i32
    %dma_wait3A_69 = tpu.memref_slice %arg8[%dma_wait3A_66, %dma_wait3A_67, %dma_wait3A_68] : memref<5x128x128xf32, #tpu.memory_space<vmem>> -> memref<1x128x128xf32, #tpu.memory_space<vmem>>
    %dma_wait3A_70 = tpu.memref_squeeze %dma_wait3A_69 : memref<1x128x128xf32, #tpu.memory_space<vmem>> -> memref<128x128xf32, #tpu.memory_space<vmem>>
    %dma_wait3A_71 = arith.constant 0 : i32
    %dma_wait3A_72 = tpu.memref_slice %arg6[%dma_wait3A_65, %dma_wait3A_71] : memref<4x256xi32, #tpu.memory_space<vmem>> -> memref<1x128xi32, #tpu.memory_space<vmem>>
    %dma_wait3A_73 = tpu.memref_squeeze %dma_wait3A_72 : memref<1x128xi32, #tpu.memory_space<vmem>> -> memref<128xi32, #tpu.memory_space<vmem>>
    %dma_wait3A_74 = arith.constant 0 : i32
    %dma_wait3A_75 = arith.constant 0 : i32
    %dma_wait3A_76 = tpu.memref_slice %arg3[%dma_wait3A_74, %dma_wait3A_75] : memref<1000000x128xf32, #tpu.memory_space<hbm>> -> memref<1000000x128xf32, #tpu.memory_space<hbm>>
    tpu.wait_indirect_dma semaphore(%arg11 : memref<!tpu.dma_semaphore, #tpu.memory_space<semaphore_mem>>) src(%dma_wait3A_76 : memref<1000000x128xf32, #tpu.memory_space<hbm>>) dst(%dma_wait3A_70 : memref<128x128xf32, #tpu.memory_space<vmem>>)
    %scan3A = arith.constant 0 : i32
    %scan3A_77 = arith.constant 0 : i32
    %scan3A_78 = arith.constant 0 : i32
    %scan3A_79 = arith.constant 128 : i32
    %scan3A_80 = arith.addi %scan3A_78, %scan3A_79 : i32
    %scan3A_81 = arith.constant 1 : i32
    scf.for %scan3A_709 = %scan3A_78 to %scan3A_80 step %scan3A_81  : i32 {
      %add3A_710 = arith.constant 0 : i32
      %add3A_711 = arith.addi %add3A_710, %scan3A_709 : i32
      %get3A = arith.index_cast %add3A_711 : i32 to index
      %get3A_712 = arith.constant 0 : index
      %get3A_713 = tpu.vector_load %arg7[%get3A, %get3A_712] {strides = array<i32>} : memref<256x128xf32, #tpu.memory_space<vmem>>, vector<1x16xf32>,
      %get3A_714 = vector.shape_cast %get3A_713 : vector<1x16xf32> to vector<16xf32>
      %swap3A = arith.constant 0 : i32
      %swap3A_715 = arith.constant 0 : i32
      %swap3A_716 = tpu.memref_slice %arg8[%scan3A_77, %swap3A, %swap3A_715] : memref<5x128x128xf32, #tpu.memory_space<vmem>> -> memref<1x128x128xf32, #tpu.memory_space<vmem>>
      %swap3A_717 = tpu.memref_squeeze %swap3A_716 : memref<1x128x128xf32, #tpu.memory_space<vmem>> -> memref<128x128xf32, #tpu.memory_space<vmem>>
      %swap3A_718 = arith.index_cast %scan3A_709 : i32 to index
      %swap3A_719 = arith.constant 0 : index
      %swap3A_720 = tpu.vector_load %swap3A_717[%swap3A_718, %swap3A_719] {strides = array<i32>} : memref<128x128xf32, #tpu.memory_space<vmem>>, vector<1x16xf32>,
      %swap3A_721 = vector.shape_cast %swap3A_720 : vector<1x16xf32> to vector<16xf32>
      %swap3A_722 = vector.shape_cast %get3A_714 : vector<16xf32> to vector<1x16xf32>
      tpu.vector_store %swap3A_717[%swap3A_718, %swap3A_719], %swap3A_722 {add = true, strides = array<i32>} : memref<128x128xf32, #tpu.memory_space<vmem>>, vector<1x16xf32>,
      %add3A_723 = arith.constant 0 : i32
      %add3A_724 = arith.addi %add3A_723, %scan3A_709 : i32
      %get3A_725 = arith.index_cast %add3A_724 : i32 to index
      %get3A_726 = arith.constant 16 : index
      %get3A_727 = tpu.vector_load %arg7[%get3A_725, %get3A_726] {strides = array<i32>} : memref<256x128xf32, #tpu.memory_space<vmem>>, vector<1x16xf32>,
      %get3A_728 = vector.shape_cast %get3A_727 : vector<1x16xf32> to vector<16xf32>
      %swap3A_729 = arith.constant 0 : i32
      %swap3A_730 = arith.constant 0 : i32
      %swap3A_731 = tpu.memref_slice %arg8[%scan3A_77, %swap3A_729, %swap3A_730] : memref<5x128x128xf32, #tpu.memory_space<vmem>> -> memref<1x128x128xf32, #tpu.memory_space<vmem>>
      %swap3A_732 = tpu.memref_squeeze %swap3A_731 : memref<1x128x128xf32, #tpu.memory_space<vmem>> -> memref<128x128xf32, #tpu.memory_space<vmem>>
      %swap3A_733 = arith.index_cast %scan3A_709 : i32 to index
      %swap3A_734 = arith.constant 16 : index
      %swap3A_735 = tpu.vector_load %swap3A_732[%swap3A_733, %swap3A_734] {strides = array<i32>} : memref<128x128xf32, #tpu.memory_space<vmem>>, vector<1x16xf32>,
      %swap3A_736 = vector.shape_cast %swap3A_735 : vector<1x16xf32> to vector<16xf32>
      %swap3A_737 = vector.shape_cast %get3A_728 : vector<16xf32> to vector<1x16xf32>
      tpu.vector_store %swap3A_732[%swap3A_733, %swap3A_734], %swap3A_737 {add = true, strides = array<i32>} : memref<128x128xf32, #tpu.memory_space<vmem>>, vector<1x16xf32>,
      %add3A_738 = arith.constant 0 : i32
      %add3A_739 = arith.addi %add3A_738, %scan3A_709 : i32
      %get3A_740 = arith.index_cast %add3A_739 : i32 to index
      %get3A_741 = arith.constant 32 : index
      %get3A_742 = tpu.vector_load %arg7[%get3A_740, %get3A_741] {strides = array<i32>} : memref<256x128xf32, #tpu.memory_space<vmem>>, vector<1x16xf32>,
      %get3A_743 = vector.shape_cast %get3A_742 : vector<1x16xf32> to vector<16xf32>
      %swap3A_744 = arith.constant 0 : i32
      %swap3A_745 = arith.constant 0 : i32
      %swap3A_746 = tpu.memref_slice %arg8[%scan3A_77, %swap3A_744, %swap3A_745] : memref<5x128x128xf32, #tpu.memory_space<vmem>> -> memref<1x128x128xf32, #tpu.memory_space<vmem>>
      %swap3A_747 = tpu.memref_squeeze %swap3A_746 : memref<1x128x128xf32, #tpu.memory_space<vmem>> -> memref<128x128xf32, #tpu.memory_space<vmem>>
      %swap3A_748 = arith.index_cast %scan3A_709 : i32 to index
      %swap3A_749 = arith.constant 32 : index
      %swap3A_750 = tpu.vector_load %swap3A_747[%swap3A_748, %swap3A_749] {strides = array<i32>} : memref<128x128xf32, #tpu.memory_space<vmem>>, vector<1x16xf32>,
      %swap3A_751 = vector.shape_cast %swap3A_750 : vector<1x16xf32> to vector<16xf32>
      %swap3A_752 = vector.shape_cast %get3A_743 : vector<16xf32> to vector<1x16xf32>
      tpu.vector_store %swap3A_747[%swap3A_748, %swap3A_749], %swap3A_752 {add = true, strides = array<i32>} : memref<128x128xf32, #tpu.memory_space<vmem>>, vector<1x16xf32>,
      %add3A_753 = arith.constant 0 : i32
      %add3A_754 = arith.addi %add3A_753, %scan3A_709 : i32
      %get3A_755 = arith.index_cast %add3A_754 : i32 to index
      %get3A_756 = arith.constant 48 : index
      %get3A_757 = tpu.vector_load %arg7[%get3A_755, %get3A_756] {strides = array<i32>} : memref<256x128xf32, #tpu.memory_space<vmem>>, vector<1x16xf32>,
      %get3A_758 = vector.shape_cast %get3A_757 : vector<1x16xf32> to vector<16xf32>
      %swap3A_759 = arith.constant 0 : i32
      %swap3A_760 = arith.constant 0 : i32
      %swap3A_761 = tpu.memref_slice %arg8[%scan3A_77, %swap3A_759, %swap3A_760] : memref<5x128x128xf32, #tpu.memory_space<vmem>> -> memref<1x128x128xf32, #tpu.memory_space<vmem>>
      %swap3A_762 = tpu.memref_squeeze %swap3A_761 : memref<1x128x128xf32, #tpu.memory_space<vmem>> -> memref<128x128xf32, #tpu.memory_space<vmem>>
      %swap3A_763 = arith.index_cast %scan3A_709 : i32 to index
      %swap3A_764 = arith.constant 48 : index
      %swap3A_765 = tpu.vector_load %swap3A_762[%swap3A_763, %swap3A_764] {strides = array<i32>} : memref<128x128xf32, #tpu.memory_space<vmem>>, vector<1x16xf32>,
      %swap3A_766 = vector.shape_cast %swap3A_765 : vector<1x16xf32> to vector<16xf32>
      %swap3A_767 = vector.shape_cast %get3A_758 : vector<16xf32> to vector<1x16xf32>
      tpu.vector_store %swap3A_762[%swap3A_763, %swap3A_764], %swap3A_767 {add = true, strides = array<i32>} : memref<128x128xf32, #tpu.memory_space<vmem>>, vector<1x16xf32>,
      %add3A_768 = arith.constant 0 : i32
      %add3A_769 = arith.addi %add3A_768, %scan3A_709 : i32
      %get3A_770 = arith.index_cast %add3A_769 : i32 to index
      %get3A_771 = arith.constant 64 : index
      %get3A_772 = tpu.vector_load %arg7[%get3A_770, %get3A_771] {strides = array<i32>} : memref<256x128xf32, #tpu.memory_space<vmem>>, vector<1x16xf32>,
      %get3A_773 = vector.shape_cast %get3A_772 : vector<1x16xf32> to vector<16xf32>
      %swap3A_774 = arith.constant 0 : i32
      %swap3A_775 = arith.constant 0 : i32
      %swap3A_776 = tpu.memref_slice %arg8[%scan3A_77, %swap3A_774, %swap3A_775] : memref<5x128x128xf32, #tpu.memory_space<vmem>> -> memref<1x128x128xf32, #tpu.memory_space<vmem>>
      %swap3A_777 = tpu.memref_squeeze %swap3A_776 : memref<1x128x128xf32, #tpu.memory_space<vmem>> -> memref<128x128xf32, #tpu.memory_space<vmem>>
      %swap3A_778 = arith.index_cast %scan3A_709 : i32 to index
      %swap3A_779 = arith.constant 64 : index
      %swap3A_780 = tpu.vector_load %swap3A_777[%swap3A_778, %swap3A_779] {strides = array<i32>} : memref<128x128xf32, #tpu.memory_space<vmem>>, vector<1x16xf32>,
      %swap3A_781 = vector.shape_cast %swap3A_780 : vector<1x16xf32> to vector<16xf32>
      %swap3A_782 = vector.shape_cast %get3A_773 : vector<16xf32> to vector<1x16xf32>
      tpu.vector_store %swap3A_777[%swap3A_778, %swap3A_779], %swap3A_782 {add = true, strides = array<i32>} : memref<128x128xf32, #tpu.memory_space<vmem>>, vector<1x16xf32>,
      %add3A_783 = arith.constant 0 : i32
      %add3A_784 = arith.addi %add3A_783, %scan3A_709 : i32
      %get3A_785 = arith.index_cast %add3A_784 : i32 to index
      %get3A_786 = arith.constant 80 : index
      %get3A_787 = tpu.vector_load %arg7[%get3A_785, %get3A_786] {strides = array<i32>} : memref<256x128xf32, #tpu.memory_space<vmem>>, vector<1x16xf32>,
      %get3A_788 = vector.shape_cast %get3A_787 : vector<1x16xf32> to vector<16xf32>
      %swap3A_789 = arith.constant 0 : i32
      %swap3A_790 = arith.constant 0 : i32
      %swap3A_791 = tpu.memref_slice %arg8[%scan3A_77, %swap3A_789, %swap3A_790] : memref<5x128x128xf32, #tpu.memory_space<vmem>> -> memref<1x128x128xf32, #tpu.memory_space<vmem>>
      %swap3A_792 = tpu.memref_squeeze %swap3A_791 : memref<1x128x128xf32, #tpu.memory_space<vmem>> -> memref<128x128xf32, #tpu.memory_space<vmem>>
      %swap3A_793 = arith.index_cast %scan3A_709 : i32 to index
      %swap3A_794 = arith.constant 80 : index
      %swap3A_795 = tpu.vector_load %swap3A_792[%swap3A_793, %swap3A_794] {strides = array<i32>} : memref<128x128xf32, #tpu.memory_space<vmem>>, vector<1x16xf32>,
      %swap3A_796 = vector.shape_cast %swap3A_795 : vector<1x16xf32> to vector<16xf32>
      %swap3A_797 = vector.shape_cast %get3A_788 : vector<16xf32> to vector<1x16xf32>
      tpu.vector_store %swap3A_792[%swap3A_793, %swap3A_794], %swap3A_797 {add = true, strides = array<i32>} : memref<128x128xf32, #tpu.memory_space<vmem>>, vector<1x16xf32>,
      %add3A_798 = arith.constant 0 : i32
      %add3A_799 = arith.addi %add3A_798, %scan3A_709 : i32
      %get3A_800 = arith.index_cast %add3A_799 : i32 to index
      %get3A_801 = arith.constant 96 : index
      %get3A_802 = tpu.vector_load %arg7[%get3A_800, %get3A_801] {strides = array<i32>} : memref<256x128xf32, #tpu.memory_space<vmem>>, vector<1x16xf32>,
      %get3A_803 = vector.shape_cast %get3A_802 : vector<1x16xf32> to vector<16xf32>
      %swap3A_804 = arith.constant 0 : i32
      %swap3A_805 = arith.constant 0 : i32
      %swap3A_806 = tpu.memref_slice %arg8[%scan3A_77, %swap3A_804, %swap3A_805] : memref<5x128x128xf32, #tpu.memory_space<vmem>> -> memref<1x128x128xf32, #tpu.memory_space<vmem>>
      %swap3A_807 = tpu.memref_squeeze %swap3A_806 : memref<1x128x128xf32, #tpu.memory_space<vmem>> -> memref<128x128xf32, #tpu.memory_space<vmem>>
      %swap3A_808 = arith.index_cast %scan3A_709 : i32 to index
      %swap3A_809 = arith.constant 96 : index
      %swap3A_810 = tpu.vector_load %swap3A_807[%swap3A_808, %swap3A_809] {strides = array<i32>} : memref<128x128xf32, #tpu.memory_space<vmem>>, vector<1x16xf32>,
      %swap3A_811 = vector.shape_cast %swap3A_810 : vector<1x16xf32> to vector<16xf32>
      %swap3A_812 = vector.shape_cast %get3A_803 : vector<16xf32> to vector<1x16xf32>
      tpu.vector_store %swap3A_807[%swap3A_808, %swap3A_809], %swap3A_812 {add = true, strides = array<i32>} : memref<128x128xf32, #tpu.memory_space<vmem>>, vector<1x16xf32>,
      %add3A_813 = arith.constant 0 : i32
      %add3A_814 = arith.addi %add3A_813, %scan3A_709 : i32
      %get3A_815 = arith.index_cast %add3A_814 : i32 to index
      %get3A_816 = arith.constant 112 : index
      %get3A_817 = tpu.vector_load %arg7[%get3A_815, %get3A_816] {strides = array<i32>} : memref<256x128xf32, #tpu.memory_space<vmem>>, vector<1x16xf32>,
      %get3A_818 = vector.shape_cast %get3A_817 : vector<1x16xf32> to vector<16xf32>
      %swap3A_819 = arith.constant 0 : i32
      %swap3A_820 = arith.constant 0 : i32
      %swap3A_821 = tpu.memref_slice %arg8[%scan3A_77, %swap3A_819, %swap3A_820] : memref<5x128x128xf32, #tpu.memory_space<vmem>> -> memref<1x128x128xf32, #tpu.memory_space<vmem>>
      %swap3A_822 = tpu.memref_squeeze %swap3A_821 : memref<1x128x128xf32, #tpu.memory_space<vmem>> -> memref<128x128xf32, #tpu.memory_space<vmem>>
      %swap3A_823 = arith.index_cast %scan3A_709 : i32 to index
      %swap3A_824 = arith.constant 112 : index
      %swap3A_825 = tpu.vector_load %swap3A_822[%swap3A_823, %swap3A_824] {strides = array<i32>} : memref<128x128xf32, #tpu.memory_space<vmem>>, vector<1x16xf32>,
      %swap3A_826 = vector.shape_cast %swap3A_825 : vector<1x16xf32> to vector<16xf32>
      %swap3A_827 = vector.shape_cast %get3A_818 : vector<16xf32> to vector<1x16xf32>
      tpu.vector_store %swap3A_822[%swap3A_823, %swap3A_824], %swap3A_827 {add = true, strides = array<i32>} : memref<128x128xf32, #tpu.memory_space<vmem>>, vector<1x16xf32>,
    }
    %scan3A_82 = arith.constant 128 : i32
    %add3A_83 = arith.constant 0 : i32
    %add3A_84 = arith.addi %mul3A_2, %add3A_83 : i32
    %dma_start3A_85 = arith.constant 0 : i32
    %dma_start3A_86 = arith.constant 0 : i32
    %dma_start3A_87 = arith.constant 0 : i32
    %dma_start3A_88 = arith.constant 0 : i32
    %dma_start3A_89 = tpu.memref_slice %arg8[%dma_start3A_85, %dma_start3A_87, %dma_start3A_88] : memref<5x128x128xf32, #tpu.memory_space<vmem>> -> memref<1x128x128xf32, #tpu.memory_space<vmem>>
    %dma_start3A_90 = tpu.memref_squeeze %dma_start3A_89 : memref<1x128x128xf32, #tpu.memory_space<vmem>> -> memref<128x128xf32, #tpu.memory_space<vmem>>
    %dma_start3A_91 = arith.constant 0 : i32
    %dma_start3A_92 = arith.constant 0 : i32
    %dma_start3A_93 = tpu.memref_slice %dma_start3A_90[%dma_start3A_91, %dma_start3A_92] : memref<128x128xf32, #tpu.memory_space<vmem>> -> memref<128x128xf32, #tpu.memory_space<vmem>>
    %dma_start3A_94 = arith.constant 0 : i32
    %dma_start3A_95 = tpu.memref_slice %arg5[%dma_start3A_86, %add3A_84, %dma_start3A_94] : memref<4x8192x128xf32, #tpu.memory_space<hbm>> -> memref<1x128x128xf32, #tpu.memory_space<hbm>>
    %dma_start3A_96 = tpu.memref_squeeze %dma_start3A_95 : memref<1x128x128xf32, #tpu.memory_space<hbm>> -> memref<128x128xf32, #tpu.memory_space<hbm>>
    %dma_start3A_97 = arith.constant 0 : i32
    %dma_start3A_98 = tpu.memref_slice %arg5[%dma_start3A_86, %add3A_84, %dma_start3A_97] : memref<4x8192x128xf32, #tpu.memory_space<hbm>> -> memref<1x128x128xf32, #tpu.memory_space<hbm>>
    %dma_start3A_99 = tpu.memref_squeeze %dma_start3A_98 : memref<1x128x128xf32, #tpu.memory_space<hbm>> -> memref<128x128xf32, #tpu.memory_space<hbm>>
    %dma_start3A_100 = arith.constant 0 : i32
    %dma_start3A_101 = arith.constant 0 : i32
    %dma_start3A_102 = tpu.memref_slice %arg8[%dma_start3A_85, %dma_start3A_100, %dma_start3A_101] : memref<5x128x128xf32, #tpu.memory_space<vmem>> -> memref<1x128x128xf32, #tpu.memory_space<vmem>>
    %dma_start3A_103 = tpu.memref_squeeze %dma_start3A_102 : memref<1x128x128xf32, #tpu.memory_space<vmem>> -> memref<128x128xf32, #tpu.memory_space<vmem>>
    %dma_start3A_104 = arith.constant 0 : i32
    %dma_start3A_105 = arith.constant 0 : i32
    %dma_start3A_106 = tpu.memref_slice %dma_start3A_103[%dma_start3A_104, %dma_start3A_105] : memref<128x128xf32, #tpu.memory_space<vmem>> -> memref<128x128xf32, #tpu.memory_space<vmem>>
    tpu.enqueue_dma source(%dma_start3A_106 : memref<128x128xf32, #tpu.memory_space<vmem>>) target(%dma_start3A_99 : memref<128x128xf32, #tpu.memory_space<hbm>>) target_semaphore(%arg16 : memref<!tpu.dma_semaphore, #tpu.memory_space<semaphore_mem>>)
    %dma_start3A_107 = arith.constant 0 : i32
    %dma_start3A_108 = arith.constant 4 : i32
    %dma_start3A_109 = arith.constant 0 : i32
    %dma_start3A_110 = arith.constant 0 : i32
    %dma_start3A_111 = tpu.memref_slice %arg8[%dma_start3A_108, %dma_start3A_109, %dma_start3A_110] : memref<5x128x128xf32, #tpu.memory_space<vmem>> -> memref<1x128x128xf32, #tpu.memory_space<vmem>>
    %dma_start3A_112 = tpu.memref_squeeze %dma_start3A_111 : memref<1x128x128xf32, #tpu.memory_space<vmem>> -> memref<128x128xf32, #tpu.memory_space<vmem>>
    %dma_start3A_113 = arith.constant 128 : i32
    %dma_start3A_114 = tpu.memref_slice %arg6[%dma_start3A_107, %dma_start3A_113] : memref<4x256xi32, #tpu.memory_space<vmem>> -> memref<1x128xi32, #tpu.memory_space<vmem>>
    %dma_start3A_115 = tpu.memref_squeeze %dma_start3A_114 : memref<1x128xi32, #tpu.memory_space<vmem>> -> memref<128xi32, #tpu.memory_space<vmem>>
    %dma_start3A_116 = arith.constant 0 : i32
    %dma_start3A_117 = arith.constant 0 : i32
    %dma_start3A_118 = tpu.memref_slice %arg3[%dma_start3A_116, %dma_start3A_117] : memref<1000000x128xf32, #tpu.memory_space<hbm>> -> memref<1000000x128xf32, #tpu.memory_space<hbm>>
    tpu.enqueue_indirect_dma source(%dma_start3A_118 : memref<1000000x128xf32, #tpu.memory_space<hbm>>) target(%dma_start3A_112 : memref<128x128xf32, #tpu.memory_space<vmem>>) offsets(%dma_start3A_115 : memref<128xi32, #tpu.memory_space<vmem>>) semaphore(%arg15 : memref<!tpu.dma_semaphore, #tpu.memory_space<semaphore_mem>>)
    %dma_wait3A_119 = arith.constant 1 : i32
    %dma_wait3A_120 = arith.constant 1 : i32
    %dma_wait3A_121 = arith.constant 0 : i32
    %dma_wait3A_122 = arith.constant 0 : i32
    %dma_wait3A_123 = tpu.memref_slice %arg8[%dma_wait3A_120, %dma_wait3A_121, %dma_wait3A_122] : memref<5x128x128xf32, #tpu.memory_space<vmem>> -> memref<1x128x128xf32, #tpu.memory_space<vmem>>
    %dma_wait3A_124 = tpu.memref_squeeze %dma_wait3A_123 : memref<1x128x128xf32, #tpu.memory_space<vmem>> -> memref<128x128xf32, #tpu.memory_space<vmem>>
    %dma_wait3A_125 = arith.constant 0 : i32
    %dma_wait3A_126 = tpu.memref_slice %arg6[%dma_wait3A_119, %dma_wait3A_125] : memref<4x256xi32, #tpu.memory_space<vmem>> -> memref<1x128xi32, #tpu.memory_space<vmem>>
    %dma_wait3A_127 = tpu.memref_squeeze %dma_wait3A_126 : memref<1x128xi32, #tpu.memory_space<vmem>> -> memref<128xi32, #tpu.memory_space<vmem>>
    %dma_wait3A_128 = arith.constant 0 : i32
    %dma_wait3A_129 = arith.constant 0 : i32
    %dma_wait3A_130 = tpu.memref_slice %arg3[%dma_wait3A_128, %dma_wait3A_129] : memref<1000000x128xf32, #tpu.memory_space<hbm>> -> memref<1000000x128xf32, #tpu.memory_space<hbm>>
    tpu.wait_indirect_dma semaphore(%arg12 : memref<!tpu.dma_semaphore, #tpu.memory_space<semaphore_mem>>) src(%dma_wait3A_130 : memref<1000000x128xf32, #tpu.memory_space<hbm>>) dst(%dma_wait3A_124 : memref<128x128xf32, #tpu.memory_space<vmem>>)
    %scan3A_131 = arith.constant 0 : i32
    %scan3A_132 = arith.constant 1 : i32
    %scan3A_133 = arith.constant 0 : i32
    %scan3A_134 = arith.constant 128 : i32
    %scan3A_135 = arith.addi %scan3A_133, %scan3A_134 : i32
    %scan3A_136 = arith.constant 1 : i32
    scf.for %scan3A_709 = %scan3A_133 to %scan3A_135 step %scan3A_136  : i32 {
      %add3A_710 = arith.constant 0 : i32
      %add3A_711 = arith.addi %add3A_710, %scan3A_709 : i32
      %get3A = arith.index_cast %add3A_711 : i32 to index
      %get3A_712 = arith.constant 0 : index
      %get3A_713 = tpu.vector_load %arg7[%get3A, %get3A_712] {strides = array<i32>} : memref<256x128xf32, #tpu.memory_space<vmem>>, vector<1x16xf32>,
      %get3A_714 = vector.shape_cast %get3A_713 : vector<1x16xf32> to vector<16xf32>
      %swap3A = arith.constant 0 : i32
      %swap3A_715 = arith.constant 0 : i32
      %swap3A_716 = tpu.memref_slice %arg8[%scan3A_132, %swap3A, %swap3A_715] : memref<5x128x128xf32, #tpu.memory_space<vmem>> -> memref<1x128x128xf32, #tpu.memory_space<vmem>>
      %swap3A_717 = tpu.memref_squeeze %swap3A_716 : memref<1x128x128xf32, #tpu.memory_space<vmem>> -> memref<128x128xf32, #tpu.memory_space<vmem>>
      %swap3A_718 = arith.index_cast %scan3A_709 : i32 to index
      %swap3A_719 = arith.constant 0 : index
      %swap3A_720 = tpu.vector_load %swap3A_717[%swap3A_718, %swap3A_719] {strides = array<i32>} : memref<128x128xf32, #tpu.memory_space<vmem>>, vector<1x16xf32>,
      %swap3A_721 = vector.shape_cast %swap3A_720 : vector<1x16xf32> to vector<16xf32>
      %swap3A_722 = vector.shape_cast %get3A_714 : vector<16xf32> to vector<1x16xf32>
      tpu.vector_store %swap3A_717[%swap3A_718, %swap3A_719], %swap3A_722 {add = true, strides = array<i32>} : memref<128x128xf32, #tpu.memory_space<vmem>>, vector<1x16xf32>,
      %add3A_723 = arith.constant 0 : i32
      %add3A_724 = arith.addi %add3A_723, %scan3A_709 : i32
      %get3A_725 = arith.index_cast %add3A_724 : i32 to index
      %get3A_726 = arith.constant 16 : index
      %get3A_727 = tpu.vector_load %arg7[%get3A_725, %get3A_726] {strides = array<i32>} : memref<256x128xf32, #tpu.memory_space<vmem>>, vector<1x16xf32>,
      %get3A_728 = vector.shape_cast %get3A_727 : vector<1x16xf32> to vector<16xf32>
      %swap3A_729 = arith.constant 0 : i32
      %swap3A_730 = arith.constant 0 : i32
      %swap3A_731 = tpu.memref_slice %arg8[%scan3A_132, %swap3A_729, %swap3A_730] : memref<5x128x128xf32, #tpu.memory_space<vmem>> -> memref<1x128x128xf32, #tpu.memory_space<vmem>>
      %swap3A_732 = tpu.memref_squeeze %swap3A_731 : memref<1x128x128xf32, #tpu.memory_space<vmem>> -> memref<128x128xf32, #tpu.memory_space<vmem>>
      %swap3A_733 = arith.index_cast %scan3A_709 : i32 to index
      %swap3A_734 = arith.constant 16 : index
      %swap3A_735 = tpu.vector_load %swap3A_732[%swap3A_733, %swap3A_734] {strides = array<i32>} : memref<128x128xf32, #tpu.memory_space<vmem>>, vector<1x16xf32>,
      %swap3A_736 = vector.shape_cast %swap3A_735 : vector<1x16xf32> to vector<16xf32>
      %swap3A_737 = vector.shape_cast %get3A_728 : vector<16xf32> to vector<1x16xf32>
      tpu.vector_store %swap3A_732[%swap3A_733, %swap3A_734], %swap3A_737 {add = true, strides = array<i32>} : memref<128x128xf32, #tpu.memory_space<vmem>>, vector<1x16xf32>,
      %add3A_738 = arith.constant 0 : i32
      %add3A_739 = arith.addi %add3A_738, %scan3A_709 : i32
      %get3A_740 = arith.index_cast %add3A_739 : i32 to index
      %get3A_741 = arith.constant 32 : index
      %get3A_742 = tpu.vector_load %arg7[%get3A_740, %get3A_741] {strides = array<i32>} : memref<256x128xf32, #tpu.memory_space<vmem>>, vector<1x16xf32>,
      %get3A_743 = vector.shape_cast %get3A_742 : vector<1x16xf32> to vector<16xf32>
      %swap3A_744 = arith.constant 0 : i32
      %swap3A_745 = arith.constant 0 : i32
      %swap3A_746 = tpu.memref_slice %arg8[%scan3A_132, %swap3A_744, %swap3A_745] : memref<5x128x128xf32, #tpu.memory_space<vmem>> -> memref<1x128x128xf32, #tpu.memory_space<vmem>>
      %swap3A_747 = tpu.memref_squeeze %swap3A_746 : memref<1x128x128xf32, #tpu.memory_space<vmem>> -> memref<128x128xf32, #tpu.memory_space<vmem>>
      %swap3A_748 = arith.index_cast %scan3A_709 : i32 to index
      %swap3A_749 = arith.constant 32 : index
      %swap3A_750 = tpu.vector_load %swap3A_747[%swap3A_748, %swap3A_749] {strides = array<i32>} : memref<128x128xf32, #tpu.memory_space<vmem>>, vector<1x16xf32>,
      %swap3A_751 = vector.shape_cast %swap3A_750 : vector<1x16xf32> to vector<16xf32>
      %swap3A_752 = vector.shape_cast %get3A_743 : vector<16xf32> to vector<1x16xf32>
      tpu.vector_store %swap3A_747[%swap3A_748, %swap3A_749], %swap3A_752 {add = true, strides = array<i32>} : memref<128x128xf32, #tpu.memory_space<vmem>>, vector<1x16xf32>,
      %add3A_753 = arith.constant 0 : i32
      %add3A_754 = arith.addi %add3A_753, %scan3A_709 : i32
      %get3A_755 = arith.index_cast %add3A_754 : i32 to index
      %get3A_756 = arith.constant 48 : index
      %get3A_757 = tpu.vector_load %arg7[%get3A_755, %get3A_756] {strides = array<i32>} : memref<256x128xf32, #tpu.memory_space<vmem>>, vector<1x16xf32>,
      %get3A_758 = vector.shape_cast %get3A_757 : vector<1x16xf32> to vector<16xf32>
      %swap3A_759 = arith.constant 0 : i32
      %swap3A_760 = arith.constant 0 : i32
      %swap3A_761 = tpu.memref_slice %arg8[%scan3A_132, %swap3A_759, %swap3A_760] : memref<5x128x128xf32, #tpu.memory_space<vmem>> -> memref<1x128x128xf32, #tpu.memory_space<vmem>>
      %swap3A_762 = tpu.memref_squeeze %swap3A_761 : memref<1x128x128xf32, #tpu.memory_space<vmem>> -> memref<128x128xf32, #tpu.memory_space<vmem>>
      %swap3A_763 = arith.index_cast %scan3A_709 : i32 to index
      %swap3A_764 = arith.constant 48 : index
      %swap3A_765 = tpu.vector_load %swap3A_762[%swap3A_763, %swap3A_764] {strides = array<i32>} : memref<128x128xf32, #tpu.memory_space<vmem>>, vector<1x16xf32>,
      %swap3A_766 = vector.shape_cast %swap3A_765 : vector<1x16xf32> to vector<16xf32>
      %swap3A_767 = vector.shape_cast %get3A_758 : vector<16xf32> to vector<1x16xf32>
      tpu.vector_store %swap3A_762[%swap3A_763, %swap3A_764], %swap3A_767 {add = true, strides = array<i32>} : memref<128x128xf32, #tpu.memory_space<vmem>>, vector<1x16xf32>,
      %add3A_768 = arith.constant 0 : i32
      %add3A_769 = arith.addi %add3A_768, %scan3A_709 : i32
      %get3A_770 = arith.index_cast %add3A_769 : i32 to index
      %get3A_771 = arith.constant 64 : index
      %get3A_772 = tpu.vector_load %arg7[%get3A_770, %get3A_771] {strides = array<i32>} : memref<256x128xf32, #tpu.memory_space<vmem>>, vector<1x16xf32>,
      %get3A_773 = vector.shape_cast %get3A_772 : vector<1x16xf32> to vector<16xf32>
      %swap3A_774 = arith.constant 0 : i32
      %swap3A_775 = arith.constant 0 : i32
      %swap3A_776 = tpu.memref_slice %arg8[%scan3A_132, %swap3A_774, %swap3A_775] : memref<5x128x128xf32, #tpu.memory_space<vmem>> -> memref<1x128x128xf32, #tpu.memory_space<vmem>>
      %swap3A_777 = tpu.memref_squeeze %swap3A_776 : memref<1x128x128xf32, #tpu.memory_space<vmem>> -> memref<128x128xf32, #tpu.memory_space<vmem>>
      %swap3A_778 = arith.index_cast %scan3A_709 : i32 to index
      %swap3A_779 = arith.constant 64 : index
      %swap3A_780 = tpu.vector_load %swap3A_777[%swap3A_778, %swap3A_779] {strides = array<i32>} : memref<128x128xf32, #tpu.memory_space<vmem>>, vector<1x16xf32>,
      %swap3A_781 = vector.shape_cast %swap3A_780 : vector<1x16xf32> to vector<16xf32>
      %swap3A_782 = vector.shape_cast %get3A_773 : vector<16xf32> to vector<1x16xf32>
      tpu.vector_store %swap3A_777[%swap3A_778, %swap3A_779], %swap3A_782 {add = true, strides = array<i32>} : memref<128x128xf32, #tpu.memory_space<vmem>>, vector<1x16xf32>,
      %add3A_783 = arith.constant 0 : i32
      %add3A_784 = arith.addi %add3A_783, %scan3A_709 : i32
      %get3A_785 = arith.index_cast %add3A_784 : i32 to index
      %get3A_786 = arith.constant 80 : index
      %get3A_787 = tpu.vector_load %arg7[%get3A_785, %get3A_786] {strides = array<i32>} : memref<256x128xf32, #tpu.memory_space<vmem>>, vector<1x16xf32>,
      %get3A_788 = vector.shape_cast %get3A_787 : vector<1x16xf32> to vector<16xf32>
      %swap3A_789 = arith.constant 0 : i32
      %swap3A_790 = arith.constant 0 : i32
      %swap3A_791 = tpu.memref_slice %arg8[%scan3A_132, %swap3A_789, %swap3A_790] : memref<5x128x128xf32, #tpu.memory_space<vmem>> -> memref<1x128x128xf32, #tpu.memory_space<vmem>>
      %swap3A_792 = tpu.memref_squeeze %swap3A_791 : memref<1x128x128xf32, #tpu.memory_space<vmem>> -> memref<128x128xf32, #tpu.memory_space<vmem>>
      %swap3A_793 = arith.index_cast %scan3A_709 : i32 to index
      %swap3A_794 = arith.constant 80 : index
      %swap3A_795 = tpu.vector_load %swap3A_792[%swap3A_793, %swap3A_794] {strides = array<i32>} : memref<128x128xf32, #tpu.memory_space<vmem>>, vector<1x16xf32>,
      %swap3A_796 = vector.shape_cast %swap3A_795 : vector<1x16xf32> to vector<16xf32>
      %swap3A_797 = vector.shape_cast %get3A_788 : vector<16xf32> to vector<1x16xf32>
      tpu.vector_store %swap3A_792[%swap3A_793, %swap3A_794], %swap3A_797 {add = true, strides = array<i32>} : memref<128x128xf32, #tpu.memory_space<vmem>>, vector<1x16xf32>,
      %add3A_798 = arith.constant 0 : i32
      %add3A_799 = arith.addi %add3A_798, %scan3A_709 : i32
      %get3A_800 = arith.index_cast %add3A_799 : i32 to index
      %get3A_801 = arith.constant 96 : index
      %get3A_802 = tpu.vector_load %arg7[%get3A_800, %get3A_801] {strides = array<i32>} : memref<256x128xf32, #tpu.memory_space<vmem>>, vector<1x16xf32>,
      %get3A_803 = vector.shape_cast %get3A_802 : vector<1x16xf32> to vector<16xf32>
      %swap3A_804 = arith.constant 0 : i32
      %swap3A_805 = arith.constant 0 : i32
      %swap3A_806 = tpu.memref_slice %arg8[%scan3A_132, %swap3A_804, %swap3A_805] : memref<5x128x128xf32, #tpu.memory_space<vmem>> -> memref<1x128x128xf32, #tpu.memory_space<vmem>>
      %swap3A_807 = tpu.memref_squeeze %swap3A_806 : memref<1x128x128xf32, #tpu.memory_space<vmem>> -> memref<128x128xf32, #tpu.memory_space<vmem>>
      %swap3A_808 = arith.index_cast %scan3A_709 : i32 to index
      %swap3A_809 = arith.constant 96 : index
      %swap3A_810 = tpu.vector_load %swap3A_807[%swap3A_808, %swap3A_809] {strides = array<i32>} : memref<128x128xf32, #tpu.memory_space<vmem>>, vector<1x16xf32>,
      %swap3A_811 = vector.shape_cast %swap3A_810 : vector<1x16xf32> to vector<16xf32>
      %swap3A_812 = vector.shape_cast %get3A_803 : vector<16xf32> to vector<1x16xf32>
      tpu.vector_store %swap3A_807[%swap3A_808, %swap3A_809], %swap3A_812 {add = true, strides = array<i32>} : memref<128x128xf32, #tpu.memory_space<vmem>>, vector<1x16xf32>,
      %add3A_813 = arith.constant 0 : i32
      %add3A_814 = arith.addi %add3A_813, %scan3A_709 : i32
      %get3A_815 = arith.index_cast %add3A_814 : i32 to index
      %get3A_816 = arith.constant 112 : index
      %get3A_817 = tpu.vector_load %arg7[%get3A_815, %get3A_816] {strides = array<i32>} : memref<256x128xf32, #tpu.memory_space<vmem>>, vector<1x16xf32>,
      %get3A_818 = vector.shape_cast %get3A_817 : vector<1x16xf32> to vector<16xf32>
      %swap3A_819 = arith.constant 0 : i32
      %swap3A_820 = arith.constant 0 : i32
      %swap3A_821 = tpu.memref_slice %arg8[%scan3A_132, %swap3A_819, %swap3A_820] : memref<5x128x128xf32, #tpu.memory_space<vmem>> -> memref<1x128x128xf32, #tpu.memory_space<vmem>>
      %swap3A_822 = tpu.memref_squeeze %swap3A_821 : memref<1x128x128xf32, #tpu.memory_space<vmem>> -> memref<128x128xf32, #tpu.memory_space<vmem>>
      %swap3A_823 = arith.index_cast %scan3A_709 : i32 to index
      %swap3A_824 = arith.constant 112 : index
      %swap3A_825 = tpu.vector_load %swap3A_822[%swap3A_823, %swap3A_824] {strides = array<i32>} : memref<128x128xf32, #tpu.memory_space<vmem>>, vector<1x16xf32>,
      %swap3A_826 = vector.shape_cast %swap3A_825 : vector<1x16xf32> to vector<16xf32>
      %swap3A_827 = vector.shape_cast %get3A_818 : vector<16xf32> to vector<1x16xf32>
      tpu.vector_store %swap3A_822[%swap3A_823, %swap3A_824], %swap3A_827 {add = true, strides = array<i32>} : memref<128x128xf32, #tpu.memory_space<vmem>>, vector<1x16xf32>,
    }
    %scan3A_137 = arith.constant 128 : i32
    %add3A_138 = arith.constant 0 : i32
    %add3A_139 = arith.addi %mul3A_2, %add3A_138 : i32
    %dma_start3A_140 = arith.constant 1 : i32
    %dma_start3A_141 = arith.constant 1 : i32
    %dma_start3A_142 = arith.constant 0 : i32
    %dma_start3A_143 = arith.constant 0 : i32
    %dma_start3A_144 = tpu.memref_slice %arg8[%dma_start3A_140, %dma_start3A_142, %dma_start3A_143] : memref<5x128x128xf32, #tpu.memory_space<vmem>> -> memref<1x128x128xf32, #tpu.memory_space<vmem>>
    %dma_start3A_145 = tpu.memref_squeeze %dma_start3A_144 : memref<1x128x128xf32, #tpu.memory_space<vmem>> -> memref<128x128xf32, #tpu.memory_space<vmem>>
    %dma_start3A_146 = arith.constant 0 : i32
    %dma_start3A_147 = arith.constant 0 : i32
    %dma_start3A_148 = tpu.memref_slice %dma_start3A_145[%dma_start3A_146, %dma_start3A_147] : memref<128x128xf32, #tpu.memory_space<vmem>> -> memref<128x128xf32, #tpu.memory_space<vmem>>
    %dma_start3A_149 = arith.constant 0 : i32
    %dma_start3A_150 = tpu.memref_slice %arg5[%dma_start3A_141, %add3A_139, %dma_start3A_149] : memref<4x8192x128xf32, #tpu.memory_space<hbm>> -> memref<1x128x128xf32, #tpu.memory_space<hbm>>
    %dma_start3A_151 = tpu.memref_squeeze %dma_start3A_150 : memref<1x128x128xf32, #tpu.memory_space<hbm>> -> memref<128x128xf32, #tpu.memory_space<hbm>>
    %dma_start3A_152 = arith.constant 0 : i32
    %dma_start3A_153 = tpu.memref_slice %arg5[%dma_start3A_141, %add3A_139, %dma_start3A_152] : memref<4x8192x128xf32, #tpu.memory_space<hbm>> -> memref<1x128x128xf32, #tpu.memory_space<hbm>>
    %dma_start3A_154 = tpu.memref_squeeze %dma_start3A_153 : memref<1x128x128xf32, #tpu.memory_space<hbm>> -> memref<128x128xf32, #tpu.memory_space<hbm>>
    %dma_start3A_155 = arith.constant 0 : i32
    %dma_start3A_156 = arith.constant 0 : i32
    %dma_start3A_157 = tpu.memref_slice %arg8[%dma_start3A_140, %dma_start3A_155, %dma_start3A_156] : memref<5x128x128xf32, #tpu.memory_space<vmem>> -> memref<1x128x128xf32, #tpu.memory_space<vmem>>
    %dma_start3A_158 = tpu.memref_squeeze %dma_start3A_157 : memref<1x128x128xf32, #tpu.memory_space<vmem>> -> memref<128x128xf32, #tpu.memory_space<vmem>>
    %dma_start3A_159 = arith.constant 0 : i32
    %dma_start3A_160 = arith.constant 0 : i32
    %dma_start3A_161 = tpu.memref_slice %dma_start3A_158[%dma_start3A_159, %dma_start3A_160] : memref<128x128xf32, #tpu.memory_space<vmem>> -> memref<128x128xf32, #tpu.memory_space<vmem>>
    tpu.enqueue_dma source(%dma_start3A_161 : memref<128x128xf32, #tpu.memory_space<vmem>>) target(%dma_start3A_154 : memref<128x128xf32, #tpu.memory_space<hbm>>) target_semaphore(%arg17 : memref<!tpu.dma_semaphore, #tpu.memory_space<semaphore_mem>>)
    %dma_wait3A_162 = arith.constant 0 : i32
    %dma_wait3A_163 = arith.constant 0 : i32
    %dma_wait3A_164 = arith.constant 0 : i32
    %dma_wait3A_165 = arith.constant 0 : i32
    %dma_wait3A_166 = tpu.memref_slice %arg8[%dma_wait3A_162, %dma_wait3A_164, %dma_wait3A_165] : memref<5x128x128xf32, #tpu.memory_space<vmem>> -> memref<1x128x128xf32, #tpu.memory_space<vmem>>
    %dma_wait3A_167 = tpu.memref_squeeze %dma_wait3A_166 : memref<1x128x128xf32, #tpu.memory_space<vmem>> -> memref<128x128xf32, #tpu.memory_space<vmem>>
    %dma_wait3A_168 = arith.constant 0 : i32
    %dma_wait3A_169 = arith.constant 0 : i32
    %dma_wait3A_170 = tpu.memref_slice %dma_wait3A_167[%dma_wait3A_168, %dma_wait3A_169] : memref<128x128xf32, #tpu.memory_space<vmem>> -> memref<128x128xf32, #tpu.memory_space<vmem>>
    %dma_wait3A_171 = arith.constant 0 : i32
    %dma_wait3A_172 = tpu.memref_slice %arg5[%dma_wait3A_163, %add3A_84, %dma_wait3A_171] : memref<4x8192x128xf32, #tpu.memory_space<hbm>> -> memref<1x128x128xf32, #tpu.memory_space<hbm>>
    %dma_wait3A_173 = tpu.memref_squeeze %dma_wait3A_172 : memref<1x128x128xf32, #tpu.memory_space<hbm>> -> memref<128x128xf32, #tpu.memory_space<hbm>>
    %dma_wait3A_174 = arith.constant 0 : i32
    %dma_wait3A_175 = tpu.memref_slice %arg5[%dma_wait3A_163, %add3A_84, %dma_wait3A_174] : memref<4x8192x128xf32, #tpu.memory_space<hbm>> -> memref<1x128x128xf32, #tpu.memory_space<hbm>>
    %dma_wait3A_176 = tpu.memref_squeeze %dma_wait3A_175 : memref<1x128x128xf32, #tpu.memory_space<hbm>> -> memref<128x128xf32, #tpu.memory_space<hbm>>
    %dma_wait3A_177 = arith.constant 0 : i32
    %dma_wait3A_178 = arith.constant 0 : i32
    %dma_wait3A_179 = tpu.memref_slice %arg8[%dma_wait3A_162, %dma_wait3A_177, %dma_wait3A_178] : memref<5x128x128xf32, #tpu.memory_space<vmem>> -> memref<1x128x128xf32, #tpu.memory_space<vmem>>
    %dma_wait3A_180 = tpu.memref_squeeze %dma_wait3A_179 : memref<1x128x128xf32, #tpu.memory_space<vmem>> -> memref<128x128xf32, #tpu.memory_space<vmem>>
    %dma_wait3A_181 = arith.constant 0 : i32
    %dma_wait3A_182 = arith.constant 0 : i32
    %dma_wait3A_183 = tpu.memref_slice %dma_wait3A_180[%dma_wait3A_181, %dma_wait3A_182] : memref<128x128xf32, #tpu.memory_space<vmem>> -> memref<128x128xf32, #tpu.memory_space<vmem>>
    tpu.wait_dma2 semaphore(%arg16 : memref<!tpu.dma_semaphore, #tpu.memory_space<semaphore_mem>>) src(%dma_wait3A_183 : memref<128x128xf32, #tpu.memory_space<vmem>>) dst(%dma_wait3A_176 : memref<128x128xf32, #tpu.memory_space<hbm>>)
    %dma_start3A_184 = arith.constant 1 : i32
    %dma_start3A_185 = arith.constant 0 : i32
    %dma_start3A_186 = arith.constant 0 : i32
    %dma_start3A_187 = arith.constant 0 : i32
    %dma_start3A_188 = tpu.memref_slice %arg8[%dma_start3A_185, %dma_start3A_186, %dma_start3A_187] : memref<5x128x128xf32, #tpu.memory_space<vmem>> -> memref<1x128x128xf32, #tpu.memory_space<vmem>>
    %dma_start3A_189 = tpu.memref_squeeze %dma_start3A_188 : memref<1x128x128xf32, #tpu.memory_space<vmem>> -> memref<128x128xf32, #tpu.memory_space<vmem>>
    %dma_start3A_190 = arith.constant 128 : i32
    %dma_start3A_191 = tpu.memref_slice %arg6[%dma_start3A_184, %dma_start3A_190] : memref<4x256xi32, #tpu.memory_space<vmem>> -> memref<1x128xi32, #tpu.memory_space<vmem>>
    %dma_start3A_192 = tpu.memref_squeeze %dma_start3A_191 : memref<1x128xi32, #tpu.memory_space<vmem>> -> memref<128xi32, #tpu.memory_space<vmem>>
    %dma_start3A_193 = arith.constant 0 : i32
    %dma_start3A_194 = arith.constant 0 : i32
    %dma_start3A_195 = tpu.memref_slice %arg3[%dma_start3A_193, %dma_start3A_194] : memref<1000000x128xf32, #tpu.memory_space<hbm>> -> memref<1000000x128xf32, #tpu.memory_space<hbm>>
    tpu.enqueue_indirect_dma source(%dma_start3A_195 : memref<1000000x128xf32, #tpu.memory_space<hbm>>) target(%dma_start3A_189 : memref<128x128xf32, #tpu.memory_space<vmem>>) offsets(%dma_start3A_192 : memref<128xi32, #tpu.memory_space<vmem>>) semaphore(%arg11 : memref<!tpu.dma_semaphore, #tpu.memory_space<semaphore_mem>>)
    %dma_wait3A_196 = arith.constant 2 : i32
    %dma_wait3A_197 = arith.constant 2 : i32
    %dma_wait3A_198 = arith.constant 0 : i32
    %dma_wait3A_199 = arith.constant 0 : i32
    %dma_wait3A_200 = tpu.memref_slice %arg8[%dma_wait3A_197, %dma_wait3A_198, %dma_wait3A_199] : memref<5x128x128xf32, #tpu.memory_space<vmem>> -> memref<1x128x128xf32, #tpu.memory_space<vmem>>
    %dma_wait3A_201 = tpu.memref_squeeze %dma_wait3A_200 : memref<1x128x128xf32, #tpu.memory_space<vmem>> -> memref<128x128xf32, #tpu.memory_space<vmem>>
    %dma_wait3A_202 = arith.constant 0 : i32
    %dma_wait3A_203 = tpu.memref_slice %arg6[%dma_wait3A_196, %dma_wait3A_202] : memref<4x256xi32, #tpu.memory_space<vmem>> -> memref<1x128xi32, #tpu.memory_space<vmem>>
    %dma_wait3A_204 = tpu.memref_squeeze %dma_wait3A_203 : memref<1x128xi32, #tpu.memory_space<vmem>> -> memref<128xi32, #tpu.memory_space<vmem>>
    %dma_wait3A_205 = arith.constant 0 : i32
    %dma_wait3A_206 = arith.constant 0 : i32
    %dma_wait3A_207 = tpu.memref_slice %arg3[%dma_wait3A_205, %dma_wait3A_206] : memref<1000000x128xf32, #tpu.memory_space<hbm>> -> memref<1000000x128xf32, #tpu.memory_space<hbm>>
    tpu.wait_indirect_dma semaphore(%arg13 : memref<!tpu.dma_semaphore, #tpu.memory_space<semaphore_mem>>) src(%dma_wait3A_207 : memref<1000000x128xf32, #tpu.memory_space<hbm>>) dst(%dma_wait3A_201 : memref<128x128xf32, #tpu.memory_space<vmem>>)
    %scan3A_208 = arith.constant 0 : i32
    %scan3A_209 = arith.constant 2 : i32
    %scan3A_210 = arith.constant 0 : i32
    %scan3A_211 = arith.constant 128 : i32
    %scan3A_212 = arith.addi %scan3A_210, %scan3A_211 : i32
    %scan3A_213 = arith.constant 1 : i32
    scf.for %scan3A_709 = %scan3A_210 to %scan3A_212 step %scan3A_213  : i32 {
      %add3A_710 = arith.constant 0 : i32
      %add3A_711 = arith.addi %add3A_710, %scan3A_709 : i32
      %get3A = arith.index_cast %add3A_711 : i32 to index
      %get3A_712 = arith.constant 0 : index
      %get3A_713 = tpu.vector_load %arg7[%get3A, %get3A_712] {strides = array<i32>} : memref<256x128xf32, #tpu.memory_space<vmem>>, vector<1x16xf32>,
      %get3A_714 = vector.shape_cast %get3A_713 : vector<1x16xf32> to vector<16xf32>
      %swap3A = arith.constant 0 : i32
      %swap3A_715 = arith.constant 0 : i32
      %swap3A_716 = tpu.memref_slice %arg8[%scan3A_209, %swap3A, %swap3A_715] : memref<5x128x128xf32, #tpu.memory_space<vmem>> -> memref<1x128x128xf32, #tpu.memory_space<vmem>>
      %swap3A_717 = tpu.memref_squeeze %swap3A_716 : memref<1x128x128xf32, #tpu.memory_space<vmem>> -> memref<128x128xf32, #tpu.memory_space<vmem>>
      %swap3A_718 = arith.index_cast %scan3A_709 : i32 to index
      %swap3A_719 = arith.constant 0 : index
      %swap3A_720 = tpu.vector_load %swap3A_717[%swap3A_718, %swap3A_719] {strides = array<i32>} : memref<128x128xf32, #tpu.memory_space<vmem>>, vector<1x16xf32>,
      %swap3A_721 = vector.shape_cast %swap3A_720 : vector<1x16xf32> to vector<16xf32>
      %swap3A_722 = vector.shape_cast %get3A_714 : vector<16xf32> to vector<1x16xf32>
      tpu.vector_store %swap3A_717[%swap3A_718, %swap3A_719], %swap3A_722 {add = true, strides = array<i32>} : memref<128x128xf32, #tpu.memory_space<vmem>>, vector<1x16xf32>,
      %add3A_723 = arith.constant 0 : i32
      %add3A_724 = arith.addi %add3A_723, %scan3A_709 : i32
      %get3A_725 = arith.index_cast %add3A_724 : i32 to index
      %get3A_726 = arith.constant 16 : index
      %get3A_727 = tpu.vector_load %arg7[%get3A_725, %get3A_726] {strides = array<i32>} : memref<256x128xf32, #tpu.memory_space<vmem>>, vector<1x16xf32>,
      %get3A_728 = vector.shape_cast %get3A_727 : vector<1x16xf32> to vector<16xf32>
      %swap3A_729 = arith.constant 0 : i32
      %swap3A_730 = arith.constant 0 : i32
      %swap3A_731 = tpu.memref_slice %arg8[%scan3A_209, %swap3A_729, %swap3A_730] : memref<5x128x128xf32, #tpu.memory_space<vmem>> -> memref<1x128x128xf32, #tpu.memory_space<vmem>>
      %swap3A_732 = tpu.memref_squeeze %swap3A_731 : memref<1x128x128xf32, #tpu.memory_space<vmem>> -> memref<128x128xf32, #tpu.memory_space<vmem>>
      %swap3A_733 = arith.index_cast %scan3A_709 : i32 to index
      %swap3A_734 = arith.constant 16 : index
      %swap3A_735 = tpu.vector_load %swap3A_732[%swap3A_733, %swap3A_734] {strides = array<i32>} : memref<128x128xf32, #tpu.memory_space<vmem>>, vector<1x16xf32>,
      %swap3A_736 = vector.shape_cast %swap3A_735 : vector<1x16xf32> to vector<16xf32>
      %swap3A_737 = vector.shape_cast %get3A_728 : vector<16xf32> to vector<1x16xf32>
      tpu.vector_store %swap3A_732[%swap3A_733, %swap3A_734], %swap3A_737 {add = true, strides = array<i32>} : memref<128x128xf32, #tpu.memory_space<vmem>>, vector<1x16xf32>,
      %add3A_738 = arith.constant 0 : i32
      %add3A_739 = arith.addi %add3A_738, %scan3A_709 : i32
      %get3A_740 = arith.index_cast %add3A_739 : i32 to index
      %get3A_741 = arith.constant 32 : index
      %get3A_742 = tpu.vector_load %arg7[%get3A_740, %get3A_741] {strides = array<i32>} : memref<256x128xf32, #tpu.memory_space<vmem>>, vector<1x16xf32>,
      %get3A_743 = vector.shape_cast %get3A_742 : vector<1x16xf32> to vector<16xf32>
      %swap3A_744 = arith.constant 0 : i32
      %swap3A_745 = arith.constant 0 : i32
      %swap3A_746 = tpu.memref_slice %arg8[%scan3A_209, %swap3A_744, %swap3A_745] : memref<5x128x128xf32, #tpu.memory_space<vmem>> -> memref<1x128x128xf32, #tpu.memory_space<vmem>>
      %swap3A_747 = tpu.memref_squeeze %swap3A_746 : memref<1x128x128xf32, #tpu.memory_space<vmem>> -> memref<128x128xf32, #tpu.memory_space<vmem>>
      %swap3A_748 = arith.index_cast %scan3A_709 : i32 to index
      %swap3A_749 = arith.constant 32 : index
      %swap3A_750 = tpu.vector_load %swap3A_747[%swap3A_748, %swap3A_749] {strides = array<i32>} : memref<128x128xf32, #tpu.memory_space<vmem>>, vector<1x16xf32>,
      %swap3A_751 = vector.shape_cast %swap3A_750 : vector<1x16xf32> to vector<16xf32>
      %swap3A_752 = vector.shape_cast %get3A_743 : vector<16xf32> to vector<1x16xf32>
      tpu.vector_store %swap3A_747[%swap3A_748, %swap3A_749], %swap3A_752 {add = true, strides = array<i32>} : memref<128x128xf32, #tpu.memory_space<vmem>>, vector<1x16xf32>,
      %add3A_753 = arith.constant 0 : i32
      %add3A_754 = arith.addi %add3A_753, %scan3A_709 : i32
      %get3A_755 = arith.index_cast %add3A_754 : i32 to index
      %get3A_756 = arith.constant 48 : index
      %get3A_757 = tpu.vector_load %arg7[%get3A_755, %get3A_756] {strides = array<i32>} : memref<256x128xf32, #tpu.memory_space<vmem>>, vector<1x16xf32>,
      %get3A_758 = vector.shape_cast %get3A_757 : vector<1x16xf32> to vector<16xf32>
      %swap3A_759 = arith.constant 0 : i32
      %swap3A_760 = arith.constant 0 : i32
      %swap3A_761 = tpu.memref_slice %arg8[%scan3A_209, %swap3A_759, %swap3A_760] : memref<5x128x128xf32, #tpu.memory_space<vmem>> -> memref<1x128x128xf32, #tpu.memory_space<vmem>>
      %swap3A_762 = tpu.memref_squeeze %swap3A_761 : memref<1x128x128xf32, #tpu.memory_space<vmem>> -> memref<128x128xf32, #tpu.memory_space<vmem>>
      %swap3A_763 = arith.index_cast %scan3A_709 : i32 to index
      %swap3A_764 = arith.constant 48 : index
      %swap3A_765 = tpu.vector_load %swap3A_762[%swap3A_763, %swap3A_764] {strides = array<i32>} : memref<128x128xf32, #tpu.memory_space<vmem>>, vector<1x16xf32>,
      %swap3A_766 = vector.shape_cast %swap3A_765 : vector<1x16xf32> to vector<16xf32>
      %swap3A_767 = vector.shape_cast %get3A_758 : vector<16xf32> to vector<1x16xf32>
      tpu.vector_store %swap3A_762[%swap3A_763, %swap3A_764], %swap3A_767 {add = true, strides = array<i32>} : memref<128x128xf32, #tpu.memory_space<vmem>>, vector<1x16xf32>,
      %add3A_768 = arith.constant 0 : i32
      %add3A_769 = arith.addi %add3A_768, %scan3A_709 : i32
      %get3A_770 = arith.index_cast %add3A_769 : i32 to index
      %get3A_771 = arith.constant 64 : index
      %get3A_772 = tpu.vector_load %arg7[%get3A_770, %get3A_771] {strides = array<i32>} : memref<256x128xf32, #tpu.memory_space<vmem>>, vector<1x16xf32>,
      %get3A_773 = vector.shape_cast %get3A_772 : vector<1x16xf32> to vector<16xf32>
      %swap3A_774 = arith.constant 0 : i32
      %swap3A_775 = arith.constant 0 : i32
      %swap3A_776 = tpu.memref_slice %arg8[%scan3A_209, %swap3A_774, %swap3A_775] : memref<5x128x128xf32, #tpu.memory_space<vmem>> -> memref<1x128x128xf32, #tpu.memory_space<vmem>>
      %swap3A_777 = tpu.memref_squeeze %swap3A_776 : memref<1x128x128xf32, #tpu.memory_space<vmem>> -> memref<128x128xf32, #tpu.memory_space<vmem>>
      %swap3A_778 = arith.index_cast %scan3A_709 : i32 to index
      %swap3A_779 = arith.constant 64 : index
      %swap3A_780 = tpu.vector_load %swap3A_777[%swap3A_778, %swap3A_779] {strides = array<i32>} : memref<128x128xf32, #tpu.memory_space<vmem>>, vector<1x16xf32>,
      %swap3A_781 = vector.shape_cast %swap3A_780 : vector<1x16xf32> to vector<16xf32>
      %swap3A_782 = vector.shape_cast %get3A_773 : vector<16xf32> to vector<1x16xf32>
      tpu.vector_store %swap3A_777[%swap3A_778, %swap3A_779], %swap3A_782 {add = true, strides = array<i32>} : memref<128x128xf32, #tpu.memory_space<vmem>>, vector<1x16xf32>,
      %add3A_783 = arith.constant 0 : i32
      %add3A_784 = arith.addi %add3A_783, %scan3A_709 : i32
      %get3A_785 = arith.index_cast %add3A_784 : i32 to index
      %get3A_786 = arith.constant 80 : index
      %get3A_787 = tpu.vector_load %arg7[%get3A_785, %get3A_786] {strides = array<i32>} : memref<256x128xf32, #tpu.memory_space<vmem>>, vector<1x16xf32>,
      %get3A_788 = vector.shape_cast %get3A_787 : vector<1x16xf32> to vector<16xf32>
      %swap3A_789 = arith.constant 0 : i32
      %swap3A_790 = arith.constant 0 : i32
      %swap3A_791 = tpu.memref_slice %arg8[%scan3A_209, %swap3A_789, %swap3A_790] : memref<5x128x128xf32, #tpu.memory_space<vmem>> -> memref<1x128x128xf32, #tpu.memory_space<vmem>>
      %swap3A_792 = tpu.memref_squeeze %swap3A_791 : memref<1x128x128xf32, #tpu.memory_space<vmem>> -> memref<128x128xf32, #tpu.memory_space<vmem>>
      %swap3A_793 = arith.index_cast %scan3A_709 : i32 to index
      %swap3A_794 = arith.constant 80 : index
      %swap3A_795 = tpu.vector_load %swap3A_792[%swap3A_793, %swap3A_794] {strides = array<i32>} : memref<128x128xf32, #tpu.memory_space<vmem>>, vector<1x16xf32>,
      %swap3A_796 = vector.shape_cast %swap3A_795 : vector<1x16xf32> to vector<16xf32>
      %swap3A_797 = vector.shape_cast %get3A_788 : vector<16xf32> to vector<1x16xf32>
      tpu.vector_store %swap3A_792[%swap3A_793, %swap3A_794], %swap3A_797 {add = true, strides = array<i32>} : memref<128x128xf32, #tpu.memory_space<vmem>>, vector<1x16xf32>,
      %add3A_798 = arith.constant 0 : i32
      %add3A_799 = arith.addi %add3A_798, %scan3A_709 : i32
      %get3A_800 = arith.index_cast %add3A_799 : i32 to index
      %get3A_801 = arith.constant 96 : index
      %get3A_802 = tpu.vector_load %arg7[%get3A_800, %get3A_801] {strides = array<i32>} : memref<256x128xf32, #tpu.memory_space<vmem>>, vector<1x16xf32>,
      %get3A_803 = vector.shape_cast %get3A_802 : vector<1x16xf32> to vector<16xf32>
      %swap3A_804 = arith.constant 0 : i32
      %swap3A_805 = arith.constant 0 : i32
      %swap3A_806 = tpu.memref_slice %arg8[%scan3A_209, %swap3A_804, %swap3A_805] : memref<5x128x128xf32, #tpu.memory_space<vmem>> -> memref<1x128x128xf32, #tpu.memory_space<vmem>>
      %swap3A_807 = tpu.memref_squeeze %swap3A_806 : memref<1x128x128xf32, #tpu.memory_space<vmem>> -> memref<128x128xf32, #tpu.memory_space<vmem>>
      %swap3A_808 = arith.index_cast %scan3A_709 : i32 to index
      %swap3A_809 = arith.constant 96 : index
      %swap3A_810 = tpu.vector_load %swap3A_807[%swap3A_808, %swap3A_809] {strides = array<i32>} : memref<128x128xf32, #tpu.memory_space<vmem>>, vector<1x16xf32>,
      %swap3A_811 = vector.shape_cast %swap3A_810 : vector<1x16xf32> to vector<16xf32>
      %swap3A_812 = vector.shape_cast %get3A_803 : vector<16xf32> to vector<1x16xf32>
      tpu.vector_store %swap3A_807[%swap3A_808, %swap3A_809], %swap3A_812 {add = true, strides = array<i32>} : memref<128x128xf32, #tpu.memory_space<vmem>>, vector<1x16xf32>,
      %add3A_813 = arith.constant 0 : i32
      %add3A_814 = arith.addi %add3A_813, %scan3A_709 : i32
      %get3A_815 = arith.index_cast %add3A_814 : i32 to index
      %get3A_816 = arith.constant 112 : index
      %get3A_817 = tpu.vector_load %arg7[%get3A_815, %get3A_816] {strides = array<i32>} : memref<256x128xf32, #tpu.memory_space<vmem>>, vector<1x16xf32>,
      %get3A_818 = vector.shape_cast %get3A_817 : vector<1x16xf32> to vector<16xf32>
      %swap3A_819 = arith.constant 0 : i32
      %swap3A_820 = arith.constant 0 : i32
      %swap3A_821 = tpu.memref_slice %arg8[%scan3A_209, %swap3A_819, %swap3A_820] : memref<5x128x128xf32, #tpu.memory_space<vmem>> -> memref<1x128x128xf32, #tpu.memory_space<vmem>>
      %swap3A_822 = tpu.memref_squeeze %swap3A_821 : memref<1x128x128xf32, #tpu.memory_space<vmem>> -> memref<128x128xf32, #tpu.memory_space<vmem>>
      %swap3A_823 = arith.index_cast %scan3A_709 : i32 to index
      %swap3A_824 = arith.constant 112 : index
      %swap3A_825 = tpu.vector_load %swap3A_822[%swap3A_823, %swap3A_824] {strides = array<i32>} : memref<128x128xf32, #tpu.memory_space<vmem>>, vector<1x16xf32>,
      %swap3A_826 = vector.shape_cast %swap3A_825 : vector<1x16xf32> to vector<16xf32>
      %swap3A_827 = vector.shape_cast %get3A_818 : vector<16xf32> to vector<1x16xf32>
      tpu.vector_store %swap3A_822[%swap3A_823, %swap3A_824], %swap3A_827 {add = true, strides = array<i32>} : memref<128x128xf32, #tpu.memory_space<vmem>>, vector<1x16xf32>,
    }
    %scan3A_214 = arith.constant 128 : i32
    %add3A_215 = arith.constant 0 : i32
    %add3A_216 = arith.addi %mul3A_2, %add3A_215 : i32
    %dma_start3A_217 = arith.constant 2 : i32
    %dma_start3A_218 = arith.constant 2 : i32
    %dma_start3A_219 = arith.constant 0 : i32
    %dma_start3A_220 = arith.constant 0 : i32
    %dma_start3A_221 = tpu.memref_slice %arg8[%dma_start3A_217, %dma_start3A_219, %dma_start3A_220] : memref<5x128x128xf32, #tpu.memory_space<vmem>> -> memref<1x128x128xf32, #tpu.memory_space<vmem>>
    %dma_start3A_222 = tpu.memref_squeeze %dma_start3A_221 : memref<1x128x128xf32, #tpu.memory_space<vmem>> -> memref<128x128xf32, #tpu.memory_space<vmem>>
    %dma_start3A_223 = arith.constant 0 : i32
    %dma_start3A_224 = arith.constant 0 : i32
    %dma_start3A_225 = tpu.memref_slice %dma_start3A_222[%dma_start3A_223, %dma_start3A_224] : memref<128x128xf32, #tpu.memory_space<vmem>> -> memref<128x128xf32, #tpu.memory_space<vmem>>
    %dma_start3A_226 = arith.constant 0 : i32
    %dma_start3A_227 = tpu.memref_slice %arg5[%dma_start3A_218, %add3A_216, %dma_start3A_226] : memref<4x8192x128xf32, #tpu.memory_space<hbm>> -> memref<1x128x128xf32, #tpu.memory_space<hbm>>
    %dma_start3A_228 = tpu.memref_squeeze %dma_start3A_227 : memref<1x128x128xf32, #tpu.memory_space<hbm>> -> memref<128x128xf32, #tpu.memory_space<hbm>>
    %dma_start3A_229 = arith.constant 0 : i32
    %dma_start3A_230 = tpu.memref_slice %arg5[%dma_start3A_218, %add3A_216, %dma_start3A_229] : memref<4x8192x128xf32, #tpu.memory_space<hbm>> -> memref<1x128x128xf32, #tpu.memory_space<hbm>>
    %dma_start3A_231 = tpu.memref_squeeze %dma_start3A_230 : memref<1x128x128xf32, #tpu.memory_space<hbm>> -> memref<128x128xf32, #tpu.memory_space<hbm>>
    %dma_start3A_232 = arith.constant 0 : i32
    %dma_start3A_233 = arith.constant 0 : i32
    %dma_start3A_234 = tpu.memref_slice %arg8[%dma_start3A_217, %dma_start3A_232, %dma_start3A_233] : memref<5x128x128xf32, #tpu.memory_space<vmem>> -> memref<1x128x128xf32, #tpu.memory_space<vmem>>
    %dma_start3A_235 = tpu.memref_squeeze %dma_start3A_234 : memref<1x128x128xf32, #tpu.memory_space<vmem>> -> memref<128x128xf32, #tpu.memory_space<vmem>>
    %dma_start3A_236 = arith.constant 0 : i32
    %dma_start3A_237 = arith.constant 0 : i32
    %dma_start3A_238 = tpu.memref_slice %dma_start3A_235[%dma_start3A_236, %dma_start3A_237] : memref<128x128xf32, #tpu.memory_space<vmem>> -> memref<128x128xf32, #tpu.memory_space<vmem>>
    tpu.enqueue_dma source(%dma_start3A_238 : memref<128x128xf32, #tpu.memory_space<vmem>>) target(%dma_start3A_231 : memref<128x128xf32, #tpu.memory_space<hbm>>) target_semaphore(%arg18 : memref<!tpu.dma_semaphore, #tpu.memory_space<semaphore_mem>>)
    %dma_wait3A_239 = arith.constant 1 : i32
    %dma_wait3A_240 = arith.constant 1 : i32
    %dma_wait3A_241 = arith.constant 0 : i32
    %dma_wait3A_242 = arith.constant 0 : i32
    %dma_wait3A_243 = tpu.memref_slice %arg8[%dma_wait3A_239, %dma_wait3A_241, %dma_wait3A_242] : memref<5x128x128xf32, #tpu.memory_space<vmem>> -> memref<1x128x128xf32, #tpu.memory_space<vmem>>
    %dma_wait3A_244 = tpu.memref_squeeze %dma_wait3A_243 : memref<1x128x128xf32, #tpu.memory_space<vmem>> -> memref<128x128xf32, #tpu.memory_space<vmem>>
    %dma_wait3A_245 = arith.constant 0 : i32
    %dma_wait3A_246 = arith.constant 0 : i32
    %dma_wait3A_247 = tpu.memref_slice %dma_wait3A_244[%dma_wait3A_245, %dma_wait3A_246] : memref<128x128xf32, #tpu.memory_space<vmem>> -> memref<128x128xf32, #tpu.memory_space<vmem>>
    %dma_wait3A_248 = arith.constant 0 : i32
    %dma_wait3A_249 = tpu.memref_slice %arg5[%dma_wait3A_240, %add3A_139, %dma_wait3A_248] : memref<4x8192x128xf32, #tpu.memory_space<hbm>> -> memref<1x128x128xf32, #tpu.memory_space<hbm>>
    %dma_wait3A_250 = tpu.memref_squeeze %dma_wait3A_249 : memref<1x128x128xf32, #tpu.memory_space<hbm>> -> memref<128x128xf32, #tpu.memory_space<hbm>>
    %dma_wait3A_251 = arith.constant 0 : i32
    %dma_wait3A_252 = tpu.memref_slice %arg5[%dma_wait3A_240, %add3A_139, %dma_wait3A_251] : memref<4x8192x128xf32, #tpu.memory_space<hbm>> -> memref<1x128x128xf32, #tpu.memory_space<hbm>>
    %dma_wait3A_253 = tpu.memref_squeeze %dma_wait3A_252 : memref<1x128x128xf32, #tpu.memory_space<hbm>> -> memref<128x128xf32, #tpu.memory_space<hbm>>
    %dma_wait3A_254 = arith.constant 0 : i32
    %dma_wait3A_255 = arith.constant 0 : i32
    %dma_wait3A_256 = tpu.memref_slice %arg8[%dma_wait3A_239, %dma_wait3A_254, %dma_wait3A_255] : memref<5x128x128xf32, #tpu.memory_space<vmem>> -> memref<1x128x128xf32, #tpu.memory_space<vmem>>
    %dma_wait3A_257 = tpu.memref_squeeze %dma_wait3A_256 : memref<1x128x128xf32, #tpu.memory_space<vmem>> -> memref<128x128xf32, #tpu.memory_space<vmem>>
    %dma_wait3A_258 = arith.constant 0 : i32
    %dma_wait3A_259 = arith.constant 0 : i32
    %dma_wait3A_260 = tpu.memref_slice %dma_wait3A_257[%dma_wait3A_258, %dma_wait3A_259] : memref<128x128xf32, #tpu.memory_space<vmem>> -> memref<128x128xf32, #tpu.memory_space<vmem>>
    tpu.wait_dma2 semaphore(%arg17 : memref<!tpu.dma_semaphore, #tpu.memory_space<semaphore_mem>>) src(%dma_wait3A_260 : memref<128x128xf32, #tpu.memory_space<vmem>>) dst(%dma_wait3A_253 : memref<128x128xf32, #tpu.memory_space<hbm>>)
    %dma_start3A_261 = arith.constant 2 : i32
    %dma_start3A_262 = arith.constant 1 : i32
    %dma_start3A_263 = arith.constant 0 : i32
    %dma_start3A_264 = arith.constant 0 : i32
    %dma_start3A_265 = tpu.memref_slice %arg8[%dma_start3A_262, %dma_start3A_263, %dma_start3A_264] : memref<5x128x128xf32, #tpu.memory_space<vmem>> -> memref<1x128x128xf32, #tpu.memory_space<vmem>>
    %dma_start3A_266 = tpu.memref_squeeze %dma_start3A_265 : memref<1x128x128xf32, #tpu.memory_space<vmem>> -> memref<128x128xf32, #tpu.memory_space<vmem>>
    %dma_start3A_267 = arith.constant 128 : i32
    %dma_start3A_268 = tpu.memref_slice %arg6[%dma_start3A_261, %dma_start3A_267] : memref<4x256xi32, #tpu.memory_space<vmem>> -> memref<1x128xi32, #tpu.memory_space<vmem>>
    %dma_start3A_269 = tpu.memref_squeeze %dma_start3A_268 : memref<1x128xi32, #tpu.memory_space<vmem>> -> memref<128xi32, #tpu.memory_space<vmem>>
    %dma_start3A_270 = arith.constant 0 : i32
    %dma_start3A_271 = arith.constant 0 : i32
    %dma_start3A_272 = tpu.memref_slice %arg3[%dma_start3A_270, %dma_start3A_271] : memref<1000000x128xf32, #tpu.memory_space<hbm>> -> memref<1000000x128xf32, #tpu.memory_space<hbm>>
    tpu.enqueue_indirect_dma source(%dma_start3A_272 : memref<1000000x128xf32, #tpu.memory_space<hbm>>) target(%dma_start3A_266 : memref<128x128xf32, #tpu.memory_space<vmem>>) offsets(%dma_start3A_269 : memref<128xi32, #tpu.memory_space<vmem>>) semaphore(%arg12 : memref<!tpu.dma_semaphore, #tpu.memory_space<semaphore_mem>>)
    %dma_wait3A_273 = arith.constant 3 : i32
    %dma_wait3A_274 = arith.constant 3 : i32
    %dma_wait3A_275 = arith.constant 0 : i32
    %dma_wait3A_276 = arith.constant 0 : i32
    %dma_wait3A_277 = tpu.memref_slice %arg8[%dma_wait3A_274, %dma_wait3A_275, %dma_wait3A_276] : memref<5x128x128xf32, #tpu.memory_space<vmem>> -> memref<1x128x128xf32, #tpu.memory_space<vmem>>
    %dma_wait3A_278 = tpu.memref_squeeze %dma_wait3A_277 : memref<1x128x128xf32, #tpu.memory_space<vmem>> -> memref<128x128xf32, #tpu.memory_space<vmem>>
    %dma_wait3A_279 = arith.constant 0 : i32
    %dma_wait3A_280 = tpu.memref_slice %arg6[%dma_wait3A_273, %dma_wait3A_279] : memref<4x256xi32, #tpu.memory_space<vmem>> -> memref<1x128xi32, #tpu.memory_space<vmem>>
    %dma_wait3A_281 = tpu.memref_squeeze %dma_wait3A_280 : memref<1x128xi32, #tpu.memory_space<vmem>> -> memref<128xi32, #tpu.memory_space<vmem>>
    %dma_wait3A_282 = arith.constant 0 : i32
    %dma_wait3A_283 = arith.constant 0 : i32
    %dma_wait3A_284 = tpu.memref_slice %arg3[%dma_wait3A_282, %dma_wait3A_283] : memref<1000000x128xf32, #tpu.memory_space<hbm>> -> memref<1000000x128xf32, #tpu.memory_space<hbm>>
    tpu.wait_indirect_dma semaphore(%arg14 : memref<!tpu.dma_semaphore, #tpu.memory_space<semaphore_mem>>) src(%dma_wait3A_284 : memref<1000000x128xf32, #tpu.memory_space<hbm>>) dst(%dma_wait3A_278 : memref<128x128xf32, #tpu.memory_space<vmem>>)
    %scan3A_285 = arith.constant 0 : i32
    %scan3A_286 = arith.constant 3 : i32
    %scan3A_287 = arith.constant 0 : i32
    %scan3A_288 = arith.constant 128 : i32
    %scan3A_289 = arith.addi %scan3A_287, %scan3A_288 : i32
    %scan3A_290 = arith.constant 1 : i32
    scf.for %scan3A_709 = %scan3A_287 to %scan3A_289 step %scan3A_290  : i32 {
      %add3A_710 = arith.constant 0 : i32
      %add3A_711 = arith.addi %add3A_710, %scan3A_709 : i32
      %get3A = arith.index_cast %add3A_711 : i32 to index
      %get3A_712 = arith.constant 0 : index
      %get3A_713 = tpu.vector_load %arg7[%get3A, %get3A_712] {strides = array<i32>} : memref<256x128xf32, #tpu.memory_space<vmem>>, vector<1x16xf32>,
      %get3A_714 = vector.shape_cast %get3A_713 : vector<1x16xf32> to vector<16xf32>
      %swap3A = arith.constant 0 : i32
      %swap3A_715 = arith.constant 0 : i32
      %swap3A_716 = tpu.memref_slice %arg8[%scan3A_286, %swap3A, %swap3A_715] : memref<5x128x128xf32, #tpu.memory_space<vmem>> -> memref<1x128x128xf32, #tpu.memory_space<vmem>>
      %swap3A_717 = tpu.memref_squeeze %swap3A_716 : memref<1x128x128xf32, #tpu.memory_space<vmem>> -> memref<128x128xf32, #tpu.memory_space<vmem>>
      %swap3A_718 = arith.index_cast %scan3A_709 : i32 to index
      %swap3A_719 = arith.constant 0 : index
      %swap3A_720 = tpu.vector_load %swap3A_717[%swap3A_718, %swap3A_719] {strides = array<i32>} : memref<128x128xf32, #tpu.memory_space<vmem>>, vector<1x16xf32>,
      %swap3A_721 = vector.shape_cast %swap3A_720 : vector<1x16xf32> to vector<16xf32>
      %swap3A_722 = vector.shape_cast %get3A_714 : vector<16xf32> to vector<1x16xf32>
      tpu.vector_store %swap3A_717[%swap3A_718, %swap3A_719], %swap3A_722 {add = true, strides = array<i32>} : memref<128x128xf32, #tpu.memory_space<vmem>>, vector<1x16xf32>,
      %add3A_723 = arith.constant 0 : i32
      %add3A_724 = arith.addi %add3A_723, %scan3A_709 : i32
      %get3A_725 = arith.index_cast %add3A_724 : i32 to index
      %get3A_726 = arith.constant 16 : index
      %get3A_727 = tpu.vector_load %arg7[%get3A_725, %get3A_726] {strides = array<i32>} : memref<256x128xf32, #tpu.memory_space<vmem>>, vector<1x16xf32>,
      %get3A_728 = vector.shape_cast %get3A_727 : vector<1x16xf32> to vector<16xf32>
      %swap3A_729 = arith.constant 0 : i32
      %swap3A_730 = arith.constant 0 : i32
      %swap3A_731 = tpu.memref_slice %arg8[%scan3A_286, %swap3A_729, %swap3A_730] : memref<5x128x128xf32, #tpu.memory_space<vmem>> -> memref<1x128x128xf32, #tpu.memory_space<vmem>>
      %swap3A_732 = tpu.memref_squeeze %swap3A_731 : memref<1x128x128xf32, #tpu.memory_space<vmem>> -> memref<128x128xf32, #tpu.memory_space<vmem>>
      %swap3A_733 = arith.index_cast %scan3A_709 : i32 to index
      %swap3A_734 = arith.constant 16 : index
      %swap3A_735 = tpu.vector_load %swap3A_732[%swap3A_733, %swap3A_734] {strides = array<i32>} : memref<128x128xf32, #tpu.memory_space<vmem>>, vector<1x16xf32>,
      %swap3A_736 = vector.shape_cast %swap3A_735 : vector<1x16xf32> to vector<16xf32>
      %swap3A_737 = vector.shape_cast %get3A_728 : vector<16xf32> to vector<1x16xf32>
      tpu.vector_store %swap3A_732[%swap3A_733, %swap3A_734], %swap3A_737 {add = true, strides = array<i32>} : memref<128x128xf32, #tpu.memory_space<vmem>>, vector<1x16xf32>,
      %add3A_738 = arith.constant 0 : i32
      %add3A_739 = arith.addi %add3A_738, %scan3A_709 : i32
      %get3A_740 = arith.index_cast %add3A_739 : i32 to index
      %get3A_741 = arith.constant 32 : index
      %get3A_742 = tpu.vector_load %arg7[%get3A_740, %get3A_741] {strides = array<i32>} : memref<256x128xf32, #tpu.memory_space<vmem>>, vector<1x16xf32>,
      %get3A_743 = vector.shape_cast %get3A_742 : vector<1x16xf32> to vector<16xf32>
      %swap3A_744 = arith.constant 0 : i32
      %swap3A_745 = arith.constant 0 : i32
      %swap3A_746 = tpu.memref_slice %arg8[%scan3A_286, %swap3A_744, %swap3A_745] : memref<5x128x128xf32, #tpu.memory_space<vmem>> -> memref<1x128x128xf32, #tpu.memory_space<vmem>>
      %swap3A_747 = tpu.memref_squeeze %swap3A_746 : memref<1x128x128xf32, #tpu.memory_space<vmem>> -> memref<128x128xf32, #tpu.memory_space<vmem>>
      %swap3A_748 = arith.index_cast %scan3A_709 : i32 to index
      %swap3A_749 = arith.constant 32 : index
      %swap3A_750 = tpu.vector_load %swap3A_747[%swap3A_748, %swap3A_749] {strides = array<i32>} : memref<128x128xf32, #tpu.memory_space<vmem>>, vector<1x16xf32>,
      %swap3A_751 = vector.shape_cast %swap3A_750 : vector<1x16xf32> to vector<16xf32>
      %swap3A_752 = vector.shape_cast %get3A_743 : vector<16xf32> to vector<1x16xf32>
      tpu.vector_store %swap3A_747[%swap3A_748, %swap3A_749], %swap3A_752 {add = true, strides = array<i32>} : memref<128x128xf32, #tpu.memory_space<vmem>>, vector<1x16xf32>,
      %add3A_753 = arith.constant 0 : i32
      %add3A_754 = arith.addi %add3A_753, %scan3A_709 : i32
      %get3A_755 = arith.index_cast %add3A_754 : i32 to index
      %get3A_756 = arith.constant 48 : index
      %get3A_757 = tpu.vector_load %arg7[%get3A_755, %get3A_756] {strides = array<i32>} : memref<256x128xf32, #tpu.memory_space<vmem>>, vector<1x16xf32>,
      %get3A_758 = vector.shape_cast %get3A_757 : vector<1x16xf32> to vector<16xf32>
      %swap3A_759 = arith.constant 0 : i32
      %swap3A_760 = arith.constant 0 : i32
      %swap3A_761 = tpu.memref_slice %arg8[%scan3A_286, %swap3A_759, %swap3A_760] : memref<5x128x128xf32, #tpu.memory_space<vmem>> -> memref<1x128x128xf32, #tpu.memory_space<vmem>>
      %swap3A_762 = tpu.memref_squeeze %swap3A_761 : memref<1x128x128xf32, #tpu.memory_space<vmem>> -> memref<128x128xf32, #tpu.memory_space<vmem>>
      %swap3A_763 = arith.index_cast %scan3A_709 : i32 to index
      %swap3A_764 = arith.constant 48 : index
      %swap3A_765 = tpu.vector_load %swap3A_762[%swap3A_763, %swap3A_764] {strides = array<i32>} : memref<128x128xf32, #tpu.memory_space<vmem>>, vector<1x16xf32>,
      %swap3A_766 = vector.shape_cast %swap3A_765 : vector<1x16xf32> to vector<16xf32>
      %swap3A_767 = vector.shape_cast %get3A_758 : vector<16xf32> to vector<1x16xf32>
      tpu.vector_store %swap3A_762[%swap3A_763, %swap3A_764], %swap3A_767 {add = true, strides = array<i32>} : memref<128x128xf32, #tpu.memory_space<vmem>>, vector<1x16xf32>,
      %add3A_768 = arith.constant 0 : i32
      %add3A_769 = arith.addi %add3A_768, %scan3A_709 : i32
      %get3A_770 = arith.index_cast %add3A_769 : i32 to index
      %get3A_771 = arith.constant 64 : index
      %get3A_772 = tpu.vector_load %arg7[%get3A_770, %get3A_771] {strides = array<i32>} : memref<256x128xf32, #tpu.memory_space<vmem>>, vector<1x16xf32>,
      %get3A_773 = vector.shape_cast %get3A_772 : vector<1x16xf32> to vector<16xf32>
      %swap3A_774 = arith.constant 0 : i32
      %swap3A_775 = arith.constant 0 : i32
      %swap3A_776 = tpu.memref_slice %arg8[%scan3A_286, %swap3A_774, %swap3A_775] : memref<5x128x128xf32, #tpu.memory_space<vmem>> -> memref<1x128x128xf32, #tpu.memory_space<vmem>>
      %swap3A_777 = tpu.memref_squeeze %swap3A_776 : memref<1x128x128xf32, #tpu.memory_space<vmem>> -> memref<128x128xf32, #tpu.memory_space<vmem>>
      %swap3A_778 = arith.index_cast %scan3A_709 : i32 to index
      %swap3A_779 = arith.constant 64 : index
      %swap3A_780 = tpu.vector_load %swap3A_777[%swap3A_778, %swap3A_779] {strides = array<i32>} : memref<128x128xf32, #tpu.memory_space<vmem>>, vector<1x16xf32>,
      %swap3A_781 = vector.shape_cast %swap3A_780 : vector<1x16xf32> to vector<16xf32>
      %swap3A_782 = vector.shape_cast %get3A_773 : vector<16xf32> to vector<1x16xf32>
      tpu.vector_store %swap3A_777[%swap3A_778, %swap3A_779], %swap3A_782 {add = true, strides = array<i32>} : memref<128x128xf32, #tpu.memory_space<vmem>>, vector<1x16xf32>,
      %add3A_783 = arith.constant 0 : i32
      %add3A_784 = arith.addi %add3A_783, %scan3A_709 : i32
      %get3A_785 = arith.index_cast %add3A_784 : i32 to index
      %get3A_786 = arith.constant 80 : index
      %get3A_787 = tpu.vector_load %arg7[%get3A_785, %get3A_786] {strides = array<i32>} : memref<256x128xf32, #tpu.memory_space<vmem>>, vector<1x16xf32>,
      %get3A_788 = vector.shape_cast %get3A_787 : vector<1x16xf32> to vector<16xf32>
      %swap3A_789 = arith.constant 0 : i32
      %swap3A_790 = arith.constant 0 : i32
      %swap3A_791 = tpu.memref_slice %arg8[%scan3A_286, %swap3A_789, %swap3A_790] : memref<5x128x128xf32, #tpu.memory_space<vmem>> -> memref<1x128x128xf32, #tpu.memory_space<vmem>>
      %swap3A_792 = tpu.memref_squeeze %swap3A_791 : memref<1x128x128xf32, #tpu.memory_space<vmem>> -> memref<128x128xf32, #tpu.memory_space<vmem>>
      %swap3A_793 = arith.index_cast %scan3A_709 : i32 to index
      %swap3A_794 = arith.constant 80 : index
      %swap3A_795 = tpu.vector_load %swap3A_792[%swap3A_793, %swap3A_794] {strides = array<i32>} : memref<128x128xf32, #tpu.memory_space<vmem>>, vector<1x16xf32>,
      %swap3A_796 = vector.shape_cast %swap3A_795 : vector<1x16xf32> to vector<16xf32>
      %swap3A_797 = vector.shape_cast %get3A_788 : vector<16xf32> to vector<1x16xf32>
      tpu.vector_store %swap3A_792[%swap3A_793, %swap3A_794], %swap3A_797 {add = true, strides = array<i32>} : memref<128x128xf32, #tpu.memory_space<vmem>>, vector<1x16xf32>,
      %add3A_798 = arith.constant 0 : i32
      %add3A_799 = arith.addi %add3A_798, %scan3A_709 : i32
      %get3A_800 = arith.index_cast %add3A_799 : i32 to index
      %get3A_801 = arith.constant 96 : index
      %get3A_802 = tpu.vector_load %arg7[%get3A_800, %get3A_801] {strides = array<i32>} : memref<256x128xf32, #tpu.memory_space<vmem>>, vector<1x16xf32>,
      %get3A_803 = vector.shape_cast %get3A_802 : vector<1x16xf32> to vector<16xf32>
      %swap3A_804 = arith.constant 0 : i32
      %swap3A_805 = arith.constant 0 : i32
      %swap3A_806 = tpu.memref_slice %arg8[%scan3A_286, %swap3A_804, %swap3A_805] : memref<5x128x128xf32, #tpu.memory_space<vmem>> -> memref<1x128x128xf32, #tpu.memory_space<vmem>>
      %swap3A_807 = tpu.memref_squeeze %swap3A_806 : memref<1x128x128xf32, #tpu.memory_space<vmem>> -> memref<128x128xf32, #tpu.memory_space<vmem>>
      %swap3A_808 = arith.index_cast %scan3A_709 : i32 to index
      %swap3A_809 = arith.constant 96 : index
      %swap3A_810 = tpu.vector_load %swap3A_807[%swap3A_808, %swap3A_809] {strides = array<i32>} : memref<128x128xf32, #tpu.memory_space<vmem>>, vector<1x16xf32>,
      %swap3A_811 = vector.shape_cast %swap3A_810 : vector<1x16xf32> to vector<16xf32>
      %swap3A_812 = vector.shape_cast %get3A_803 : vector<16xf32> to vector<1x16xf32>
      tpu.vector_store %swap3A_807[%swap3A_808, %swap3A_809], %swap3A_812 {add = true, strides = array<i32>} : memref<128x128xf32, #tpu.memory_space<vmem>>, vector<1x16xf32>,
      %add3A_813 = arith.constant 0 : i32
      %add3A_814 = arith.addi %add3A_813, %scan3A_709 : i32
      %get3A_815 = arith.index_cast %add3A_814 : i32 to index
      %get3A_816 = arith.constant 112 : index
      %get3A_817 = tpu.vector_load %arg7[%get3A_815, %get3A_816] {strides = array<i32>} : memref<256x128xf32, #tpu.memory_space<vmem>>, vector<1x16xf32>,
      %get3A_818 = vector.shape_cast %get3A_817 : vector<1x16xf32> to vector<16xf32>
      %swap3A_819 = arith.constant 0 : i32
      %swap3A_820 = arith.constant 0 : i32
      %swap3A_821 = tpu.memref_slice %arg8[%scan3A_286, %swap3A_819, %swap3A_820] : memref<5x128x128xf32, #tpu.memory_space<vmem>> -> memref<1x128x128xf32, #tpu.memory_space<vmem>>
      %swap3A_822 = tpu.memref_squeeze %swap3A_821 : memref<1x128x128xf32, #tpu.memory_space<vmem>> -> memref<128x128xf32, #tpu.memory_space<vmem>>
      %swap3A_823 = arith.index_cast %scan3A_709 : i32 to index
      %swap3A_824 = arith.constant 112 : index
      %swap3A_825 = tpu.vector_load %swap3A_822[%swap3A_823, %swap3A_824] {strides = array<i32>} : memref<128x128xf32, #tpu.memory_space<vmem>>, vector<1x16xf32>,
      %swap3A_826 = vector.shape_cast %swap3A_825 : vector<1x16xf32> to vector<16xf32>
      %swap3A_827 = vector.shape_cast %get3A_818 : vector<16xf32> to vector<1x16xf32>
      tpu.vector_store %swap3A_822[%swap3A_823, %swap3A_824], %swap3A_827 {add = true, strides = array<i32>} : memref<128x128xf32, #tpu.memory_space<vmem>>, vector<1x16xf32>,
    }
    %scan3A_291 = arith.constant 128 : i32
    %add3A_292 = arith.constant 0 : i32
    %add3A_293 = arith.addi %mul3A_2, %add3A_292 : i32
    %dma_start3A_294 = arith.constant 3 : i32
    %dma_start3A_295 = arith.constant 3 : i32
    %dma_start3A_296 = arith.constant 0 : i32
    %dma_start3A_297 = arith.constant 0 : i32
    %dma_start3A_298 = tpu.memref_slice %arg8[%dma_start3A_294, %dma_start3A_296, %dma_start3A_297] : memref<5x128x128xf32, #tpu.memory_space<vmem>> -> memref<1x128x128xf32, #tpu.memory_space<vmem>>
    %dma_start3A_299 = tpu.memref_squeeze %dma_start3A_298 : memref<1x128x128xf32, #tpu.memory_space<vmem>> -> memref<128x128xf32, #tpu.memory_space<vmem>>
    %dma_start3A_300 = arith.constant 0 : i32
    %dma_start3A_301 = arith.constant 0 : i32
    %dma_start3A_302 = tpu.memref_slice %dma_start3A_299[%dma_start3A_300, %dma_start3A_301] : memref<128x128xf32, #tpu.memory_space<vmem>> -> memref<128x128xf32, #tpu.memory_space<vmem>>
    %dma_start3A_303 = arith.constant 0 : i32
    %dma_start3A_304 = tpu.memref_slice %arg5[%dma_start3A_295, %add3A_293, %dma_start3A_303] : memref<4x8192x128xf32, #tpu.memory_space<hbm>> -> memref<1x128x128xf32, #tpu.memory_space<hbm>>
    %dma_start3A_305 = tpu.memref_squeeze %dma_start3A_304 : memref<1x128x128xf32, #tpu.memory_space<hbm>> -> memref<128x128xf32, #tpu.memory_space<hbm>>
    %dma_start3A_306 = arith.constant 0 : i32
    %dma_start3A_307 = tpu.memref_slice %arg5[%dma_start3A_295, %add3A_293, %dma_start3A_306] : memref<4x8192x128xf32, #tpu.memory_space<hbm>> -> memref<1x128x128xf32, #tpu.memory_space<hbm>>
    %dma_start3A_308 = tpu.memref_squeeze %dma_start3A_307 : memref<1x128x128xf32, #tpu.memory_space<hbm>> -> memref<128x128xf32, #tpu.memory_space<hbm>>
    %dma_start3A_309 = arith.constant 0 : i32
    %dma_start3A_310 = arith.constant 0 : i32
    %dma_start3A_311 = tpu.memref_slice %arg8[%dma_start3A_294, %dma_start3A_309, %dma_start3A_310] : memref<5x128x128xf32, #tpu.memory_space<vmem>> -> memref<1x128x128xf32, #tpu.memory_space<vmem>>
    %dma_start3A_312 = tpu.memref_squeeze %dma_start3A_311 : memref<1x128x128xf32, #tpu.memory_space<vmem>> -> memref<128x128xf32, #tpu.memory_space<vmem>>
    %dma_start3A_313 = arith.constant 0 : i32
    %dma_start3A_314 = arith.constant 0 : i32
    %dma_start3A_315 = tpu.memref_slice %dma_start3A_312[%dma_start3A_313, %dma_start3A_314] : memref<128x128xf32, #tpu.memory_space<vmem>> -> memref<128x128xf32, #tpu.memory_space<vmem>>
    tpu.enqueue_dma source(%dma_start3A_315 : memref<128x128xf32, #tpu.memory_space<vmem>>) target(%dma_start3A_308 : memref<128x128xf32, #tpu.memory_space<hbm>>) target_semaphore(%arg19 : memref<!tpu.dma_semaphore, #tpu.memory_space<semaphore_mem>>)
    %dma_wait3A_316 = arith.constant 2 : i32
    %dma_wait3A_317 = arith.constant 2 : i32
    %dma_wait3A_318 = arith.constant 0 : i32
    %dma_wait3A_319 = arith.constant 0 : i32
    %dma_wait3A_320 = tpu.memref_slice %arg8[%dma_wait3A_316, %dma_wait3A_318, %dma_wait3A_319] : memref<5x128x128xf32, #tpu.memory_space<vmem>> -> memref<1x128x128xf32, #tpu.memory_space<vmem>>
    %dma_wait3A_321 = tpu.memref_squeeze %dma_wait3A_320 : memref<1x128x128xf32, #tpu.memory_space<vmem>> -> memref<128x128xf32, #tpu.memory_space<vmem>>
    %dma_wait3A_322 = arith.constant 0 : i32
    %dma_wait3A_323 = arith.constant 0 : i32
    %dma_wait3A_324 = tpu.memref_slice %dma_wait3A_321[%dma_wait3A_322, %dma_wait3A_323] : memref<128x128xf32, #tpu.memory_space<vmem>> -> memref<128x128xf32, #tpu.memory_space<vmem>>
    %dma_wait3A_325 = arith.constant 0 : i32
    %dma_wait3A_326 = tpu.memref_slice %arg5[%dma_wait3A_317, %add3A_216, %dma_wait3A_325] : memref<4x8192x128xf32, #tpu.memory_space<hbm>> -> memref<1x128x128xf32, #tpu.memory_space<hbm>>
    %dma_wait3A_327 = tpu.memref_squeeze %dma_wait3A_326 : memref<1x128x128xf32, #tpu.memory_space<hbm>> -> memref<128x128xf32, #tpu.memory_space<hbm>>
    %dma_wait3A_328 = arith.constant 0 : i32
    %dma_wait3A_329 = tpu.memref_slice %arg5[%dma_wait3A_317, %add3A_216, %dma_wait3A_328] : memref<4x8192x128xf32, #tpu.memory_space<hbm>> -> memref<1x128x128xf32, #tpu.memory_space<hbm>>
    %dma_wait3A_330 = tpu.memref_squeeze %dma_wait3A_329 : memref<1x128x128xf32, #tpu.memory_space<hbm>> -> memref<128x128xf32, #tpu.memory_space<hbm>>
    %dma_wait3A_331 = arith.constant 0 : i32
    %dma_wait3A_332 = arith.constant 0 : i32
    %dma_wait3A_333 = tpu.memref_slice %arg8[%dma_wait3A_316, %dma_wait3A_331, %dma_wait3A_332] : memref<5x128x128xf32, #tpu.memory_space<vmem>> -> memref<1x128x128xf32, #tpu.memory_space<vmem>>
    %dma_wait3A_334 = tpu.memref_squeeze %dma_wait3A_333 : memref<1x128x128xf32, #tpu.memory_space<vmem>> -> memref<128x128xf32, #tpu.memory_space<vmem>>
    %dma_wait3A_335 = arith.constant 0 : i32
    %dma_wait3A_336 = arith.constant 0 : i32
    %dma_wait3A_337 = tpu.memref_slice %dma_wait3A_334[%dma_wait3A_335, %dma_wait3A_336] : memref<128x128xf32, #tpu.memory_space<vmem>> -> memref<128x128xf32, #tpu.memory_space<vmem>>
    tpu.wait_dma2 semaphore(%arg18 : memref<!tpu.dma_semaphore, #tpu.memory_space<semaphore_mem>>) src(%dma_wait3A_337 : memref<128x128xf32, #tpu.memory_space<vmem>>) dst(%dma_wait3A_330 : memref<128x128xf32, #tpu.memory_space<hbm>>)
    %dma_start3A_338 = arith.constant 3 : i32
    %dma_start3A_339 = arith.constant 2 : i32
    %dma_start3A_340 = arith.constant 0 : i32
    %dma_start3A_341 = arith.constant 0 : i32
    %dma_start3A_342 = tpu.memref_slice %arg8[%dma_start3A_339, %dma_start3A_340, %dma_start3A_341] : memref<5x128x128xf32, #tpu.memory_space<vmem>> -> memref<1x64x128xf32, #tpu.memory_space<vmem>>
    %dma_start3A_343 = tpu.memref_squeeze %dma_start3A_342 : memref<1x64x128xf32, #tpu.memory_space<vmem>> -> memref<64x128xf32, #tpu.memory_space<vmem>>
    %dma_start3A_344 = arith.constant 128 : i32
    %dma_start3A_345 = tpu.memref_slice %arg6[%dma_start3A_338, %dma_start3A_344] : memref<4x256xi32, #tpu.memory_space<vmem>> -> memref<1x64xi32, #tpu.memory_space<vmem>>
    %dma_start3A_346 = tpu.memref_squeeze %dma_start3A_345 : memref<1x64xi32, #tpu.memory_space<vmem>> -> memref<64xi32, #tpu.memory_space<vmem>>
    %dma_start3A_347 = arith.constant 0 : i32
    %dma_start3A_348 = arith.constant 0 : i32
    %dma_start3A_349 = tpu.memref_slice %arg3[%dma_start3A_347, %dma_start3A_348] : memref<1000000x128xf32, #tpu.memory_space<hbm>> -> memref<1000000x128xf32, #tpu.memory_space<hbm>>
    tpu.enqueue_indirect_dma source(%dma_start3A_349 : memref<1000000x128xf32, #tpu.memory_space<hbm>>) target(%dma_start3A_343 : memref<64x128xf32, #tpu.memory_space<vmem>>) offsets(%dma_start3A_346 : memref<64xi32, #tpu.memory_space<vmem>>) semaphore(%arg13 : memref<!tpu.dma_semaphore, #tpu.memory_space<semaphore_mem>>)
    %dma_wait3A_350 = arith.constant 0 : i32
    %dma_wait3A_351 = arith.constant 4 : i32
    %dma_wait3A_352 = arith.constant 0 : i32
    %dma_wait3A_353 = arith.constant 0 : i32
    %dma_wait3A_354 = tpu.memref_slice %arg8[%dma_wait3A_351, %dma_wait3A_352, %dma_wait3A_353] : memref<5x128x128xf32, #tpu.memory_space<vmem>> -> memref<1x128x128xf32, #tpu.memory_space<vmem>>
    %dma_wait3A_355 = tpu.memref_squeeze %dma_wait3A_354 : memref<1x128x128xf32, #tpu.memory_space<vmem>> -> memref<128x128xf32, #tpu.memory_space<vmem>>
    %dma_wait3A_356 = arith.constant 128 : i32
    %dma_wait3A_357 = tpu.memref_slice %arg6[%dma_wait3A_350, %dma_wait3A_356] : memref<4x256xi32, #tpu.memory_space<vmem>> -> memref<1x128xi32, #tpu.memory_space<vmem>>
    %dma_wait3A_358 = tpu.memref_squeeze %dma_wait3A_357 : memref<1x128xi32, #tpu.memory_space<vmem>> -> memref<128xi32, #tpu.memory_space<vmem>>
    %dma_wait3A_359 = arith.constant 0 : i32
    %dma_wait3A_360 = arith.constant 0 : i32
    %dma_wait3A_361 = tpu.memref_slice %arg3[%dma_wait3A_359, %dma_wait3A_360] : memref<1000000x128xf32, #tpu.memory_space<hbm>> -> memref<1000000x128xf32, #tpu.memory_space<hbm>>
    tpu.wait_indirect_dma semaphore(%arg15 : memref<!tpu.dma_semaphore, #tpu.memory_space<semaphore_mem>>) src(%dma_wait3A_361 : memref<1000000x128xf32, #tpu.memory_space<hbm>>) dst(%dma_wait3A_355 : memref<128x128xf32, #tpu.memory_space<vmem>>)
    %scan3A_362 = arith.constant 0 : i32
    %scan3A_363 = arith.constant 4 : i32
    %scan3A_364 = arith.constant 0 : i32
    %scan3A_365 = arith.constant 128 : i32
    %scan3A_366 = arith.addi %scan3A_364, %scan3A_365 : i32
    %scan3A_367 = arith.constant 1 : i32
    scf.for %scan3A_709 = %scan3A_364 to %scan3A_366 step %scan3A_367  : i32 {
      %add3A_710 = arith.constant 128 : i32
      %add3A_711 = arith.addi %add3A_710, %scan3A_709 : i32
      %get3A = arith.index_cast %add3A_711 : i32 to index
      %get3A_712 = arith.constant 0 : index
      %get3A_713 = tpu.vector_load %arg7[%get3A, %get3A_712] {strides = array<i32>} : memref<256x128xf32, #tpu.memory_space<vmem>>, vector<1x16xf32>,
      %get3A_714 = vector.shape_cast %get3A_713 : vector<1x16xf32> to vector<16xf32>
      %swap3A = arith.constant 0 : i32
      %swap3A_715 = arith.constant 0 : i32
      %swap3A_716 = tpu.memref_slice %arg8[%scan3A_363, %swap3A, %swap3A_715] : memref<5x128x128xf32, #tpu.memory_space<vmem>> -> memref<1x128x128xf32, #tpu.memory_space<vmem>>
      %swap3A_717 = tpu.memref_squeeze %swap3A_716 : memref<1x128x128xf32, #tpu.memory_space<vmem>> -> memref<128x128xf32, #tpu.memory_space<vmem>>
      %swap3A_718 = arith.index_cast %scan3A_709 : i32 to index
      %swap3A_719 = arith.constant 0 : index
      %swap3A_720 = tpu.vector_load %swap3A_717[%swap3A_718, %swap3A_719] {strides = array<i32>} : memref<128x128xf32, #tpu.memory_space<vmem>>, vector<1x16xf32>,
      %swap3A_721 = vector.shape_cast %swap3A_720 : vector<1x16xf32> to vector<16xf32>
      %swap3A_722 = vector.shape_cast %get3A_714 : vector<16xf32> to vector<1x16xf32>
      tpu.vector_store %swap3A_717[%swap3A_718, %swap3A_719], %swap3A_722 {add = true, strides = array<i32>} : memref<128x128xf32, #tpu.memory_space<vmem>>, vector<1x16xf32>,
      %add3A_723 = arith.constant 128 : i32
      %add3A_724 = arith.addi %add3A_723, %scan3A_709 : i32
      %get3A_725 = arith.index_cast %add3A_724 : i32 to index
      %get3A_726 = arith.constant 16 : index
      %get3A_727 = tpu.vector_load %arg7[%get3A_725, %get3A_726] {strides = array<i32>} : memref<256x128xf32, #tpu.memory_space<vmem>>, vector<1x16xf32>,
      %get3A_728 = vector.shape_cast %get3A_727 : vector<1x16xf32> to vector<16xf32>
      %swap3A_729 = arith.constant 0 : i32
      %swap3A_730 = arith.constant 0 : i32
      %swap3A_731 = tpu.memref_slice %arg8[%scan3A_363, %swap3A_729, %swap3A_730] : memref<5x128x128xf32, #tpu.memory_space<vmem>> -> memref<1x128x128xf32, #tpu.memory_space<vmem>>
      %swap3A_732 = tpu.memref_squeeze %swap3A_731 : memref<1x128x128xf32, #tpu.memory_space<vmem>> -> memref<128x128xf32, #tpu.memory_space<vmem>>
      %swap3A_733 = arith.index_cast %scan3A_709 : i32 to index
      %swap3A_734 = arith.constant 16 : index
      %swap3A_735 = tpu.vector_load %swap3A_732[%swap3A_733, %swap3A_734] {strides = array<i32>} : memref<128x128xf32, #tpu.memory_space<vmem>>, vector<1x16xf32>,
      %swap3A_736 = vector.shape_cast %swap3A_735 : vector<1x16xf32> to vector<16xf32>
      %swap3A_737 = vector.shape_cast %get3A_728 : vector<16xf32> to vector<1x16xf32>
      tpu.vector_store %swap3A_732[%swap3A_733, %swap3A_734], %swap3A_737 {add = true, strides = array<i32>} : memref<128x128xf32, #tpu.memory_space<vmem>>, vector<1x16xf32>,
      %add3A_738 = arith.constant 128 : i32
      %add3A_739 = arith.addi %add3A_738, %scan3A_709 : i32
      %get3A_740 = arith.index_cast %add3A_739 : i32 to index
      %get3A_741 = arith.constant 32 : index
      %get3A_742 = tpu.vector_load %arg7[%get3A_740, %get3A_741] {strides = array<i32>} : memref<256x128xf32, #tpu.memory_space<vmem>>, vector<1x16xf32>,
      %get3A_743 = vector.shape_cast %get3A_742 : vector<1x16xf32> to vector<16xf32>
      %swap3A_744 = arith.constant 0 : i32
      %swap3A_745 = arith.constant 0 : i32
      %swap3A_746 = tpu.memref_slice %arg8[%scan3A_363, %swap3A_744, %swap3A_745] : memref<5x128x128xf32, #tpu.memory_space<vmem>> -> memref<1x128x128xf32, #tpu.memory_space<vmem>>
      %swap3A_747 = tpu.memref_squeeze %swap3A_746 : memref<1x128x128xf32, #tpu.memory_space<vmem>> -> memref<128x128xf32, #tpu.memory_space<vmem>>
      %swap3A_748 = arith.index_cast %scan3A_709 : i32 to index
      %swap3A_749 = arith.constant 32 : index
      %swap3A_750 = tpu.vector_load %swap3A_747[%swap3A_748, %swap3A_749] {strides = array<i32>} : memref<128x128xf32, #tpu.memory_space<vmem>>, vector<1x16xf32>,
      %swap3A_751 = vector.shape_cast %swap3A_750 : vector<1x16xf32> to vector<16xf32>
      %swap3A_752 = vector.shape_cast %get3A_743 : vector<16xf32> to vector<1x16xf32>
      tpu.vector_store %swap3A_747[%swap3A_748, %swap3A_749], %swap3A_752 {add = true, strides = array<i32>} : memref<128x128xf32, #tpu.memory_space<vmem>>, vector<1x16xf32>,
      %add3A_753 = arith.constant 128 : i32
      %add3A_754 = arith.addi %add3A_753, %scan3A_709 : i32
      %get3A_755 = arith.index_cast %add3A_754 : i32 to index
      %get3A_756 = arith.constant 48 : index
      %get3A_757 = tpu.vector_load %arg7[%get3A_755, %get3A_756] {strides = array<i32>} : memref<256x128xf32, #tpu.memory_space<vmem>>, vector<1x16xf32>,
      %get3A_758 = vector.shape_cast %get3A_757 : vector<1x16xf32> to vector<16xf32>
      %swap3A_759 = arith.constant 0 : i32
      %swap3A_760 = arith.constant 0 : i32
      %swap3A_761 = tpu.memref_slice %arg8[%scan3A_363, %swap3A_759, %swap3A_760] : memref<5x128x128xf32, #tpu.memory_space<vmem>> -> memref<1x128x128xf32, #tpu.memory_space<vmem>>
      %swap3A_762 = tpu.memref_squeeze %swap3A_761 : memref<1x128x128xf32, #tpu.memory_space<vmem>> -> memref<128x128xf32, #tpu.memory_space<vmem>>
      %swap3A_763 = arith.index_cast %scan3A_709 : i32 to index
      %swap3A_764 = arith.constant 48 : index
      %swap3A_765 = tpu.vector_load %swap3A_762[%swap3A_763, %swap3A_764] {strides = array<i32>} : memref<128x128xf32, #tpu.memory_space<vmem>>, vector<1x16xf32>,
      %swap3A_766 = vector.shape_cast %swap3A_765 : vector<1x16xf32> to vector<16xf32>
      %swap3A_767 = vector.shape_cast %get3A_758 : vector<16xf32> to vector<1x16xf32>
      tpu.vector_store %swap3A_762[%swap3A_763, %swap3A_764], %swap3A_767 {add = true, strides = array<i32>} : memref<128x128xf32, #tpu.memory_space<vmem>>, vector<1x16xf32>,
      %add3A_768 = arith.constant 128 : i32
      %add3A_769 = arith.addi %add3A_768, %scan3A_709 : i32
      %get3A_770 = arith.index_cast %add3A_769 : i32 to index
      %get3A_771 = arith.constant 64 : index
      %get3A_772 = tpu.vector_load %arg7[%get3A_770, %get3A_771] {strides = array<i32>} : memref<256x128xf32, #tpu.memory_space<vmem>>, vector<1x16xf32>,
      %get3A_773 = vector.shape_cast %get3A_772 : vector<1x16xf32> to vector<16xf32>
      %swap3A_774 = arith.constant 0 : i32
      %swap3A_775 = arith.constant 0 : i32
      %swap3A_776 = tpu.memref_slice %arg8[%scan3A_363, %swap3A_774, %swap3A_775] : memref<5x128x128xf32, #tpu.memory_space<vmem>> -> memref<1x128x128xf32, #tpu.memory_space<vmem>>
      %swap3A_777 = tpu.memref_squeeze %swap3A_776 : memref<1x128x128xf32, #tpu.memory_space<vmem>> -> memref<128x128xf32, #tpu.memory_space<vmem>>
      %swap3A_778 = arith.index_cast %scan3A_709 : i32 to index
      %swap3A_779 = arith.constant 64 : index
      %swap3A_780 = tpu.vector_load %swap3A_777[%swap3A_778, %swap3A_779] {strides = array<i32>} : memref<128x128xf32, #tpu.memory_space<vmem>>, vector<1x16xf32>,
      %swap3A_781 = vector.shape_cast %swap3A_780 : vector<1x16xf32> to vector<16xf32>
      %swap3A_782 = vector.shape_cast %get3A_773 : vector<16xf32> to vector<1x16xf32>
      tpu.vector_store %swap3A_777[%swap3A_778, %swap3A_779], %swap3A_782 {add = true, strides = array<i32>} : memref<128x128xf32, #tpu.memory_space<vmem>>, vector<1x16xf32>,
      %add3A_783 = arith.constant 128 : i32
      %add3A_784 = arith.addi %add3A_783, %scan3A_709 : i32
      %get3A_785 = arith.index_cast %add3A_784 : i32 to index
      %get3A_786 = arith.constant 80 : index
      %get3A_787 = tpu.vector_load %arg7[%get3A_785, %get3A_786] {strides = array<i32>} : memref<256x128xf32, #tpu.memory_space<vmem>>, vector<1x16xf32>,
      %get3A_788 = vector.shape_cast %get3A_787 : vector<1x16xf32> to vector<16xf32>
      %swap3A_789 = arith.constant 0 : i32
      %swap3A_790 = arith.constant 0 : i32
      %swap3A_791 = tpu.memref_slice %arg8[%scan3A_363, %swap3A_789, %swap3A_790] : memref<5x128x128xf32, #tpu.memory_space<vmem>> -> memref<1x128x128xf32, #tpu.memory_space<vmem>>
      %swap3A_792 = tpu.memref_squeeze %swap3A_791 : memref<1x128x128xf32, #tpu.memory_space<vmem>> -> memref<128x128xf32, #tpu.memory_space<vmem>>
      %swap3A_793 = arith.index_cast %scan3A_709 : i32 to index
      %swap3A_794 = arith.constant 80 : index
      %swap3A_795 = tpu.vector_load %swap3A_792[%swap3A_793, %swap3A_794] {strides = array<i32>} : memref<128x128xf32, #tpu.memory_space<vmem>>, vector<1x16xf32>,
      %swap3A_796 = vector.shape_cast %swap3A_795 : vector<1x16xf32> to vector<16xf32>
      %swap3A_797 = vector.shape_cast %get3A_788 : vector<16xf32> to vector<1x16xf32>
      tpu.vector_store %swap3A_792[%swap3A_793, %swap3A_794], %swap3A_797 {add = true, strides = array<i32>} : memref<128x128xf32, #tpu.memory_space<vmem>>, vector<1x16xf32>,
      %add3A_798 = arith.constant 128 : i32
      %add3A_799 = arith.addi %add3A_798, %scan3A_709 : i32
      %get3A_800 = arith.index_cast %add3A_799 : i32 to index
      %get3A_801 = arith.constant 96 : index
      %get3A_802 = tpu.vector_load %arg7[%get3A_800, %get3A_801] {strides = array<i32>} : memref<256x128xf32, #tpu.memory_space<vmem>>, vector<1x16xf32>,
      %get3A_803 = vector.shape_cast %get3A_802 : vector<1x16xf32> to vector<16xf32>
      %swap3A_804 = arith.constant 0 : i32
      %swap3A_805 = arith.constant 0 : i32
      %swap3A_806 = tpu.memref_slice %arg8[%scan3A_363, %swap3A_804, %swap3A_805] : memref<5x128x128xf32, #tpu.memory_space<vmem>> -> memref<1x128x128xf32, #tpu.memory_space<vmem>>
      %swap3A_807 = tpu.memref_squeeze %swap3A_806 : memref<1x128x128xf32, #tpu.memory_space<vmem>> -> memref<128x128xf32, #tpu.memory_space<vmem>>
      %swap3A_808 = arith.index_cast %scan3A_709 : i32 to index
      %swap3A_809 = arith.constant 96 : index
      %swap3A_810 = tpu.vector_load %swap3A_807[%swap3A_808, %swap3A_809] {strides = array<i32>} : memref<128x128xf32, #tpu.memory_space<vmem>>, vector<1x16xf32>,
      %swap3A_811 = vector.shape_cast %swap3A_810 : vector<1x16xf32> to vector<16xf32>
      %swap3A_812 = vector.shape_cast %get3A_803 : vector<16xf32> to vector<1x16xf32>
      tpu.vector_store %swap3A_807[%swap3A_808, %swap3A_809], %swap3A_812 {add = true, strides = array<i32>} : memref<128x128xf32, #tpu.memory_space<vmem>>, vector<1x16xf32>,
      %add3A_813 = arith.constant 128 : i32
      %add3A_814 = arith.addi %add3A_813, %scan3A_709 : i32
      %get3A_815 = arith.index_cast %add3A_814 : i32 to index
      %get3A_816 = arith.constant 112 : index
      %get3A_817 = tpu.vector_load %arg7[%get3A_815, %get3A_816] {strides = array<i32>} : memref<256x128xf32, #tpu.memory_space<vmem>>, vector<1x16xf32>,
      %get3A_818 = vector.shape_cast %get3A_817 : vector<1x16xf32> to vector<16xf32>
      %swap3A_819 = arith.constant 0 : i32
      %swap3A_820 = arith.constant 0 : i32
      %swap3A_821 = tpu.memref_slice %arg8[%scan3A_363, %swap3A_819, %swap3A_820] : memref<5x128x128xf32, #tpu.memory_space<vmem>> -> memref<1x128x128xf32, #tpu.memory_space<vmem>>
      %swap3A_822 = tpu.memref_squeeze %swap3A_821 : memref<1x128x128xf32, #tpu.memory_space<vmem>> -> memref<128x128xf32, #tpu.memory_space<vmem>>
      %swap3A_823 = arith.index_cast %scan3A_709 : i32 to index
      %swap3A_824 = arith.constant 112 : index
      %swap3A_825 = tpu.vector_load %swap3A_822[%swap3A_823, %swap3A_824] {strides = array<i32>} : memref<128x128xf32, #tpu.memory_space<vmem>>, vector<1x16xf32>,
      %swap3A_826 = vector.shape_cast %swap3A_825 : vector<1x16xf32> to vector<16xf32>
      %swap3A_827 = vector.shape_cast %get3A_818 : vector<16xf32> to vector<1x16xf32>
      tpu.vector_store %swap3A_822[%swap3A_823, %swap3A_824], %swap3A_827 {add = true, strides = array<i32>} : memref<128x128xf32, #tpu.memory_space<vmem>>, vector<1x16xf32>,
    }
    %scan3A_368 = arith.constant 128 : i32
    %add3A_369 = arith.constant 128 : i32
    %add3A_370 = arith.addi %mul3A_2, %add3A_369 : i32
    %dma_start3A_371 = arith.constant 4 : i32
    %dma_start3A_372 = arith.constant 0 : i32
    %dma_start3A_373 = arith.constant 0 : i32
    %dma_start3A_374 = arith.constant 0 : i32
    %dma_start3A_375 = tpu.memref_slice %arg8[%dma_start3A_371, %dma_start3A_373, %dma_start3A_374] : memref<5x128x128xf32, #tpu.memory_space<vmem>> -> memref<1x128x128xf32, #tpu.memory_space<vmem>>
    %dma_start3A_376 = tpu.memref_squeeze %dma_start3A_375 : memref<1x128x128xf32, #tpu.memory_space<vmem>> -> memref<128x128xf32, #tpu.memory_space<vmem>>
    %dma_start3A_377 = arith.constant 0 : i32
    %dma_start3A_378 = arith.constant 0 : i32
    %dma_start3A_379 = tpu.memref_slice %dma_start3A_376[%dma_start3A_377, %dma_start3A_378] : memref<128x128xf32, #tpu.memory_space<vmem>> -> memref<128x128xf32, #tpu.memory_space<vmem>>
    %dma_start3A_380 = arith.constant 0 : i32
    %dma_start3A_381 = tpu.memref_slice %arg5[%dma_start3A_372, %add3A_370, %dma_start3A_380] : memref<4x8192x128xf32, #tpu.memory_space<hbm>> -> memref<1x128x128xf32, #tpu.memory_space<hbm>>
    %dma_start3A_382 = tpu.memref_squeeze %dma_start3A_381 : memref<1x128x128xf32, #tpu.memory_space<hbm>> -> memref<128x128xf32, #tpu.memory_space<hbm>>
    %dma_start3A_383 = arith.constant 0 : i32
    %dma_start3A_384 = tpu.memref_slice %arg5[%dma_start3A_372, %add3A_370, %dma_start3A_383] : memref<4x8192x128xf32, #tpu.memory_space<hbm>> -> memref<1x128x128xf32, #tpu.memory_space<hbm>>
    %dma_start3A_385 = tpu.memref_squeeze %dma_start3A_384 : memref<1x128x128xf32, #tpu.memory_space<hbm>> -> memref<128x128xf32, #tpu.memory_space<hbm>>
    %dma_start3A_386 = arith.constant 0 : i32
    %dma_start3A_387 = arith.constant 0 : i32
    %dma_start3A_388 = tpu.memref_slice %arg8[%dma_start3A_371, %dma_start3A_386, %dma_start3A_387] : memref<5x128x128xf32, #tpu.memory_space<vmem>> -> memref<1x128x128xf32, #tpu.memory_space<vmem>>
    %dma_start3A_389 = tpu.memref_squeeze %dma_start3A_388 : memref<1x128x128xf32, #tpu.memory_space<vmem>> -> memref<128x128xf32, #tpu.memory_space<vmem>>
    %dma_start3A_390 = arith.constant 0 : i32
    %dma_start3A_391 = arith.constant 0 : i32
    %dma_start3A_392 = tpu.memref_slice %dma_start3A_389[%dma_start3A_390, %dma_start3A_391] : memref<128x128xf32, #tpu.memory_space<vmem>> -> memref<128x128xf32, #tpu.memory_space<vmem>>
    tpu.enqueue_dma source(%dma_start3A_392 : memref<128x128xf32, #tpu.memory_space<vmem>>) target(%dma_start3A_385 : memref<128x128xf32, #tpu.memory_space<hbm>>) target_semaphore(%arg20 : memref<!tpu.dma_semaphore, #tpu.memory_space<semaphore_mem>>)
    %dma_wait3A_393 = arith.constant 3 : i32
    %dma_wait3A_394 = arith.constant 3 : i32
    %dma_wait3A_395 = arith.constant 0 : i32
    %dma_wait3A_396 = arith.constant 0 : i32
    %dma_wait3A_397 = tpu.memref_slice %arg8[%dma_wait3A_393, %dma_wait3A_395, %dma_wait3A_396] : memref<5x128x128xf32, #tpu.memory_space<vmem>> -> memref<1x128x128xf32, #tpu.memory_space<vmem>>
    %dma_wait3A_398 = tpu.memref_squeeze %dma_wait3A_397 : memref<1x128x128xf32, #tpu.memory_space<vmem>> -> memref<128x128xf32, #tpu.memory_space<vmem>>
    %dma_wait3A_399 = arith.constant 0 : i32
    %dma_wait3A_400 = arith.constant 0 : i32
    %dma_wait3A_401 = tpu.memref_slice %dma_wait3A_398[%dma_wait3A_399, %dma_wait3A_400] : memref<128x128xf32, #tpu.memory_space<vmem>> -> memref<128x128xf32, #tpu.memory_space<vmem>>
    %dma_wait3A_402 = arith.constant 0 : i32
    %dma_wait3A_403 = tpu.memref_slice %arg5[%dma_wait3A_394, %add3A_293, %dma_wait3A_402] : memref<4x8192x128xf32, #tpu.memory_space<hbm>> -> memref<1x128x128xf32, #tpu.memory_space<hbm>>
    %dma_wait3A_404 = tpu.memref_squeeze %dma_wait3A_403 : memref<1x128x128xf32, #tpu.memory_space<hbm>> -> memref<128x128xf32, #tpu.memory_space<hbm>>
    %dma_wait3A_405 = arith.constant 0 : i32
    %dma_wait3A_406 = tpu.memref_slice %arg5[%dma_wait3A_394, %add3A_293, %dma_wait3A_405] : memref<4x8192x128xf32, #tpu.memory_space<hbm>> -> memref<1x128x128xf32, #tpu.memory_space<hbm>>
    %dma_wait3A_407 = tpu.memref_squeeze %dma_wait3A_406 : memref<1x128x128xf32, #tpu.memory_space<hbm>> -> memref<128x128xf32, #tpu.memory_space<hbm>>
    %dma_wait3A_408 = arith.constant 0 : i32
    %dma_wait3A_409 = arith.constant 0 : i32
    %dma_wait3A_410 = tpu.memref_slice %arg8[%dma_wait3A_393, %dma_wait3A_408, %dma_wait3A_409] : memref<5x128x128xf32, #tpu.memory_space<vmem>> -> memref<1x128x128xf32, #tpu.memory_space<vmem>>
    %dma_wait3A_411 = tpu.memref_squeeze %dma_wait3A_410 : memref<1x128x128xf32, #tpu.memory_space<vmem>> -> memref<128x128xf32, #tpu.memory_space<vmem>>
    %dma_wait3A_412 = arith.constant 0 : i32
    %dma_wait3A_413 = arith.constant 0 : i32
    %dma_wait3A_414 = tpu.memref_slice %dma_wait3A_411[%dma_wait3A_412, %dma_wait3A_413] : memref<128x128xf32, #tpu.memory_space<vmem>> -> memref<128x128xf32, #tpu.memory_space<vmem>>
    tpu.wait_dma2 semaphore(%arg19 : memref<!tpu.dma_semaphore, #tpu.memory_space<semaphore_mem>>) src(%dma_wait3A_414 : memref<128x128xf32, #tpu.memory_space<vmem>>) dst(%dma_wait3A_407 : memref<128x128xf32, #tpu.memory_space<hbm>>)
    %dma_start3A_415 = arith.constant 3 : i32
    %dma_start3A_416 = arith.constant 3 : i32
    %dma_start3A_417 = arith.constant 0 : i32
    %dma_start3A_418 = arith.constant 0 : i32
    %dma_start3A_419 = tpu.memref_slice %arg8[%dma_start3A_416, %dma_start3A_417, %dma_start3A_418] : memref<5x128x128xf32, #tpu.memory_space<vmem>> -> memref<1x64x128xf32, #tpu.memory_space<vmem>>
    %dma_start3A_420 = tpu.memref_squeeze %dma_start3A_419 : memref<1x64x128xf32, #tpu.memory_space<vmem>> -> memref<64x128xf32, #tpu.memory_space<vmem>>
    %dma_start3A_421 = arith.constant 192 : i32
    %dma_start3A_422 = tpu.memref_slice %arg6[%dma_start3A_415, %dma_start3A_421] : memref<4x256xi32, #tpu.memory_space<vmem>> -> memref<1x64xi32, #tpu.memory_space<vmem>>
    %dma_start3A_423 = tpu.memref_squeeze %dma_start3A_422 : memref<1x64xi32, #tpu.memory_space<vmem>> -> memref<64xi32, #tpu.memory_space<vmem>>
    %dma_start3A_424 = arith.constant 0 : i32
    %dma_start3A_425 = arith.constant 0 : i32
    %dma_start3A_426 = tpu.memref_slice %arg3[%dma_start3A_424, %dma_start3A_425] : memref<1000000x128xf32, #tpu.memory_space<hbm>> -> memref<1000000x128xf32, #tpu.memory_space<hbm>>
    tpu.enqueue_indirect_dma source(%dma_start3A_426 : memref<1000000x128xf32, #tpu.memory_space<hbm>>) target(%dma_start3A_420 : memref<64x128xf32, #tpu.memory_space<vmem>>) offsets(%dma_start3A_423 : memref<64xi32, #tpu.memory_space<vmem>>) semaphore(%arg14 : memref<!tpu.dma_semaphore, #tpu.memory_space<semaphore_mem>>)
    %dma_wait3A_427 = arith.constant 1 : i32
    %dma_wait3A_428 = arith.constant 0 : i32
    %dma_wait3A_429 = arith.constant 0 : i32
    %dma_wait3A_430 = arith.constant 0 : i32
    %dma_wait3A_431 = tpu.memref_slice %arg8[%dma_wait3A_428, %dma_wait3A_429, %dma_wait3A_430] : memref<5x128x128xf32, #tpu.memory_space<vmem>> -> memref<1x128x128xf32, #tpu.memory_space<vmem>>
    %dma_wait3A_432 = tpu.memref_squeeze %dma_wait3A_431 : memref<1x128x128xf32, #tpu.memory_space<vmem>> -> memref<128x128xf32, #tpu.memory_space<vmem>>
    %dma_wait3A_433 = arith.constant 128 : i32
    %dma_wait3A_434 = tpu.memref_slice %arg6[%dma_wait3A_427, %dma_wait3A_433] : memref<4x256xi32, #tpu.memory_space<vmem>> -> memref<1x128xi32, #tpu.memory_space<vmem>>
    %dma_wait3A_435 = tpu.memref_squeeze %dma_wait3A_434 : memref<1x128xi32, #tpu.memory_space<vmem>> -> memref<128xi32, #tpu.memory_space<vmem>>
    %dma_wait3A_436 = arith.constant 0 : i32
    %dma_wait3A_437 = arith.constant 0 : i32
    %dma_wait3A_438 = tpu.memref_slice %arg3[%dma_wait3A_436, %dma_wait3A_437] : memref<1000000x128xf32, #tpu.memory_space<hbm>> -> memref<1000000x128xf32, #tpu.memory_space<hbm>>
    tpu.wait_indirect_dma semaphore(%arg11 : memref<!tpu.dma_semaphore, #tpu.memory_space<semaphore_mem>>) src(%dma_wait3A_438 : memref<1000000x128xf32, #tpu.memory_space<hbm>>) dst(%dma_wait3A_432 : memref<128x128xf32, #tpu.memory_space<vmem>>)
    %scan3A_439 = arith.constant 0 : i32
    %scan3A_440 = arith.constant 0 : i32
    %scan3A_441 = arith.constant 0 : i32
    %scan3A_442 = arith.constant 128 : i32
    %scan3A_443 = arith.addi %scan3A_441, %scan3A_442 : i32
    %scan3A_444 = arith.constant 1 : i32
    scf.for %scan3A_709 = %scan3A_441 to %scan3A_443 step %scan3A_444  : i32 {
      %add3A_710 = arith.constant 128 : i32
      %add3A_711 = arith.addi %add3A_710, %scan3A_709 : i32
      %get3A = arith.index_cast %add3A_711 : i32 to index
      %get3A_712 = arith.constant 0 : index
      %get3A_713 = tpu.vector_load %arg7[%get3A, %get3A_712] {strides = array<i32>} : memref<256x128xf32, #tpu.memory_space<vmem>>, vector<1x16xf32>,
      %get3A_714 = vector.shape_cast %get3A_713 : vector<1x16xf32> to vector<16xf32>
      %swap3A = arith.constant 0 : i32
      %swap3A_715 = arith.constant 0 : i32
      %swap3A_716 = tpu.memref_slice %arg8[%scan3A_440, %swap3A, %swap3A_715] : memref<5x128x128xf32, #tpu.memory_space<vmem>> -> memref<1x128x128xf32, #tpu.memory_space<vmem>>
      %swap3A_717 = tpu.memref_squeeze %swap3A_716 : memref<1x128x128xf32, #tpu.memory_space<vmem>> -> memref<128x128xf32, #tpu.memory_space<vmem>>
      %swap3A_718 = arith.index_cast %scan3A_709 : i32 to index
      %swap3A_719 = arith.constant 0 : index
      %swap3A_720 = tpu.vector_load %swap3A_717[%swap3A_718, %swap3A_719] {strides = array<i32>} : memref<128x128xf32, #tpu.memory_space<vmem>>, vector<1x16xf32>,
      %swap3A_721 = vector.shape_cast %swap3A_720 : vector<1x16xf32> to vector<16xf32>
      %swap3A_722 = vector.shape_cast %get3A_714 : vector<16xf32> to vector<1x16xf32>
      tpu.vector_store %swap3A_717[%swap3A_718, %swap3A_719], %swap3A_722 {add = true, strides = array<i32>} : memref<128x128xf32, #tpu.memory_space<vmem>>, vector<1x16xf32>,
      %add3A_723 = arith.constant 128 : i32
      %add3A_724 = arith.addi %add3A_723, %scan3A_709 : i32
      %get3A_725 = arith.index_cast %add3A_724 : i32 to index
      %get3A_726 = arith.constant 16 : index
      %get3A_727 = tpu.vector_load %arg7[%get3A_725, %get3A_726] {strides = array<i32>} : memref<256x128xf32, #tpu.memory_space<vmem>>, vector<1x16xf32>,
      %get3A_728 = vector.shape_cast %get3A_727 : vector<1x16xf32> to vector<16xf32>
      %swap3A_729 = arith.constant 0 : i32
      %swap3A_730 = arith.constant 0 : i32
      %swap3A_731 = tpu.memref_slice %arg8[%scan3A_440, %swap3A_729, %swap3A_730] : memref<5x128x128xf32, #tpu.memory_space<vmem>> -> memref<1x128x128xf32, #tpu.memory_space<vmem>>
      %swap3A_732 = tpu.memref_squeeze %swap3A_731 : memref<1x128x128xf32, #tpu.memory_space<vmem>> -> memref<128x128xf32, #tpu.memory_space<vmem>>
      %swap3A_733 = arith.index_cast %scan3A_709 : i32 to index
      %swap3A_734 = arith.constant 16 : index
      %swap3A_735 = tpu.vector_load %swap3A_732[%swap3A_733, %swap3A_734] {strides = array<i32>} : memref<128x128xf32, #tpu.memory_space<vmem>>, vector<1x16xf32>,
      %swap3A_736 = vector.shape_cast %swap3A_735 : vector<1x16xf32> to vector<16xf32>
      %swap3A_737 = vector.shape_cast %get3A_728 : vector<16xf32> to vector<1x16xf32>
      tpu.vector_store %swap3A_732[%swap3A_733, %swap3A_734], %swap3A_737 {add = true, strides = array<i32>} : memref<128x128xf32, #tpu.memory_space<vmem>>, vector<1x16xf32>,
      %add3A_738 = arith.constant 128 : i32
      %add3A_739 = arith.addi %add3A_738, %scan3A_709 : i32
      %get3A_740 = arith.index_cast %add3A_739 : i32 to index
      %get3A_741 = arith.constant 32 : index
      %get3A_742 = tpu.vector_load %arg7[%get3A_740, %get3A_741] {strides = array<i32>} : memref<256x128xf32, #tpu.memory_space<vmem>>, vector<1x16xf32>,
      %get3A_743 = vector.shape_cast %get3A_742 : vector<1x16xf32> to vector<16xf32>
      %swap3A_744 = arith.constant 0 : i32
      %swap3A_745 = arith.constant 0 : i32
      %swap3A_746 = tpu.memref_slice %arg8[%scan3A_440, %swap3A_744, %swap3A_745] : memref<5x128x128xf32, #tpu.memory_space<vmem>> -> memref<1x128x128xf32, #tpu.memory_space<vmem>>
      %swap3A_747 = tpu.memref_squeeze %swap3A_746 : memref<1x128x128xf32, #tpu.memory_space<vmem>> -> memref<128x128xf32, #tpu.memory_space<vmem>>
      %swap3A_748 = arith.index_cast %scan3A_709 : i32 to index
      %swap3A_749 = arith.constant 32 : index
      %swap3A_750 = tpu.vector_load %swap3A_747[%swap3A_748, %swap3A_749] {strides = array<i32>} : memref<128x128xf32, #tpu.memory_space<vmem>>, vector<1x16xf32>,
      %swap3A_751 = vector.shape_cast %swap3A_750 : vector<1x16xf32> to vector<16xf32>
      %swap3A_752 = vector.shape_cast %get3A_743 : vector<16xf32> to vector<1x16xf32>
      tpu.vector_store %swap3A_747[%swap3A_748, %swap3A_749], %swap3A_752 {add = true, strides = array<i32>} : memref<128x128xf32, #tpu.memory_space<vmem>>, vector<1x16xf32>,
      %add3A_753 = arith.constant 128 : i32
      %add3A_754 = arith.addi %add3A_753, %scan3A_709 : i32
      %get3A_755 = arith.index_cast %add3A_754 : i32 to index
      %get3A_756 = arith.constant 48 : index
      %get3A_757 = tpu.vector_load %arg7[%get3A_755, %get3A_756] {strides = array<i32>} : memref<256x128xf32, #tpu.memory_space<vmem>>, vector<1x16xf32>,
      %get3A_758 = vector.shape_cast %get3A_757 : vector<1x16xf32> to vector<16xf32>
      %swap3A_759 = arith.constant 0 : i32
      %swap3A_760 = arith.constant 0 : i32
      %swap3A_761 = tpu.memref_slice %arg8[%scan3A_440, %swap3A_759, %swap3A_760] : memref<5x128x128xf32, #tpu.memory_space<vmem>> -> memref<1x128x128xf32, #tpu.memory_space<vmem>>
      %swap3A_762 = tpu.memref_squeeze %swap3A_761 : memref<1x128x128xf32, #tpu.memory_space<vmem>> -> memref<128x128xf32, #tpu.memory_space<vmem>>
      %swap3A_763 = arith.index_cast %scan3A_709 : i32 to index
      %swap3A_764 = arith.constant 48 : index
      %swap3A_765 = tpu.vector_load %swap3A_762[%swap3A_763, %swap3A_764] {strides = array<i32>} : memref<128x128xf32, #tpu.memory_space<vmem>>, vector<1x16xf32>,
      %swap3A_766 = vector.shape_cast %swap3A_765 : vector<1x16xf32> to vector<16xf32>
      %swap3A_767 = vector.shape_cast %get3A_758 : vector<16xf32> to vector<1x16xf32>
      tpu.vector_store %swap3A_762[%swap3A_763, %swap3A_764], %swap3A_767 {add = true, strides = array<i32>} : memref<128x128xf32, #tpu.memory_space<vmem>>, vector<1x16xf32>,
      %add3A_768 = arith.constant 128 : i32
      %add3A_769 = arith.addi %add3A_768, %scan3A_709 : i32
      %get3A_770 = arith.index_cast %add3A_769 : i32 to index
      %get3A_771 = arith.constant 64 : index
      %get3A_772 = tpu.vector_load %arg7[%get3A_770, %get3A_771] {strides = array<i32>} : memref<256x128xf32, #tpu.memory_space<vmem>>, vector<1x16xf32>,
      %get3A_773 = vector.shape_cast %get3A_772 : vector<1x16xf32> to vector<16xf32>
      %swap3A_774 = arith.constant 0 : i32
      %swap3A_775 = arith.constant 0 : i32
      %swap3A_776 = tpu.memref_slice %arg8[%scan3A_440, %swap3A_774, %swap3A_775] : memref<5x128x128xf32, #tpu.memory_space<vmem>> -> memref<1x128x128xf32, #tpu.memory_space<vmem>>
      %swap3A_777 = tpu.memref_squeeze %swap3A_776 : memref<1x128x128xf32, #tpu.memory_space<vmem>> -> memref<128x128xf32, #tpu.memory_space<vmem>>
      %swap3A_778 = arith.index_cast %scan3A_709 : i32 to index
      %swap3A_779 = arith.constant 64 : index
      %swap3A_780 = tpu.vector_load %swap3A_777[%swap3A_778, %swap3A_779] {strides = array<i32>} : memref<128x128xf32, #tpu.memory_space<vmem>>, vector<1x16xf32>,
      %swap3A_781 = vector.shape_cast %swap3A_780 : vector<1x16xf32> to vector<16xf32>
      %swap3A_782 = vector.shape_cast %get3A_773 : vector<16xf32> to vector<1x16xf32>
      tpu.vector_store %swap3A_777[%swap3A_778, %swap3A_779], %swap3A_782 {add = true, strides = array<i32>} : memref<128x128xf32, #tpu.memory_space<vmem>>, vector<1x16xf32>,
      %add3A_783 = arith.constant 128 : i32
      %add3A_784 = arith.addi %add3A_783, %scan3A_709 : i32
      %get3A_785 = arith.index_cast %add3A_784 : i32 to index
      %get3A_786 = arith.constant 80 : index
      %get3A_787 = tpu.vector_load %arg7[%get3A_785, %get3A_786] {strides = array<i32>} : memref<256x128xf32, #tpu.memory_space<vmem>>, vector<1x16xf32>,
      %get3A_788 = vector.shape_cast %get3A_787 : vector<1x16xf32> to vector<16xf32>
      %swap3A_789 = arith.constant 0 : i32
      %swap3A_790 = arith.constant 0 : i32
      %swap3A_791 = tpu.memref_slice %arg8[%scan3A_440, %swap3A_789, %swap3A_790] : memref<5x128x128xf32, #tpu.memory_space<vmem>> -> memref<1x128x128xf32, #tpu.memory_space<vmem>>
      %swap3A_792 = tpu.memref_squeeze %swap3A_791 : memref<1x128x128xf32, #tpu.memory_space<vmem>> -> memref<128x128xf32, #tpu.memory_space<vmem>>
      %swap3A_793 = arith.index_cast %scan3A_709 : i32 to index
      %swap3A_794 = arith.constant 80 : index
      %swap3A_795 = tpu.vector_load %swap3A_792[%swap3A_793, %swap3A_794] {strides = array<i32>} : memref<128x128xf32, #tpu.memory_space<vmem>>, vector<1x16xf32>,
      %swap3A_796 = vector.shape_cast %swap3A_795 : vector<1x16xf32> to vector<16xf32>
      %swap3A_797 = vector.shape_cast %get3A_788 : vector<16xf32> to vector<1x16xf32>
      tpu.vector_store %swap3A_792[%swap3A_793, %swap3A_794], %swap3A_797 {add = true, strides = array<i32>} : memref<128x128xf32, #tpu.memory_space<vmem>>, vector<1x16xf32>,
      %add3A_798 = arith.constant 128 : i32
      %add3A_799 = arith.addi %add3A_798, %scan3A_709 : i32
      %get3A_800 = arith.index_cast %add3A_799 : i32 to index
      %get3A_801 = arith.constant 96 : index
      %get3A_802 = tpu.vector_load %arg7[%get3A_800, %get3A_801] {strides = array<i32>} : memref<256x128xf32, #tpu.memory_space<vmem>>, vector<1x16xf32>,
      %get3A_803 = vector.shape_cast %get3A_802 : vector<1x16xf32> to vector<16xf32>
      %swap3A_804 = arith.constant 0 : i32
      %swap3A_805 = arith.constant 0 : i32
      %swap3A_806 = tpu.memref_slice %arg8[%scan3A_440, %swap3A_804, %swap3A_805] : memref<5x128x128xf32, #tpu.memory_space<vmem>> -> memref<1x128x128xf32, #tpu.memory_space<vmem>>
      %swap3A_807 = tpu.memref_squeeze %swap3A_806 : memref<1x128x128xf32, #tpu.memory_space<vmem>> -> memref<128x128xf32, #tpu.memory_space<vmem>>
      %swap3A_808 = arith.index_cast %scan3A_709 : i32 to index
      %swap3A_809 = arith.constant 96 : index
      %swap3A_810 = tpu.vector_load %swap3A_807[%swap3A_808, %swap3A_809] {strides = array<i32>} : memref<128x128xf32, #tpu.memory_space<vmem>>, vector<1x16xf32>,
      %swap3A_811 = vector.shape_cast %swap3A_810 : vector<1x16xf32> to vector<16xf32>
      %swap3A_812 = vector.shape_cast %get3A_803 : vector<16xf32> to vector<1x16xf32>
      tpu.vector_store %swap3A_807[%swap3A_808, %swap3A_809], %swap3A_812 {add = true, strides = array<i32>} : memref<128x128xf32, #tpu.memory_space<vmem>>, vector<1x16xf32>,
      %add3A_813 = arith.constant 128 : i32
      %add3A_814 = arith.addi %add3A_813, %scan3A_709 : i32
      %get3A_815 = arith.index_cast %add3A_814 : i32 to index
      %get3A_816 = arith.constant 112 : index
      %get3A_817 = tpu.vector_load %arg7[%get3A_815, %get3A_816] {strides = array<i32>} : memref<256x128xf32, #tpu.memory_space<vmem>>, vector<1x16xf32>,
      %get3A_818 = vector.shape_cast %get3A_817 : vector<1x16xf32> to vector<16xf32>
      %swap3A_819 = arith.constant 0 : i32
      %swap3A_820 = arith.constant 0 : i32
      %swap3A_821 = tpu.memref_slice %arg8[%scan3A_440, %swap3A_819, %swap3A_820] : memref<5x128x128xf32, #tpu.memory_space<vmem>> -> memref<1x128x128xf32, #tpu.memory_space<vmem>>
      %swap3A_822 = tpu.memref_squeeze %swap3A_821 : memref<1x128x128xf32, #tpu.memory_space<vmem>> -> memref<128x128xf32, #tpu.memory_space<vmem>>
      %swap3A_823 = arith.index_cast %scan3A_709 : i32 to index
      %swap3A_824 = arith.constant 112 : index
      %swap3A_825 = tpu.vector_load %swap3A_822[%swap3A_823, %swap3A_824] {strides = array<i32>} : memref<128x128xf32, #tpu.memory_space<vmem>>, vector<1x16xf32>,
      %swap3A_826 = vector.shape_cast %swap3A_825 : vector<1x16xf32> to vector<16xf32>
      %swap3A_827 = vector.shape_cast %get3A_818 : vector<16xf32> to vector<1x16xf32>
      tpu.vector_store %swap3A_822[%swap3A_823, %swap3A_824], %swap3A_827 {add = true, strides = array<i32>} : memref<128x128xf32, #tpu.memory_space<vmem>>, vector<1x16xf32>,
    }
    %scan3A_445 = arith.constant 128 : i32
    %add3A_446 = arith.constant 128 : i32
    %add3A_447 = arith.addi %mul3A_2, %add3A_446 : i32
    %dma_start3A_448 = arith.constant 0 : i32
    %dma_start3A_449 = arith.constant 1 : i32
    %dma_start3A_450 = arith.constant 0 : i32
    %dma_start3A_451 = arith.constant 0 : i32
    %dma_start3A_452 = tpu.memref_slice %arg8[%dma_start3A_448, %dma_start3A_450, %dma_start3A_451] : memref<5x128x128xf32, #tpu.memory_space<vmem>> -> memref<1x128x128xf32, #tpu.memory_space<vmem>>
    %dma_start3A_453 = tpu.memref_squeeze %dma_start3A_452 : memref<1x128x128xf32, #tpu.memory_space<vmem>> -> memref<128x128xf32, #tpu.memory_space<vmem>>
    %dma_start3A_454 = arith.constant 0 : i32
    %dma_start3A_455 = arith.constant 0 : i32
    %dma_start3A_456 = tpu.memref_slice %dma_start3A_453[%dma_start3A_454, %dma_start3A_455] : memref<128x128xf32, #tpu.memory_space<vmem>> -> memref<128x128xf32, #tpu.memory_space<vmem>>
    %dma_start3A_457 = arith.constant 0 : i32
    %dma_start3A_458 = tpu.memref_slice %arg5[%dma_start3A_449, %add3A_447, %dma_start3A_457] : memref<4x8192x128xf32, #tpu.memory_space<hbm>> -> memref<1x128x128xf32, #tpu.memory_space<hbm>>
    %dma_start3A_459 = tpu.memref_squeeze %dma_start3A_458 : memref<1x128x128xf32, #tpu.memory_space<hbm>> -> memref<128x128xf32, #tpu.memory_space<hbm>>
    %dma_start3A_460 = arith.constant 0 : i32
    %dma_start3A_461 = tpu.memref_slice %arg5[%dma_start3A_449, %add3A_447, %dma_start3A_460] : memref<4x8192x128xf32, #tpu.memory_space<hbm>> -> memref<1x128x128xf32, #tpu.memory_space<hbm>>
    %dma_start3A_462 = tpu.memref_squeeze %dma_start3A_461 : memref<1x128x128xf32, #tpu.memory_space<hbm>> -> memref<128x128xf32, #tpu.memory_space<hbm>>
    %dma_start3A_463 = arith.constant 0 : i32
    %dma_start3A_464 = arith.constant 0 : i32
    %dma_start3A_465 = tpu.memref_slice %arg8[%dma_start3A_448, %dma_start3A_463, %dma_start3A_464] : memref<5x128x128xf32, #tpu.memory_space<vmem>> -> memref<1x128x128xf32, #tpu.memory_space<vmem>>
    %dma_start3A_466 = tpu.memref_squeeze %dma_start3A_465 : memref<1x128x128xf32, #tpu.memory_space<vmem>> -> memref<128x128xf32, #tpu.memory_space<vmem>>
    %dma_start3A_467 = arith.constant 0 : i32
    %dma_start3A_468 = arith.constant 0 : i32
    %dma_start3A_469 = tpu.memref_slice %dma_start3A_466[%dma_start3A_467, %dma_start3A_468] : memref<128x128xf32, #tpu.memory_space<vmem>> -> memref<128x128xf32, #tpu.memory_space<vmem>>
    tpu.enqueue_dma source(%dma_start3A_469 : memref<128x128xf32, #tpu.memory_space<vmem>>) target(%dma_start3A_462 : memref<128x128xf32, #tpu.memory_space<hbm>>) target_semaphore(%arg16 : memref<!tpu.dma_semaphore, #tpu.memory_space<semaphore_mem>>)
    %dma_wait3A_470 = arith.constant 2 : i32
    %dma_wait3A_471 = arith.constant 1 : i32
    %dma_wait3A_472 = arith.constant 0 : i32
    %dma_wait3A_473 = arith.constant 0 : i32
    %dma_wait3A_474 = tpu.memref_slice %arg8[%dma_wait3A_471, %dma_wait3A_472, %dma_wait3A_473] : memref<5x128x128xf32, #tpu.memory_space<vmem>> -> memref<1x128x128xf32, #tpu.memory_space<vmem>>
    %dma_wait3A_475 = tpu.memref_squeeze %dma_wait3A_474 : memref<1x128x128xf32, #tpu.memory_space<vmem>> -> memref<128x128xf32, #tpu.memory_space<vmem>>
    %dma_wait3A_476 = arith.constant 128 : i32
    %dma_wait3A_477 = tpu.memref_slice %arg6[%dma_wait3A_470, %dma_wait3A_476] : memref<4x256xi32, #tpu.memory_space<vmem>> -> memref<1x128xi32, #tpu.memory_space<vmem>>
    %dma_wait3A_478 = tpu.memref_squeeze %dma_wait3A_477 : memref<1x128xi32, #tpu.memory_space<vmem>> -> memref<128xi32, #tpu.memory_space<vmem>>
    %dma_wait3A_479 = arith.constant 0 : i32
    %dma_wait3A_480 = arith.constant 0 : i32
    %dma_wait3A_481 = tpu.memref_slice %arg3[%dma_wait3A_479, %dma_wait3A_480] : memref<1000000x128xf32, #tpu.memory_space<hbm>> -> memref<1000000x128xf32, #tpu.memory_space<hbm>>
    tpu.wait_indirect_dma semaphore(%arg12 : memref<!tpu.dma_semaphore, #tpu.memory_space<semaphore_mem>>) src(%dma_wait3A_481 : memref<1000000x128xf32, #tpu.memory_space<hbm>>) dst(%dma_wait3A_475 : memref<128x128xf32, #tpu.memory_space<vmem>>)
    %scan3A_482 = arith.constant 0 : i32
    %scan3A_483 = arith.constant 1 : i32
    %scan3A_484 = arith.constant 0 : i32
    %scan3A_485 = arith.constant 128 : i32
    %scan3A_486 = arith.addi %scan3A_484, %scan3A_485 : i32
    %scan3A_487 = arith.constant 1 : i32
    scf.for %scan3A_709 = %scan3A_484 to %scan3A_486 step %scan3A_487  : i32 {
      %add3A_710 = arith.constant 128 : i32
      %add3A_711 = arith.addi %add3A_710, %scan3A_709 : i32
      %get3A = arith.index_cast %add3A_711 : i32 to index
      %get3A_712 = arith.constant 0 : index
      %get3A_713 = tpu.vector_load %arg7[%get3A, %get3A_712] {strides = array<i32>} : memref<256x128xf32, #tpu.memory_space<vmem>>, vector<1x16xf32>,
      %get3A_714 = vector.shape_cast %get3A_713 : vector<1x16xf32> to vector<16xf32>
      %swap3A = arith.constant 0 : i32
      %swap3A_715 = arith.constant 0 : i32
      %swap3A_716 = tpu.memref_slice %arg8[%scan3A_483, %swap3A, %swap3A_715] : memref<5x128x128xf32, #tpu.memory_space<vmem>> -> memref<1x128x128xf32, #tpu.memory_space<vmem>>
      %swap3A_717 = tpu.memref_squeeze %swap3A_716 : memref<1x128x128xf32, #tpu.memory_space<vmem>> -> memref<128x128xf32, #tpu.memory_space<vmem>>
      %swap3A_718 = arith.index_cast %scan3A_709 : i32 to index
      %swap3A_719 = arith.constant 0 : index
      %swap3A_720 = tpu.vector_load %swap3A_717[%swap3A_718, %swap3A_719] {strides = array<i32>} : memref<128x128xf32, #tpu.memory_space<vmem>>, vector<1x16xf32>,
      %swap3A_721 = vector.shape_cast %swap3A_720 : vector<1x16xf32> to vector<16xf32>
      %swap3A_722 = vector.shape_cast %get3A_714 : vector<16xf32> to vector<1x16xf32>
      tpu.vector_store %swap3A_717[%swap3A_718, %swap3A_719], %swap3A_722 {add = true, strides = array<i32>} : memref<128x128xf32, #tpu.memory_space<vmem>>, vector<1x16xf32>,
      %add3A_723 = arith.constant 128 : i32
      %add3A_724 = arith.addi %add3A_723, %scan3A_709 : i32
      %get3A_725 = arith.index_cast %add3A_724 : i32 to index
      %get3A_726 = arith.constant 16 : index
      %get3A_727 = tpu.vector_load %arg7[%get3A_725, %get3A_726] {strides = array<i32>} : memref<256x128xf32, #tpu.memory_space<vmem>>, vector<1x16xf32>,
      %get3A_728 = vector.shape_cast %get3A_727 : vector<1x16xf32> to vector<16xf32>
      %swap3A_729 = arith.constant 0 : i32
      %swap3A_730 = arith.constant 0 : i32
      %swap3A_731 = tpu.memref_slice %arg8[%scan3A_483, %swap3A_729, %swap3A_730] : memref<5x128x128xf32, #tpu.memory_space<vmem>> -> memref<1x128x128xf32, #tpu.memory_space<vmem>>
      %swap3A_732 = tpu.memref_squeeze %swap3A_731 : memref<1x128x128xf32, #tpu.memory_space<vmem>> -> memref<128x128xf32, #tpu.memory_space<vmem>>
      %swap3A_733 = arith.index_cast %scan3A_709 : i32 to index
      %swap3A_734 = arith.constant 16 : index
      %swap3A_735 = tpu.vector_load %swap3A_732[%swap3A_733, %swap3A_734] {strides = array<i32>} : memref<128x128xf32, #tpu.memory_space<vmem>>, vector<1x16xf32>,
      %swap3A_736 = vector.shape_cast %swap3A_735 : vector<1x16xf32> to vector<16xf32>
      %swap3A_737 = vector.shape_cast %get3A_728 : vector<16xf32> to vector<1x16xf32>
      tpu.vector_store %swap3A_732[%swap3A_733, %swap3A_734], %swap3A_737 {add = true, strides = array<i32>} : memref<128x128xf32, #tpu.memory_space<vmem>>, vector<1x16xf32>,
      %add3A_738 = arith.constant 128 : i32
      %add3A_739 = arith.addi %add3A_738, %scan3A_709 : i32
      %get3A_740 = arith.index_cast %add3A_739 : i32 to index
      %get3A_741 = arith.constant 32 : index
      %get3A_742 = tpu.vector_load %arg7[%get3A_740, %get3A_741] {strides = array<i32>} : memref<256x128xf32, #tpu.memory_space<vmem>>, vector<1x16xf32>,
      %get3A_743 = vector.shape_cast %get3A_742 : vector<1x16xf32> to vector<16xf32>
      %swap3A_744 = arith.constant 0 : i32
      %swap3A_745 = arith.constant 0 : i32
      %swap3A_746 = tpu.memref_slice %arg8[%scan3A_483, %swap3A_744, %swap3A_745] : memref<5x128x128xf32, #tpu.memory_space<vmem>> -> memref<1x128x128xf32, #tpu.memory_space<vmem>>
      %swap3A_747 = tpu.memref_squeeze %swap3A_746 : memref<1x128x128xf32, #tpu.memory_space<vmem>> -> memref<128x128xf32, #tpu.memory_space<vmem>>
      %swap3A_748 = arith.index_cast %scan3A_709 : i32 to index
      %swap3A_749 = arith.constant 32 : index
      %swap3A_750 = tpu.vector_load %swap3A_747[%swap3A_748, %swap3A_749] {strides = array<i32>} : memref<128x128xf32, #tpu.memory_space<vmem>>, vector<1x16xf32>,
      %swap3A_751 = vector.shape_cast %swap3A_750 : vector<1x16xf32> to vector<16xf32>
      %swap3A_752 = vector.shape_cast %get3A_743 : vector<16xf32> to vector<1x16xf32>
      tpu.vector_store %swap3A_747[%swap3A_748, %swap3A_749], %swap3A_752 {add = true, strides = array<i32>} : memref<128x128xf32, #tpu.memory_space<vmem>>, vector<1x16xf32>,
      %add3A_753 = arith.constant 128 : i32
      %add3A_754 = arith.addi %add3A_753, %scan3A_709 : i32
      %get3A_755 = arith.index_cast %add3A_754 : i32 to index
      %get3A_756 = arith.constant 48 : index
      %get3A_757 = tpu.vector_load %arg7[%get3A_755, %get3A_756] {strides = array<i32>} : memref<256x128xf32, #tpu.memory_space<vmem>>, vector<1x16xf32>,
      %get3A_758 = vector.shape_cast %get3A_757 : vector<1x16xf32> to vector<16xf32>
      %swap3A_759 = arith.constant 0 : i32
      %swap3A_760 = arith.constant 0 : i32
      %swap3A_761 = tpu.memref_slice %arg8[%scan3A_483, %swap3A_759, %swap3A_760] : memref<5x128x128xf32, #tpu.memory_space<vmem>> -> memref<1x128x128xf32, #tpu.memory_space<vmem>>
      %swap3A_762 = tpu.memref_squeeze %swap3A_761 : memref<1x128x128xf32, #tpu.memory_space<vmem>> -> memref<128x128xf32, #tpu.memory_space<vmem>>
      %swap3A_763 = arith.index_cast %scan3A_709 : i32 to index
      %swap3A_764 = arith.constant 48 : index
      %swap3A_765 = tpu.vector_load %swap3A_762[%swap3A_763, %swap3A_764] {strides = array<i32>} : memref<128x128xf32, #tpu.memory_space<vmem>>, vector<1x16xf32>,
      %swap3A_766 = vector.shape_cast %swap3A_765 : vector<1x16xf32> to vector<16xf32>
      %swap3A_767 = vector.shape_cast %get3A_758 : vector<16xf32> to vector<1x16xf32>
      tpu.vector_store %swap3A_762[%swap3A_763, %swap3A_764], %swap3A_767 {add = true, strides = array<i32>} : memref<128x128xf32, #tpu.memory_space<vmem>>, vector<1x16xf32>,
      %add3A_768 = arith.constant 128 : i32
      %add3A_769 = arith.addi %add3A_768, %scan3A_709 : i32
      %get3A_770 = arith.index_cast %add3A_769 : i32 to index
      %get3A_771 = arith.constant 64 : index
      %get3A_772 = tpu.vector_load %arg7[%get3A_770, %get3A_771] {strides = array<i32>} : memref<256x128xf32, #tpu.memory_space<vmem>>, vector<1x16xf32>,
      %get3A_773 = vector.shape_cast %get3A_772 : vector<1x16xf32> to vector<16xf32>
      %swap3A_774 = arith.constant 0 : i32
      %swap3A_775 = arith.constant 0 : i32
      %swap3A_776 = tpu.memref_slice %arg8[%scan3A_483, %swap3A_774, %swap3A_775] : memref<5x128x128xf32, #tpu.memory_space<vmem>> -> memref<1x128x128xf32, #tpu.memory_space<vmem>>
      %swap3A_777 = tpu.memref_squeeze %swap3A_776 : memref<1x128x128xf32, #tpu.memory_space<vmem>> -> memref<128x128xf32, #tpu.memory_space<vmem>>
      %swap3A_778 = arith.index_cast %scan3A_709 : i32 to index
      %swap3A_779 = arith.constant 64 : index
      %swap3A_780 = tpu.vector_load %swap3A_777[%swap3A_778, %swap3A_779] {strides = array<i32>} : memref<128x128xf32, #tpu.memory_space<vmem>>, vector<1x16xf32>,
      %swap3A_781 = vector.shape_cast %swap3A_780 : vector<1x16xf32> to vector<16xf32>
      %swap3A_782 = vector.shape_cast %get3A_773 : vector<16xf32> to vector<1x16xf32>
      tpu.vector_store %swap3A_777[%swap3A_778, %swap3A_779], %swap3A_782 {add = true, strides = array<i32>} : memref<128x128xf32, #tpu.memory_space<vmem>>, vector<1x16xf32>,
      %add3A_783 = arith.constant 128 : i32
      %add3A_784 = arith.addi %add3A_783, %scan3A_709 : i32
      %get3A_785 = arith.index_cast %add3A_784 : i32 to index
      %get3A_786 = arith.constant 80 : index
      %get3A_787 = tpu.vector_load %arg7[%get3A_785, %get3A_786] {strides = array<i32>} : memref<256x128xf32, #tpu.memory_space<vmem>>, vector<1x16xf32>,
      %get3A_788 = vector.shape_cast %get3A_787 : vector<1x16xf32> to vector<16xf32>
      %swap3A_789 = arith.constant 0 : i32
      %swap3A_790 = arith.constant 0 : i32
      %swap3A_791 = tpu.memref_slice %arg8[%scan3A_483, %swap3A_789, %swap3A_790] : memref<5x128x128xf32, #tpu.memory_space<vmem>> -> memref<1x128x128xf32, #tpu.memory_space<vmem>>
      %swap3A_792 = tpu.memref_squeeze %swap3A_791 : memref<1x128x128xf32, #tpu.memory_space<vmem>> -> memref<128x128xf32, #tpu.memory_space<vmem>>
      %swap3A_793 = arith.index_cast %scan3A_709 : i32 to index
      %swap3A_794 = arith.constant 80 : index
      %swap3A_795 = tpu.vector_load %swap3A_792[%swap3A_793, %swap3A_794] {strides = array<i32>} : memref<128x128xf32, #tpu.memory_space<vmem>>, vector<1x16xf32>,
      %swap3A_796 = vector.shape_cast %swap3A_795 : vector<1x16xf32> to vector<16xf32>
      %swap3A_797 = vector.shape_cast %get3A_788 : vector<16xf32> to vector<1x16xf32>
      tpu.vector_store %swap3A_792[%swap3A_793, %swap3A_794], %swap3A_797 {add = true, strides = array<i32>} : memref<128x128xf32, #tpu.memory_space<vmem>>, vector<1x16xf32>,
      %add3A_798 = arith.constant 128 : i32
      %add3A_799 = arith.addi %add3A_798, %scan3A_709 : i32
      %get3A_800 = arith.index_cast %add3A_799 : i32 to index
      %get3A_801 = arith.constant 96 : index
      %get3A_802 = tpu.vector_load %arg7[%get3A_800, %get3A_801] {strides = array<i32>} : memref<256x128xf32, #tpu.memory_space<vmem>>, vector<1x16xf32>,
      %get3A_803 = vector.shape_cast %get3A_802 : vector<1x16xf32> to vector<16xf32>
      %swap3A_804 = arith.constant 0 : i32
      %swap3A_805 = arith.constant 0 : i32
      %swap3A_806 = tpu.memref_slice %arg8[%scan3A_483, %swap3A_804, %swap3A_805] : memref<5x128x128xf32, #tpu.memory_space<vmem>> -> memref<1x128x128xf32, #tpu.memory_space<vmem>>
      %swap3A_807 = tpu.memref_squeeze %swap3A_806 : memref<1x128x128xf32, #tpu.memory_space<vmem>> -> memref<128x128xf32, #tpu.memory_space<vmem>>
      %swap3A_808 = arith.index_cast %scan3A_709 : i32 to index
      %swap3A_809 = arith.constant 96 : index
      %swap3A_810 = tpu.vector_load %swap3A_807[%swap3A_808, %swap3A_809] {strides = array<i32>} : memref<128x128xf32, #tpu.memory_space<vmem>>, vector<1x16xf32>,
      %swap3A_811 = vector.shape_cast %swap3A_810 : vector<1x16xf32> to vector<16xf32>
      %swap3A_812 = vector.shape_cast %get3A_803 : vector<16xf32> to vector<1x16xf32>
      tpu.vector_store %swap3A_807[%swap3A_808, %swap3A_809], %swap3A_812 {add = true, strides = array<i32>} : memref<128x128xf32, #tpu.memory_space<vmem>>, vector<1x16xf32>,
      %add3A_813 = arith.constant 128 : i32
      %add3A_814 = arith.addi %add3A_813, %scan3A_709 : i32
      %get3A_815 = arith.index_cast %add3A_814 : i32 to index
      %get3A_816 = arith.constant 112 : index
      %get3A_817 = tpu.vector_load %arg7[%get3A_815, %get3A_816] {strides = array<i32>} : memref<256x128xf32, #tpu.memory_space<vmem>>, vector<1x16xf32>,
      %get3A_818 = vector.shape_cast %get3A_817 : vector<1x16xf32> to vector<16xf32>
      %swap3A_819 = arith.constant 0 : i32
      %swap3A_820 = arith.constant 0 : i32
      %swap3A_821 = tpu.memref_slice %arg8[%scan3A_483, %swap3A_819, %swap3A_820] : memref<5x128x128xf32, #tpu.memory_space<vmem>> -> memref<1x128x128xf32, #tpu.memory_space<vmem>>
      %swap3A_822 = tpu.memref_squeeze %swap3A_821 : memref<1x128x128xf32, #tpu.memory_space<vmem>> -> memref<128x128xf32, #tpu.memory_space<vmem>>
      %swap3A_823 = arith.index_cast %scan3A_709 : i32 to index
      %swap3A_824 = arith.constant 112 : index
      %swap3A_825 = tpu.vector_load %swap3A_822[%swap3A_823, %swap3A_824] {strides = array<i32>} : memref<128x128xf32, #tpu.memory_space<vmem>>, vector<1x16xf32>,
      %swap3A_826 = vector.shape_cast %swap3A_825 : vector<1x16xf32> to vector<16xf32>
      %swap3A_827 = vector.shape_cast %get3A_818 : vector<16xf32> to vector<1x16xf32>
      tpu.vector_store %swap3A_822[%swap3A_823, %swap3A_824], %swap3A_827 {add = true, strides = array<i32>} : memref<128x128xf32, #tpu.memory_space<vmem>>, vector<1x16xf32>,
    }
    %scan3A_488 = arith.constant 128 : i32
    %add3A_489 = arith.constant 128 : i32
    %add3A_490 = arith.addi %mul3A_2, %add3A_489 : i32
    %dma_start3A_491 = arith.constant 1 : i32
    %dma_start3A_492 = arith.constant 2 : i32
    %dma_start3A_493 = arith.constant 0 : i32
    %dma_start3A_494 = arith.constant 0 : i32
    %dma_start3A_495 = tpu.memref_slice %arg8[%dma_start3A_491, %dma_start3A_493, %dma_start3A_494] : memref<5x128x128xf32, #tpu.memory_space<vmem>> -> memref<1x128x128xf32, #tpu.memory_space<vmem>>
    %dma_start3A_496 = tpu.memref_squeeze %dma_start3A_495 : memref<1x128x128xf32, #tpu.memory_space<vmem>> -> memref<128x128xf32, #tpu.memory_space<vmem>>
    %dma_start3A_497 = arith.constant 0 : i32
    %dma_start3A_498 = arith.constant 0 : i32
    %dma_start3A_499 = tpu.memref_slice %dma_start3A_496[%dma_start3A_497, %dma_start3A_498] : memref<128x128xf32, #tpu.memory_space<vmem>> -> memref<128x128xf32, #tpu.memory_space<vmem>>
    %dma_start3A_500 = arith.constant 0 : i32
    %dma_start3A_501 = tpu.memref_slice %arg5[%dma_start3A_492, %add3A_490, %dma_start3A_500] : memref<4x8192x128xf32, #tpu.memory_space<hbm>> -> memref<1x128x128xf32, #tpu.memory_space<hbm>>
    %dma_start3A_502 = tpu.memref_squeeze %dma_start3A_501 : memref<1x128x128xf32, #tpu.memory_space<hbm>> -> memref<128x128xf32, #tpu.memory_space<hbm>>
    %dma_start3A_503 = arith.constant 0 : i32
    %dma_start3A_504 = tpu.memref_slice %arg5[%dma_start3A_492, %add3A_490, %dma_start3A_503] : memref<4x8192x128xf32, #tpu.memory_space<hbm>> -> memref<1x128x128xf32, #tpu.memory_space<hbm>>
    %dma_start3A_505 = tpu.memref_squeeze %dma_start3A_504 : memref<1x128x128xf32, #tpu.memory_space<hbm>> -> memref<128x128xf32, #tpu.memory_space<hbm>>
    %dma_start3A_506 = arith.constant 0 : i32
    %dma_start3A_507 = arith.constant 0 : i32
    %dma_start3A_508 = tpu.memref_slice %arg8[%dma_start3A_491, %dma_start3A_506, %dma_start3A_507] : memref<5x128x128xf32, #tpu.memory_space<vmem>> -> memref<1x128x128xf32, #tpu.memory_space<vmem>>
    %dma_start3A_509 = tpu.memref_squeeze %dma_start3A_508 : memref<1x128x128xf32, #tpu.memory_space<vmem>> -> memref<128x128xf32, #tpu.memory_space<vmem>>
    %dma_start3A_510 = arith.constant 0 : i32
    %dma_start3A_511 = arith.constant 0 : i32
    %dma_start3A_512 = tpu.memref_slice %dma_start3A_509[%dma_start3A_510, %dma_start3A_511] : memref<128x128xf32, #tpu.memory_space<vmem>> -> memref<128x128xf32, #tpu.memory_space<vmem>>
    tpu.enqueue_dma source(%dma_start3A_512 : memref<128x128xf32, #tpu.memory_space<vmem>>) target(%dma_start3A_505 : memref<128x128xf32, #tpu.memory_space<hbm>>) target_semaphore(%arg17 : memref<!tpu.dma_semaphore, #tpu.memory_space<semaphore_mem>>)
    %dma_wait3A_513 = arith.constant 3 : i32
    %dma_wait3A_514 = arith.constant 2 : i32
    %dma_wait3A_515 = arith.constant 0 : i32
    %dma_wait3A_516 = arith.constant 0 : i32
    %dma_wait3A_517 = tpu.memref_slice %arg8[%dma_wait3A_514, %dma_wait3A_515, %dma_wait3A_516] : memref<5x128x128xf32, #tpu.memory_space<vmem>> -> memref<1x64x128xf32, #tpu.memory_space<vmem>>
    %dma_wait3A_518 = tpu.memref_squeeze %dma_wait3A_517 : memref<1x64x128xf32, #tpu.memory_space<vmem>> -> memref<64x128xf32, #tpu.memory_space<vmem>>
    %dma_wait3A_519 = arith.constant 128 : i32
    %dma_wait3A_520 = tpu.memref_slice %arg6[%dma_wait3A_513, %dma_wait3A_519] : memref<4x256xi32, #tpu.memory_space<vmem>> -> memref<1x64xi32, #tpu.memory_space<vmem>>
    %dma_wait3A_521 = tpu.memref_squeeze %dma_wait3A_520 : memref<1x64xi32, #tpu.memory_space<vmem>> -> memref<64xi32, #tpu.memory_space<vmem>>
    %dma_wait3A_522 = arith.constant 0 : i32
    %dma_wait3A_523 = arith.constant 0 : i32
    %dma_wait3A_524 = tpu.memref_slice %arg3[%dma_wait3A_522, %dma_wait3A_523] : memref<1000000x128xf32, #tpu.memory_space<hbm>> -> memref<1000000x128xf32, #tpu.memory_space<hbm>>
    tpu.wait_indirect_dma semaphore(%arg13 : memref<!tpu.dma_semaphore, #tpu.memory_space<semaphore_mem>>) src(%dma_wait3A_524 : memref<1000000x128xf32, #tpu.memory_space<hbm>>) dst(%dma_wait3A_518 : memref<64x128xf32, #tpu.memory_space<vmem>>)
    %scan3A_525 = arith.constant 0 : i32
    %scan3A_526 = arith.constant 2 : i32
    %scan3A_527 = arith.constant 0 : i32
    %scan3A_528 = arith.constant 64 : i32
    %scan3A_529 = arith.addi %scan3A_527, %scan3A_528 : i32
    %scan3A_530 = arith.constant 1 : i32
    scf.for %scan3A_709 = %scan3A_527 to %scan3A_529 step %scan3A_530  : i32 {
      %add3A_710 = arith.constant 128 : i32
      %add3A_711 = arith.addi %add3A_710, %scan3A_709 : i32
      %get3A = arith.index_cast %add3A_711 : i32 to index
      %get3A_712 = arith.constant 0 : index
      %get3A_713 = tpu.vector_load %arg7[%get3A, %get3A_712] {strides = array<i32>} : memref<256x128xf32, #tpu.memory_space<vmem>>, vector<1x16xf32>,
      %get3A_714 = vector.shape_cast %get3A_713 : vector<1x16xf32> to vector<16xf32>
      %swap3A = arith.constant 0 : i32
      %swap3A_715 = arith.constant 0 : i32
      %swap3A_716 = tpu.memref_slice %arg8[%scan3A_526, %swap3A, %swap3A_715] : memref<5x128x128xf32, #tpu.memory_space<vmem>> -> memref<1x128x128xf32, #tpu.memory_space<vmem>>
      %swap3A_717 = tpu.memref_squeeze %swap3A_716 : memref<1x128x128xf32, #tpu.memory_space<vmem>> -> memref<128x128xf32, #tpu.memory_space<vmem>>
      %swap3A_718 = arith.index_cast %scan3A_709 : i32 to index
      %swap3A_719 = arith.constant 0 : index
      %swap3A_720 = tpu.vector_load %swap3A_717[%swap3A_718, %swap3A_719] {strides = array<i32>} : memref<128x128xf32, #tpu.memory_space<vmem>>, vector<1x16xf32>,
      %swap3A_721 = vector.shape_cast %swap3A_720 : vector<1x16xf32> to vector<16xf32>
      %swap3A_722 = vector.shape_cast %get3A_714 : vector<16xf32> to vector<1x16xf32>
      tpu.vector_store %swap3A_717[%swap3A_718, %swap3A_719], %swap3A_722 {add = true, strides = array<i32>} : memref<128x128xf32, #tpu.memory_space<vmem>>, vector<1x16xf32>,
      %add3A_723 = arith.constant 128 : i32
      %add3A_724 = arith.addi %add3A_723, %scan3A_709 : i32
      %get3A_725 = arith.index_cast %add3A_724 : i32 to index
      %get3A_726 = arith.constant 16 : index
      %get3A_727 = tpu.vector_load %arg7[%get3A_725, %get3A_726] {strides = array<i32>} : memref<256x128xf32, #tpu.memory_space<vmem>>, vector<1x16xf32>,
      %get3A_728 = vector.shape_cast %get3A_727 : vector<1x16xf32> to vector<16xf32>
      %swap3A_729 = arith.constant 0 : i32
      %swap3A_730 = arith.constant 0 : i32
      %swap3A_731 = tpu.memref_slice %arg8[%scan3A_526, %swap3A_729, %swap3A_730] : memref<5x128x128xf32, #tpu.memory_space<vmem>> -> memref<1x128x128xf32, #tpu.memory_space<vmem>>
      %swap3A_732 = tpu.memref_squeeze %swap3A_731 : memref<1x128x128xf32, #tpu.memory_space<vmem>> -> memref<128x128xf32, #tpu.memory_space<vmem>>
      %swap3A_733 = arith.index_cast %scan3A_709 : i32 to index
      %swap3A_734 = arith.constant 16 : index
      %swap3A_735 = tpu.vector_load %swap3A_732[%swap3A_733, %swap3A_734] {strides = array<i32>} : memref<128x128xf32, #tpu.memory_space<vmem>>, vector<1x16xf32>,
      %swap3A_736 = vector.shape_cast %swap3A_735 : vector<1x16xf32> to vector<16xf32>
      %swap3A_737 = vector.shape_cast %get3A_728 : vector<16xf32> to vector<1x16xf32>
      tpu.vector_store %swap3A_732[%swap3A_733, %swap3A_734], %swap3A_737 {add = true, strides = array<i32>} : memref<128x128xf32, #tpu.memory_space<vmem>>, vector<1x16xf32>,
      %add3A_738 = arith.constant 128 : i32
      %add3A_739 = arith.addi %add3A_738, %scan3A_709 : i32
      %get3A_740 = arith.index_cast %add3A_739 : i32 to index
      %get3A_741 = arith.constant 32 : index
      %get3A_742 = tpu.vector_load %arg7[%get3A_740, %get3A_741] {strides = array<i32>} : memref<256x128xf32, #tpu.memory_space<vmem>>, vector<1x16xf32>,
      %get3A_743 = vector.shape_cast %get3A_742 : vector<1x16xf32> to vector<16xf32>
      %swap3A_744 = arith.constant 0 : i32
      %swap3A_745 = arith.constant 0 : i32
      %swap3A_746 = tpu.memref_slice %arg8[%scan3A_526, %swap3A_744, %swap3A_745] : memref<5x128x128xf32, #tpu.memory_space<vmem>> -> memref<1x128x128xf32, #tpu.memory_space<vmem>>
      %swap3A_747 = tpu.memref_squeeze %swap3A_746 : memref<1x128x128xf32, #tpu.memory_space<vmem>> -> memref<128x128xf32, #tpu.memory_space<vmem>>
      %swap3A_748 = arith.index_cast %scan3A_709 : i32 to index
      %swap3A_749 = arith.constant 32 : index
      %swap3A_750 = tpu.vector_load %swap3A_747[%swap3A_748, %swap3A_749] {strides = array<i32>} : memref<128x128xf32, #tpu.memory_space<vmem>>, vector<1x16xf32>,
      %swap3A_751 = vector.shape_cast %swap3A_750 : vector<1x16xf32> to vector<16xf32>
      %swap3A_752 = vector.shape_cast %get3A_743 : vector<16xf32> to vector<1x16xf32>
      tpu.vector_store %swap3A_747[%swap3A_748, %swap3A_749], %swap3A_752 {add = true, strides = array<i32>} : memref<128x128xf32, #tpu.memory_space<vmem>>, vector<1x16xf32>,
      %add3A_753 = arith.constant 128 : i32
      %add3A_754 = arith.addi %add3A_753, %scan3A_709 : i32
      %get3A_755 = arith.index_cast %add3A_754 : i32 to index
      %get3A_756 = arith.constant 48 : index
      %get3A_757 = tpu.vector_load %arg7[%get3A_755, %get3A_756] {strides = array<i32>} : memref<256x128xf32, #tpu.memory_space<vmem>>, vector<1x16xf32>,
      %get3A_758 = vector.shape_cast %get3A_757 : vector<1x16xf32> to vector<16xf32>
      %swap3A_759 = arith.constant 0 : i32
      %swap3A_760 = arith.constant 0 : i32
      %swap3A_761 = tpu.memref_slice %arg8[%scan3A_526, %swap3A_759, %swap3A_760] : memref<5x128x128xf32, #tpu.memory_space<vmem>> -> memref<1x128x128xf32, #tpu.memory_space<vmem>>
      %swap3A_762 = tpu.memref_squeeze %swap3A_761 : memref<1x128x128xf32, #tpu.memory_space<vmem>> -> memref<128x128xf32, #tpu.memory_space<vmem>>
      %swap3A_763 = arith.index_cast %scan3A_709 : i32 to index
      %swap3A_764 = arith.constant 48 : index
      %swap3A_765 = tpu.vector_load %swap3A_762[%swap3A_763, %swap3A_764] {strides = array<i32>} : memref<128x128xf32, #tpu.memory_space<vmem>>, vector<1x16xf32>,
      %swap3A_766 = vector.shape_cast %swap3A_765 : vector<1x16xf32> to vector<16xf32>
      %swap3A_767 = vector.shape_cast %get3A_758 : vector<16xf32> to vector<1x16xf32>
      tpu.vector_store %swap3A_762[%swap3A_763, %swap3A_764], %swap3A_767 {add = true, strides = array<i32>} : memref<128x128xf32, #tpu.memory_space<vmem>>, vector<1x16xf32>,
      %add3A_768 = arith.constant 128 : i32
      %add3A_769 = arith.addi %add3A_768, %scan3A_709 : i32
      %get3A_770 = arith.index_cast %add3A_769 : i32 to index
      %get3A_771 = arith.constant 64 : index
      %get3A_772 = tpu.vector_load %arg7[%get3A_770, %get3A_771] {strides = array<i32>} : memref<256x128xf32, #tpu.memory_space<vmem>>, vector<1x16xf32>,
      %get3A_773 = vector.shape_cast %get3A_772 : vector<1x16xf32> to vector<16xf32>
      %swap3A_774 = arith.constant 0 : i32
      %swap3A_775 = arith.constant 0 : i32
      %swap3A_776 = tpu.memref_slice %arg8[%scan3A_526, %swap3A_774, %swap3A_775] : memref<5x128x128xf32, #tpu.memory_space<vmem>> -> memref<1x128x128xf32, #tpu.memory_space<vmem>>
      %swap3A_777 = tpu.memref_squeeze %swap3A_776 : memref<1x128x128xf32, #tpu.memory_space<vmem>> -> memref<128x128xf32, #tpu.memory_space<vmem>>
      %swap3A_778 = arith.index_cast %scan3A_709 : i32 to index
      %swap3A_779 = arith.constant 64 : index
      %swap3A_780 = tpu.vector_load %swap3A_777[%swap3A_778, %swap3A_779] {strides = array<i32>} : memref<128x128xf32, #tpu.memory_space<vmem>>, vector<1x16xf32>,
      %swap3A_781 = vector.shape_cast %swap3A_780 : vector<1x16xf32> to vector<16xf32>
      %swap3A_782 = vector.shape_cast %get3A_773 : vector<16xf32> to vector<1x16xf32>
      tpu.vector_store %swap3A_777[%swap3A_778, %swap3A_779], %swap3A_782 {add = true, strides = array<i32>} : memref<128x128xf32, #tpu.memory_space<vmem>>, vector<1x16xf32>,
      %add3A_783 = arith.constant 128 : i32
      %add3A_784 = arith.addi %add3A_783, %scan3A_709 : i32
      %get3A_785 = arith.index_cast %add3A_784 : i32 to index
      %get3A_786 = arith.constant 80 : index
      %get3A_787 = tpu.vector_load %arg7[%get3A_785, %get3A_786] {strides = array<i32>} : memref<256x128xf32, #tpu.memory_space<vmem>>, vector<1x16xf32>,
      %get3A_788 = vector.shape_cast %get3A_787 : vector<1x16xf32> to vector<16xf32>
      %swap3A_789 = arith.constant 0 : i32
      %swap3A_790 = arith.constant 0 : i32
      %swap3A_791 = tpu.memref_slice %arg8[%scan3A_526, %swap3A_789, %swap3A_790] : memref<5x128x128xf32, #tpu.memory_space<vmem>> -> memref<1x128x128xf32, #tpu.memory_space<vmem>>
      %swap3A_792 = tpu.memref_squeeze %swap3A_791 : memref<1x128x128xf32, #tpu.memory_space<vmem>> -> memref<128x128xf32, #tpu.memory_space<vmem>>
      %swap3A_793 = arith.index_cast %scan3A_709 : i32 to index
      %swap3A_794 = arith.constant 80 : index
      %swap3A_795 = tpu.vector_load %swap3A_792[%swap3A_793, %swap3A_794] {strides = array<i32>} : memref<128x128xf32, #tpu.memory_space<vmem>>, vector<1x16xf32>,
      %swap3A_796 = vector.shape_cast %swap3A_795 : vector<1x16xf32> to vector<16xf32>
      %swap3A_797 = vector.shape_cast %get3A_788 : vector<16xf32> to vector<1x16xf32>
      tpu.vector_store %swap3A_792[%swap3A_793, %swap3A_794], %swap3A_797 {add = true, strides = array<i32>} : memref<128x128xf32, #tpu.memory_space<vmem>>, vector<1x16xf32>,
      %add3A_798 = arith.constant 128 : i32
      %add3A_799 = arith.addi %add3A_798, %scan3A_709 : i32
      %get3A_800 = arith.index_cast %add3A_799 : i32 to index
      %get3A_801 = arith.constant 96 : index
      %get3A_802 = tpu.vector_load %arg7[%get3A_800, %get3A_801] {strides = array<i32>} : memref<256x128xf32, #tpu.memory_space<vmem>>, vector<1x16xf32>,
      %get3A_803 = vector.shape_cast %get3A_802 : vector<1x16xf32> to vector<16xf32>
      %swap3A_804 = arith.constant 0 : i32
      %swap3A_805 = arith.constant 0 : i32
      %swap3A_806 = tpu.memref_slice %arg8[%scan3A_526, %swap3A_804, %swap3A_805] : memref<5x128x128xf32, #tpu.memory_space<vmem>> -> memref<1x128x128xf32, #tpu.memory_space<vmem>>
      %swap3A_807 = tpu.memref_squeeze %swap3A_806 : memref<1x128x128xf32, #tpu.memory_space<vmem>> -> memref<128x128xf32, #tpu.memory_space<vmem>>
      %swap3A_808 = arith.index_cast %scan3A_709 : i32 to index
      %swap3A_809 = arith.constant 96 : index
      %swap3A_810 = tpu.vector_load %swap3A_807[%swap3A_808, %swap3A_809] {strides = array<i32>} : memref<128x128xf32, #tpu.memory_space<vmem>>, vector<1x16xf32>,
      %swap3A_811 = vector.shape_cast %swap3A_810 : vector<1x16xf32> to vector<16xf32>
      %swap3A_812 = vector.shape_cast %get3A_803 : vector<16xf32> to vector<1x16xf32>
      tpu.vector_store %swap3A_807[%swap3A_808, %swap3A_809], %swap3A_812 {add = true, strides = array<i32>} : memref<128x128xf32, #tpu.memory_space<vmem>>, vector<1x16xf32>,
      %add3A_813 = arith.constant 128 : i32
      %add3A_814 = arith.addi %add3A_813, %scan3A_709 : i32
      %get3A_815 = arith.index_cast %add3A_814 : i32 to index
      %get3A_816 = arith.constant 112 : index
      %get3A_817 = tpu.vector_load %arg7[%get3A_815, %get3A_816] {strides = array<i32>} : memref<256x128xf32, #tpu.memory_space<vmem>>, vector<1x16xf32>,
      %get3A_818 = vector.shape_cast %get3A_817 : vector<1x16xf32> to vector<16xf32>
      %swap3A_819 = arith.constant 0 : i32
      %swap3A_820 = arith.constant 0 : i32
      %swap3A_821 = tpu.memref_slice %arg8[%scan3A_526, %swap3A_819, %swap3A_820] : memref<5x128x128xf32, #tpu.memory_space<vmem>> -> memref<1x128x128xf32, #tpu.memory_space<vmem>>
      %swap3A_822 = tpu.memref_squeeze %swap3A_821 : memref<1x128x128xf32, #tpu.memory_space<vmem>> -> memref<128x128xf32, #tpu.memory_space<vmem>>
      %swap3A_823 = arith.index_cast %scan3A_709 : i32 to index
      %swap3A_824 = arith.constant 112 : index
      %swap3A_825 = tpu.vector_load %swap3A_822[%swap3A_823, %swap3A_824] {strides = array<i32>} : memref<128x128xf32, #tpu.memory_space<vmem>>, vector<1x16xf32>,
      %swap3A_826 = vector.shape_cast %swap3A_825 : vector<1x16xf32> to vector<16xf32>
      %swap3A_827 = vector.shape_cast %get3A_818 : vector<16xf32> to vector<1x16xf32>
      tpu.vector_store %swap3A_822[%swap3A_823, %swap3A_824], %swap3A_827 {add = true, strides = array<i32>} : memref<128x128xf32, #tpu.memory_space<vmem>>, vector<1x16xf32>,
    }
    %scan3A_531 = arith.constant 64 : i32
    %add3A_532 = arith.constant 128 : i32
    %add3A_533 = arith.addi %mul3A_2, %add3A_532 : i32
    %dma_start3A_534 = arith.constant 2 : i32
    %dma_start3A_535 = arith.constant 3 : i32
    %dma_start3A_536 = arith.constant 0 : i32
    %dma_start3A_537 = arith.constant 0 : i32
    %dma_start3A_538 = tpu.memref_slice %arg8[%dma_start3A_534, %dma_start3A_536, %dma_start3A_537] : memref<5x128x128xf32, #tpu.memory_space<vmem>> -> memref<1x128x128xf32, #tpu.memory_space<vmem>>
    %dma_start3A_539 = tpu.memref_squeeze %dma_start3A_538 : memref<1x128x128xf32, #tpu.memory_space<vmem>> -> memref<128x128xf32, #tpu.memory_space<vmem>>
    %dma_start3A_540 = arith.constant 0 : i32
    %dma_start3A_541 = arith.constant 0 : i32
    %dma_start3A_542 = tpu.memref_slice %dma_start3A_539[%dma_start3A_540, %dma_start3A_541] : memref<128x128xf32, #tpu.memory_space<vmem>> -> memref<64x128xf32, #tpu.memory_space<vmem>>
    %dma_start3A_543 = arith.constant 0 : i32
    %dma_start3A_544 = tpu.memref_slice %arg5[%dma_start3A_535, %add3A_533, %dma_start3A_543] : memref<4x8192x128xf32, #tpu.memory_space<hbm>> -> memref<1x64x128xf32, #tpu.memory_space<hbm>>
    %dma_start3A_545 = tpu.memref_squeeze %dma_start3A_544 : memref<1x64x128xf32, #tpu.memory_space<hbm>> -> memref<64x128xf32, #tpu.memory_space<hbm>>
    %dma_start3A_546 = arith.constant 0 : i32
    %dma_start3A_547 = tpu.memref_slice %arg5[%dma_start3A_535, %add3A_533, %dma_start3A_546] : memref<4x8192x128xf32, #tpu.memory_space<hbm>> -> memref<1x64x128xf32, #tpu.memory_space<hbm>>
    %dma_start3A_548 = tpu.memref_squeeze %dma_start3A_547 : memref<1x64x128xf32, #tpu.memory_space<hbm>> -> memref<64x128xf32, #tpu.memory_space<hbm>>
    %dma_start3A_549 = arith.constant 0 : i32
    %dma_start3A_550 = arith.constant 0 : i32
    %dma_start3A_551 = tpu.memref_slice %arg8[%dma_start3A_534, %dma_start3A_549, %dma_start3A_550] : memref<5x128x128xf32, #tpu.memory_space<vmem>> -> memref<1x128x128xf32, #tpu.memory_space<vmem>>
    %dma_start3A_552 = tpu.memref_squeeze %dma_start3A_551 : memref<1x128x128xf32, #tpu.memory_space<vmem>> -> memref<128x128xf32, #tpu.memory_space<vmem>>
    %dma_start3A_553 = arith.constant 0 : i32
    %dma_start3A_554 = arith.constant 0 : i32
    %dma_start3A_555 = tpu.memref_slice %dma_start3A_552[%dma_start3A_553, %dma_start3A_554] : memref<128x128xf32, #tpu.memory_space<vmem>> -> memref<64x128xf32, #tpu.memory_space<vmem>>
    tpu.enqueue_dma source(%dma_start3A_555 : memref<64x128xf32, #tpu.memory_space<vmem>>) target(%dma_start3A_548 : memref<64x128xf32, #tpu.memory_space<hbm>>) target_semaphore(%arg18 : memref<!tpu.dma_semaphore, #tpu.memory_space<semaphore_mem>>)
    %dma_wait3A_556 = arith.constant 3 : i32
    %dma_wait3A_557 = arith.constant 3 : i32
    %dma_wait3A_558 = arith.constant 0 : i32
    %dma_wait3A_559 = arith.constant 0 : i32
    %dma_wait3A_560 = tpu.memref_slice %arg8[%dma_wait3A_557, %dma_wait3A_558, %dma_wait3A_559] : memref<5x128x128xf32, #tpu.memory_space<vmem>> -> memref<1x64x128xf32, #tpu.memory_space<vmem>>
    %dma_wait3A_561 = tpu.memref_squeeze %dma_wait3A_560 : memref<1x64x128xf32, #tpu.memory_space<vmem>> -> memref<64x128xf32, #tpu.memory_space<vmem>>
    %dma_wait3A_562 = arith.constant 192 : i32
    %dma_wait3A_563 = tpu.memref_slice %arg6[%dma_wait3A_556, %dma_wait3A_562] : memref<4x256xi32, #tpu.memory_space<vmem>> -> memref<1x64xi32, #tpu.memory_space<vmem>>
    %dma_wait3A_564 = tpu.memref_squeeze %dma_wait3A_563 : memref<1x64xi32, #tpu.memory_space<vmem>> -> memref<64xi32, #tpu.memory_space<vmem>>
    %dma_wait3A_565 = arith.constant 0 : i32
    %dma_wait3A_566 = arith.constant 0 : i32
    %dma_wait3A_567 = tpu.memref_slice %arg3[%dma_wait3A_565, %dma_wait3A_566] : memref<1000000x128xf32, #tpu.memory_space<hbm>> -> memref<1000000x128xf32, #tpu.memory_space<hbm>>
    tpu.wait_indirect_dma semaphore(%arg14 : memref<!tpu.dma_semaphore, #tpu.memory_space<semaphore_mem>>) src(%dma_wait3A_567 : memref<1000000x128xf32, #tpu.memory_space<hbm>>) dst(%dma_wait3A_561 : memref<64x128xf32, #tpu.memory_space<vmem>>)
    %scan3A_568 = arith.constant 0 : i32
    %scan3A_569 = arith.constant 3 : i32
    %scan3A_570 = arith.constant 0 : i32
    %scan3A_571 = arith.constant 64 : i32
    %scan3A_572 = arith.addi %scan3A_570, %scan3A_571 : i32
    %scan3A_573 = arith.constant 1 : i32
    scf.for %scan3A_709 = %scan3A_570 to %scan3A_572 step %scan3A_573  : i32 {
      %add3A_710 = arith.constant 192 : i32
      %add3A_711 = arith.addi %add3A_710, %scan3A_709 : i32
      %get3A = arith.index_cast %add3A_711 : i32 to index
      %get3A_712 = arith.constant 0 : index
      %get3A_713 = tpu.vector_load %arg7[%get3A, %get3A_712] {strides = array<i32>} : memref<256x128xf32, #tpu.memory_space<vmem>>, vector<1x16xf32>,
      %get3A_714 = vector.shape_cast %get3A_713 : vector<1x16xf32> to vector<16xf32>
      %swap3A = arith.constant 0 : i32
      %swap3A_715 = arith.constant 0 : i32
      %swap3A_716 = tpu.memref_slice %arg8[%scan3A_569, %swap3A, %swap3A_715] : memref<5x128x128xf32, #tpu.memory_space<vmem>> -> memref<1x128x128xf32, #tpu.memory_space<vmem>>
      %swap3A_717 = tpu.memref_squeeze %swap3A_716 : memref<1x128x128xf32, #tpu.memory_space<vmem>> -> memref<128x128xf32, #tpu.memory_space<vmem>>
      %swap3A_718 = arith.index_cast %scan3A_709 : i32 to index
      %swap3A_719 = arith.constant 0 : index
      %swap3A_720 = tpu.vector_load %swap3A_717[%swap3A_718, %swap3A_719] {strides = array<i32>} : memref<128x128xf32, #tpu.memory_space<vmem>>, vector<1x16xf32>,
      %swap3A_721 = vector.shape_cast %swap3A_720 : vector<1x16xf32> to vector<16xf32>
      %swap3A_722 = vector.shape_cast %get3A_714 : vector<16xf32> to vector<1x16xf32>
      tpu.vector_store %swap3A_717[%swap3A_718, %swap3A_719], %swap3A_722 {add = true, strides = array<i32>} : memref<128x128xf32, #tpu.memory_space<vmem>>, vector<1x16xf32>,
      %add3A_723 = arith.constant 192 : i32
      %add3A_724 = arith.addi %add3A_723, %scan3A_709 : i32
      %get3A_725 = arith.index_cast %add3A_724 : i32 to index
      %get3A_726 = arith.constant 16 : index
      %get3A_727 = tpu.vector_load %arg7[%get3A_725, %get3A_726] {strides = array<i32>} : memref<256x128xf32, #tpu.memory_space<vmem>>, vector<1x16xf32>,
      %get3A_728 = vector.shape_cast %get3A_727 : vector<1x16xf32> to vector<16xf32>
      %swap3A_729 = arith.constant 0 : i32
      %swap3A_730 = arith.constant 0 : i32
      %swap3A_731 = tpu.memref_slice %arg8[%scan3A_569, %swap3A_729, %swap3A_730] : memref<5x128x128xf32, #tpu.memory_space<vmem>> -> memref<1x128x128xf32, #tpu.memory_space<vmem>>
      %swap3A_732 = tpu.memref_squeeze %swap3A_731 : memref<1x128x128xf32, #tpu.memory_space<vmem>> -> memref<128x128xf32, #tpu.memory_space<vmem>>
      %swap3A_733 = arith.index_cast %scan3A_709 : i32 to index
      %swap3A_734 = arith.constant 16 : index
      %swap3A_735 = tpu.vector_load %swap3A_732[%swap3A_733, %swap3A_734] {strides = array<i32>} : memref<128x128xf32, #tpu.memory_space<vmem>>, vector<1x16xf32>,
      %swap3A_736 = vector.shape_cast %swap3A_735 : vector<1x16xf32> to vector<16xf32>
      %swap3A_737 = vector.shape_cast %get3A_728 : vector<16xf32> to vector<1x16xf32>
      tpu.vector_store %swap3A_732[%swap3A_733, %swap3A_734], %swap3A_737 {add = true, strides = array<i32>} : memref<128x128xf32, #tpu.memory_space<vmem>>, vector<1x16xf32>,
      %add3A_738 = arith.constant 192 : i32
      %add3A_739 = arith.addi %add3A_738, %scan3A_709 : i32
      %get3A_740 = arith.index_cast %add3A_739 : i32 to index
      %get3A_741 = arith.constant 32 : index
      %get3A_742 = tpu.vector_load %arg7[%get3A_740, %get3A_741] {strides = array<i32>} : memref<256x128xf32, #tpu.memory_space<vmem>>, vector<1x16xf32>,
      %get3A_743 = vector.shape_cast %get3A_742 : vector<1x16xf32> to vector<16xf32>
      %swap3A_744 = arith.constant 0 : i32
      %swap3A_745 = arith.constant 0 : i32
      %swap3A_746 = tpu.memref_slice %arg8[%scan3A_569, %swap3A_744, %swap3A_745] : memref<5x128x128xf32, #tpu.memory_space<vmem>> -> memref<1x128x128xf32, #tpu.memory_space<vmem>>
      %swap3A_747 = tpu.memref_squeeze %swap3A_746 : memref<1x128x128xf32, #tpu.memory_space<vmem>> -> memref<128x128xf32, #tpu.memory_space<vmem>>
      %swap3A_748 = arith.index_cast %scan3A_709 : i32 to index
      %swap3A_749 = arith.constant 32 : index
      %swap3A_750 = tpu.vector_load %swap3A_747[%swap3A_748, %swap3A_749] {strides = array<i32>} : memref<128x128xf32, #tpu.memory_space<vmem>>, vector<1x16xf32>,
      %swap3A_751 = vector.shape_cast %swap3A_750 : vector<1x16xf32> to vector<16xf32>
      %swap3A_752 = vector.shape_cast %get3A_743 : vector<16xf32> to vector<1x16xf32>
      tpu.vector_store %swap3A_747[%swap3A_748, %swap3A_749], %swap3A_752 {add = true, strides = array<i32>} : memref<128x128xf32, #tpu.memory_space<vmem>>, vector<1x16xf32>,
      %add3A_753 = arith.constant 192 : i32
      %add3A_754 = arith.addi %add3A_753, %scan3A_709 : i32
      %get3A_755 = arith.index_cast %add3A_754 : i32 to index
      %get3A_756 = arith.constant 48 : index
      %get3A_757 = tpu.vector_load %arg7[%get3A_755, %get3A_756] {strides = array<i32>} : memref<256x128xf32, #tpu.memory_space<vmem>>, vector<1x16xf32>,
      %get3A_758 = vector.shape_cast %get3A_757 : vector<1x16xf32> to vector<16xf32>
      %swap3A_759 = arith.constant 0 : i32
      %swap3A_760 = arith.constant 0 : i32
      %swap3A_761 = tpu.memref_slice %arg8[%scan3A_569, %swap3A_759, %swap3A_760] : memref<5x128x128xf32, #tpu.memory_space<vmem>> -> memref<1x128x128xf32, #tpu.memory_space<vmem>>
      %swap3A_762 = tpu.memref_squeeze %swap3A_761 : memref<1x128x128xf32, #tpu.memory_space<vmem>> -> memref<128x128xf32, #tpu.memory_space<vmem>>
      %swap3A_763 = arith.index_cast %scan3A_709 : i32 to index
      %swap3A_764 = arith.constant 48 : index
      %swap3A_765 = tpu.vector_load %swap3A_762[%swap3A_763, %swap3A_764] {strides = array<i32>} : memref<128x128xf32, #tpu.memory_space<vmem>>, vector<1x16xf32>,
      %swap3A_766 = vector.shape_cast %swap3A_765 : vector<1x16xf32> to vector<16xf32>
      %swap3A_767 = vector.shape_cast %get3A_758 : vector<16xf32> to vector<1x16xf32>
      tpu.vector_store %swap3A_762[%swap3A_763, %swap3A_764], %swap3A_767 {add = true, strides = array<i32>} : memref<128x128xf32, #tpu.memory_space<vmem>>, vector<1x16xf32>,
      %add3A_768 = arith.constant 192 : i32
      %add3A_769 = arith.addi %add3A_768, %scan3A_709 : i32
      %get3A_770 = arith.index_cast %add3A_769 : i32 to index
      %get3A_771 = arith.constant 64 : index
      %get3A_772 = tpu.vector_load %arg7[%get3A_770, %get3A_771] {strides = array<i32>} : memref<256x128xf32, #tpu.memory_space<vmem>>, vector<1x16xf32>,
      %get3A_773 = vector.shape_cast %get3A_772 : vector<1x16xf32> to vector<16xf32>
      %swap3A_774 = arith.constant 0 : i32
      %swap3A_775 = arith.constant 0 : i32
      %swap3A_776 = tpu.memref_slice %arg8[%scan3A_569, %swap3A_774, %swap3A_775] : memref<5x128x128xf32, #tpu.memory_space<vmem>> -> memref<1x128x128xf32, #tpu.memory_space<vmem>>
      %swap3A_777 = tpu.memref_squeeze %swap3A_776 : memref<1x128x128xf32, #tpu.memory_space<vmem>> -> memref<128x128xf32, #tpu.memory_space<vmem>>
      %swap3A_778 = arith.index_cast %scan3A_709 : i32 to index
      %swap3A_779 = arith.constant 64 : index
      %swap3A_780 = tpu.vector_load %swap3A_777[%swap3A_778, %swap3A_779] {strides = array<i32>} : memref<128x128xf32, #tpu.memory_space<vmem>>, vector<1x16xf32>,
      %swap3A_781 = vector.shape_cast %swap3A_780 : vector<1x16xf32> to vector<16xf32>
      %swap3A_782 = vector.shape_cast %get3A_773 : vector<16xf32> to vector<1x16xf32>
      tpu.vector_store %swap3A_777[%swap3A_778, %swap3A_779], %swap3A_782 {add = true, strides = array<i32>} : memref<128x128xf32, #tpu.memory_space<vmem>>, vector<1x16xf32>,
      %add3A_783 = arith.constant 192 : i32
      %add3A_784 = arith.addi %add3A_783, %scan3A_709 : i32
      %get3A_785 = arith.index_cast %add3A_784 : i32 to index
      %get3A_786 = arith.constant 80 : index
      %get3A_787 = tpu.vector_load %arg7[%get3A_785, %get3A_786] {strides = array<i32>} : memref<256x128xf32, #tpu.memory_space<vmem>>, vector<1x16xf32>,
      %get3A_788 = vector.shape_cast %get3A_787 : vector<1x16xf32> to vector<16xf32>
      %swap3A_789 = arith.constant 0 : i32
      %swap3A_790 = arith.constant 0 : i32
      %swap3A_791 = tpu.memref_slice %arg8[%scan3A_569, %swap3A_789, %swap3A_790] : memref<5x128x128xf32, #tpu.memory_space<vmem>> -> memref<1x128x128xf32, #tpu.memory_space<vmem>>
      %swap3A_792 = tpu.memref_squeeze %swap3A_791 : memref<1x128x128xf32, #tpu.memory_space<vmem>> -> memref<128x128xf32, #tpu.memory_space<vmem>>
      %swap3A_793 = arith.index_cast %scan3A_709 : i32 to index
      %swap3A_794 = arith.constant 80 : index
      %swap3A_795 = tpu.vector_load %swap3A_792[%swap3A_793, %swap3A_794] {strides = array<i32>} : memref<128x128xf32, #tpu.memory_space<vmem>>, vector<1x16xf32>,
      %swap3A_796 = vector.shape_cast %swap3A_795 : vector<1x16xf32> to vector<16xf32>
      %swap3A_797 = vector.shape_cast %get3A_788 : vector<16xf32> to vector<1x16xf32>
      tpu.vector_store %swap3A_792[%swap3A_793, %swap3A_794], %swap3A_797 {add = true, strides = array<i32>} : memref<128x128xf32, #tpu.memory_space<vmem>>, vector<1x16xf32>,
      %add3A_798 = arith.constant 192 : i32
      %add3A_799 = arith.addi %add3A_798, %scan3A_709 : i32
      %get3A_800 = arith.index_cast %add3A_799 : i32 to index
      %get3A_801 = arith.constant 96 : index
      %get3A_802 = tpu.vector_load %arg7[%get3A_800, %get3A_801] {strides = array<i32>} : memref<256x128xf32, #tpu.memory_space<vmem>>, vector<1x16xf32>,
      %get3A_803 = vector.shape_cast %get3A_802 : vector<1x16xf32> to vector<16xf32>
      %swap3A_804 = arith.constant 0 : i32
      %swap3A_805 = arith.constant 0 : i32
      %swap3A_806 = tpu.memref_slice %arg8[%scan3A_569, %swap3A_804, %swap3A_805] : memref<5x128x128xf32, #tpu.memory_space<vmem>> -> memref<1x128x128xf32, #tpu.memory_space<vmem>>
      %swap3A_807 = tpu.memref_squeeze %swap3A_806 : memref<1x128x128xf32, #tpu.memory_space<vmem>> -> memref<128x128xf32, #tpu.memory_space<vmem>>
      %swap3A_808 = arith.index_cast %scan3A_709 : i32 to index
      %swap3A_809 = arith.constant 96 : index
      %swap3A_810 = tpu.vector_load %swap3A_807[%swap3A_808, %swap3A_809] {strides = array<i32>} : memref<128x128xf32, #tpu.memory_space<vmem>>, vector<1x16xf32>,
      %swap3A_811 = vector.shape_cast %swap3A_810 : vector<1x16xf32> to vector<16xf32>
      %swap3A_812 = vector.shape_cast %get3A_803 : vector<16xf32> to vector<1x16xf32>
      tpu.vector_store %swap3A_807[%swap3A_808, %swap3A_809], %swap3A_812 {add = true, strides = array<i32>} : memref<128x128xf32, #tpu.memory_space<vmem>>, vector<1x16xf32>,
      %add3A_813 = arith.constant 192 : i32
      %add3A_814 = arith.addi %add3A_813, %scan3A_709 : i32
      %get3A_815 = arith.index_cast %add3A_814 : i32 to index
      %get3A_816 = arith.constant 112 : index
      %get3A_817 = tpu.vector_load %arg7[%get3A_815, %get3A_816] {strides = array<i32>} : memref<256x128xf32, #tpu.memory_space<vmem>>, vector<1x16xf32>,
      %get3A_818 = vector.shape_cast %get3A_817 : vector<1x16xf32> to vector<16xf32>
      %swap3A_819 = arith.constant 0 : i32
      %swap3A_820 = arith.constant 0 : i32
      %swap3A_821 = tpu.memref_slice %arg8[%scan3A_569, %swap3A_819, %swap3A_820] : memref<5x128x128xf32, #tpu.memory_space<vmem>> -> memref<1x128x128xf32, #tpu.memory_space<vmem>>
      %swap3A_822 = tpu.memref_squeeze %swap3A_821 : memref<1x128x128xf32, #tpu.memory_space<vmem>> -> memref<128x128xf32, #tpu.memory_space<vmem>>
      %swap3A_823 = arith.index_cast %scan3A_709 : i32 to index
      %swap3A_824 = arith.constant 112 : index
      %swap3A_825 = tpu.vector_load %swap3A_822[%swap3A_823, %swap3A_824] {strides = array<i32>} : memref<128x128xf32, #tpu.memory_space<vmem>>, vector<1x16xf32>,
      %swap3A_826 = vector.shape_cast %swap3A_825 : vector<1x16xf32> to vector<16xf32>
      %swap3A_827 = vector.shape_cast %get3A_818 : vector<16xf32> to vector<1x16xf32>
      tpu.vector_store %swap3A_822[%swap3A_823, %swap3A_824], %swap3A_827 {add = true, strides = array<i32>} : memref<128x128xf32, #tpu.memory_space<vmem>>, vector<1x16xf32>,
    }
    %scan3A_574 = arith.constant 64 : i32
    %add3A_575 = arith.constant 192 : i32
    %add3A_576 = arith.addi %mul3A_2, %add3A_575 : i32
    %dma_start3A_577 = arith.constant 3 : i32
    %dma_start3A_578 = arith.constant 3 : i32
    %dma_start3A_579 = arith.constant 0 : i32
    %dma_start3A_580 = arith.constant 0 : i32
    %dma_start3A_581 = tpu.memref_slice %arg8[%dma_start3A_577, %dma_start3A_579, %dma_start3A_580] : memref<5x128x128xf32, #tpu.memory_space<vmem>> -> memref<1x128x128xf32, #tpu.memory_space<vmem>>
    %dma_start3A_582 = tpu.memref_squeeze %dma_start3A_581 : memref<1x128x128xf32, #tpu.memory_space<vmem>> -> memref<128x128xf32, #tpu.memory_space<vmem>>
    %dma_start3A_583 = arith.constant 0 : i32
    %dma_start3A_584 = arith.constant 0 : i32
    %dma_start3A_585 = tpu.memref_slice %dma_start3A_582[%dma_start3A_583, %dma_start3A_584] : memref<128x128xf32, #tpu.memory_space<vmem>> -> memref<64x128xf32, #tpu.memory_space<vmem>>
    %dma_start3A_586 = arith.constant 0 : i32
    %dma_start3A_587 = tpu.memref_slice %arg5[%dma_start3A_578, %add3A_576, %dma_start3A_586] : memref<4x8192x128xf32, #tpu.memory_space<hbm>> -> memref<1x64x128xf32, #tpu.memory_space<hbm>>
    %dma_start3A_588 = tpu.memref_squeeze %dma_start3A_587 : memref<1x64x128xf32, #tpu.memory_space<hbm>> -> memref<64x128xf32, #tpu.memory_space<hbm>>
    %dma_start3A_589 = arith.constant 0 : i32
    %dma_start3A_590 = tpu.memref_slice %arg5[%dma_start3A_578, %add3A_576, %dma_start3A_589] : memref<4x8192x128xf32, #tpu.memory_space<hbm>> -> memref<1x64x128xf32, #tpu.memory_space<hbm>>
    %dma_start3A_591 = tpu.memref_squeeze %dma_start3A_590 : memref<1x64x128xf32, #tpu.memory_space<hbm>> -> memref<64x128xf32, #tpu.memory_space<hbm>>
    %dma_start3A_592 = arith.constant 0 : i32
    %dma_start3A_593 = arith.constant 0 : i32
    %dma_start3A_594 = tpu.memref_slice %arg8[%dma_start3A_577, %dma_start3A_592, %dma_start3A_593] : memref<5x128x128xf32, #tpu.memory_space<vmem>> -> memref<1x128x128xf32, #tpu.memory_space<vmem>>
    %dma_start3A_595 = tpu.memref_squeeze %dma_start3A_594 : memref<1x128x128xf32, #tpu.memory_space<vmem>> -> memref<128x128xf32, #tpu.memory_space<vmem>>
    %dma_start3A_596 = arith.constant 0 : i32
    %dma_start3A_597 = arith.constant 0 : i32
    %dma_start3A_598 = tpu.memref_slice %dma_start3A_595[%dma_start3A_596, %dma_start3A_597] : memref<128x128xf32, #tpu.memory_space<vmem>> -> memref<64x128xf32, #tpu.memory_space<vmem>>
    tpu.enqueue_dma source(%dma_start3A_598 : memref<64x128xf32, #tpu.memory_space<vmem>>) target(%dma_start3A_591 : memref<64x128xf32, #tpu.memory_space<hbm>>) target_semaphore(%arg19 : memref<!tpu.dma_semaphore, #tpu.memory_space<semaphore_mem>>)
    %dma_wait3A_599 = arith.constant 0 : i32
    %dma_wait3A_600 = arith.constant 1 : i32
    %dma_wait3A_601 = arith.constant 0 : i32
    %dma_wait3A_602 = arith.constant 0 : i32
    %dma_wait3A_603 = tpu.memref_slice %arg8[%dma_wait3A_599, %dma_wait3A_601, %dma_wait3A_602] : memref<5x128x128xf32, #tpu.memory_space<vmem>> -> memref<1x128x128xf32, #tpu.memory_space<vmem>>
    %dma_wait3A_604 = tpu.memref_squeeze %dma_wait3A_603 : memref<1x128x128xf32, #tpu.memory_space<vmem>> -> memref<128x128xf32, #tpu.memory_space<vmem>>
    %dma_wait3A_605 = arith.constant 0 : i32
    %dma_wait3A_606 = arith.constant 0 : i32
    %dma_wait3A_607 = tpu.memref_slice %dma_wait3A_604[%dma_wait3A_605, %dma_wait3A_606] : memref<128x128xf32, #tpu.memory_space<vmem>> -> memref<128x128xf32, #tpu.memory_space<vmem>>
    %dma_wait3A_608 = arith.constant 0 : i32
    %dma_wait3A_609 = tpu.memref_slice %arg5[%dma_wait3A_600, %add3A_447, %dma_wait3A_608] : memref<4x8192x128xf32, #tpu.memory_space<hbm>> -> memref<1x128x128xf32, #tpu.memory_space<hbm>>
    %dma_wait3A_610 = tpu.memref_squeeze %dma_wait3A_609 : memref<1x128x128xf32, #tpu.memory_space<hbm>> -> memref<128x128xf32, #tpu.memory_space<hbm>>
    %dma_wait3A_611 = arith.constant 0 : i32
    %dma_wait3A_612 = tpu.memref_slice %arg5[%dma_wait3A_600, %add3A_447, %dma_wait3A_611] : memref<4x8192x128xf32, #tpu.memory_space<hbm>> -> memref<1x128x128xf32, #tpu.memory_space<hbm>>
    %dma_wait3A_613 = tpu.memref_squeeze %dma_wait3A_612 : memref<1x128x128xf32, #tpu.memory_space<hbm>> -> memref<128x128xf32, #tpu.memory_space<hbm>>
    %dma_wait3A_614 = arith.constant 0 : i32
    %dma_wait3A_615 = arith.constant 0 : i32
    %dma_wait3A_616 = tpu.memref_slice %arg8[%dma_wait3A_599, %dma_wait3A_614, %dma_wait3A_615] : memref<5x128x128xf32, #tpu.memory_space<vmem>> -> memref<1x128x128xf32, #tpu.memory_space<vmem>>
    %dma_wait3A_617 = tpu.memref_squeeze %dma_wait3A_616 : memref<1x128x128xf32, #tpu.memory_space<vmem>> -> memref<128x128xf32, #tpu.memory_space<vmem>>
    %dma_wait3A_618 = arith.constant 0 : i32
    %dma_wait3A_619 = arith.constant 0 : i32
    %dma_wait3A_620 = tpu.memref_slice %dma_wait3A_617[%dma_wait3A_618, %dma_wait3A_619] : memref<128x128xf32, #tpu.memory_space<vmem>> -> memref<128x128xf32, #tpu.memory_space<vmem>>
    tpu.wait_dma2 semaphore(%arg16 : memref<!tpu.dma_semaphore, #tpu.memory_space<semaphore_mem>>) src(%dma_wait3A_620 : memref<128x128xf32, #tpu.memory_space<vmem>>) dst(%dma_wait3A_613 : memref<128x128xf32, #tpu.memory_space<hbm>>)
    %dma_wait3A_621 = arith.constant 1 : i32
    %dma_wait3A_622 = arith.constant 2 : i32
    %dma_wait3A_623 = arith.constant 0 : i32
    %dma_wait3A_624 = arith.constant 0 : i32
    %dma_wait3A_625 = tpu.memref_slice %arg8[%dma_wait3A_621, %dma_wait3A_623, %dma_wait3A_624] : memref<5x128x128xf32, #tpu.memory_space<vmem>> -> memref<1x128x128xf32, #tpu.memory_space<vmem>>
    %dma_wait3A_626 = tpu.memref_squeeze %dma_wait3A_625 : memref<1x128x128xf32, #tpu.memory_space<vmem>> -> memref<128x128xf32, #tpu.memory_space<vmem>>
    %dma_wait3A_627 = arith.constant 0 : i32
    %dma_wait3A_628 = arith.constant 0 : i32
    %dma_wait3A_629 = tpu.memref_slice %dma_wait3A_626[%dma_wait3A_627, %dma_wait3A_628] : memref<128x128xf32, #tpu.memory_space<vmem>> -> memref<128x128xf32, #tpu.memory_space<vmem>>
    %dma_wait3A_630 = arith.constant 0 : i32
    %dma_wait3A_631 = tpu.memref_slice %arg5[%dma_wait3A_622, %add3A_490, %dma_wait3A_630] : memref<4x8192x128xf32, #tpu.memory_space<hbm>> -> memref<1x128x128xf32, #tpu.memory_space<hbm>>
    %dma_wait3A_632 = tpu.memref_squeeze %dma_wait3A_631 : memref<1x128x128xf32, #tpu.memory_space<hbm>> -> memref<128x128xf32, #tpu.memory_space<hbm>>
    %dma_wait3A_633 = arith.constant 0 : i32
    %dma_wait3A_634 = tpu.memref_slice %arg5[%dma_wait3A_622, %add3A_490, %dma_wait3A_633] : memref<4x8192x128xf32, #tpu.memory_space<hbm>> -> memref<1x128x128xf32, #tpu.memory_space<hbm>>
    %dma_wait3A_635 = tpu.memref_squeeze %dma_wait3A_634 : memref<1x128x128xf32, #tpu.memory_space<hbm>> -> memref<128x128xf32, #tpu.memory_space<hbm>>
    %dma_wait3A_636 = arith.constant 0 : i32
    %dma_wait3A_637 = arith.constant 0 : i32
    %dma_wait3A_638 = tpu.memref_slice %arg8[%dma_wait3A_621, %dma_wait3A_636, %dma_wait3A_637] : memref<5x128x128xf32, #tpu.memory_space<vmem>> -> memref<1x128x128xf32, #tpu.memory_space<vmem>>
    %dma_wait3A_639 = tpu.memref_squeeze %dma_wait3A_638 : memref<1x128x128xf32, #tpu.memory_space<vmem>> -> memref<128x128xf32, #tpu.memory_space<vmem>>
    %dma_wait3A_640 = arith.constant 0 : i32
    %dma_wait3A_641 = arith.constant 0 : i32
    %dma_wait3A_642 = tpu.memref_slice %dma_wait3A_639[%dma_wait3A_640, %dma_wait3A_641] : memref<128x128xf32, #tpu.memory_space<vmem>> -> memref<128x128xf32, #tpu.memory_space<vmem>>
    tpu.wait_dma2 semaphore(%arg17 : memref<!tpu.dma_semaphore, #tpu.memory_space<semaphore_mem>>) src(%dma_wait3A_642 : memref<128x128xf32, #tpu.memory_space<vmem>>) dst(%dma_wait3A_635 : memref<128x128xf32, #tpu.memory_space<hbm>>)
    %dma_wait3A_643 = arith.constant 2 : i32
    %dma_wait3A_644 = arith.constant 3 : i32
    %dma_wait3A_645 = arith.constant 0 : i32
    %dma_wait3A_646 = arith.constant 0 : i32
    %dma_wait3A_647 = tpu.memref_slice %arg8[%dma_wait3A_643, %dma_wait3A_645, %dma_wait3A_646] : memref<5x128x128xf32, #tpu.memory_space<vmem>> -> memref<1x128x128xf32, #tpu.memory_space<vmem>>
    %dma_wait3A_648 = tpu.memref_squeeze %dma_wait3A_647 : memref<1x128x128xf32, #tpu.memory_space<vmem>> -> memref<128x128xf32, #tpu.memory_space<vmem>>
    %dma_wait3A_649 = arith.constant 0 : i32
    %dma_wait3A_650 = arith.constant 0 : i32
    %dma_wait3A_651 = tpu.memref_slice %dma_wait3A_648[%dma_wait3A_649, %dma_wait3A_650] : memref<128x128xf32, #tpu.memory_space<vmem>> -> memref<64x128xf32, #tpu.memory_space<vmem>>
    %dma_wait3A_652 = arith.constant 0 : i32
    %dma_wait3A_653 = tpu.memref_slice %arg5[%dma_wait3A_644, %add3A_533, %dma_wait3A_652] : memref<4x8192x128xf32, #tpu.memory_space<hbm>> -> memref<1x64x128xf32, #tpu.memory_space<hbm>>
    %dma_wait3A_654 = tpu.memref_squeeze %dma_wait3A_653 : memref<1x64x128xf32, #tpu.memory_space<hbm>> -> memref<64x128xf32, #tpu.memory_space<hbm>>
    %dma_wait3A_655 = arith.constant 0 : i32
    %dma_wait3A_656 = tpu.memref_slice %arg5[%dma_wait3A_644, %add3A_533, %dma_wait3A_655] : memref<4x8192x128xf32, #tpu.memory_space<hbm>> -> memref<1x64x128xf32, #tpu.memory_space<hbm>>
    %dma_wait3A_657 = tpu.memref_squeeze %dma_wait3A_656 : memref<1x64x128xf32, #tpu.memory_space<hbm>> -> memref<64x128xf32, #tpu.memory_space<hbm>>
    %dma_wait3A_658 = arith.constant 0 : i32
    %dma_wait3A_659 = arith.constant 0 : i32
    %dma_wait3A_660 = tpu.memref_slice %arg8[%dma_wait3A_643, %dma_wait3A_658, %dma_wait3A_659] : memref<5x128x128xf32, #tpu.memory_space<vmem>> -> memref<1x128x128xf32, #tpu.memory_space<vmem>>
    %dma_wait3A_661 = tpu.memref_squeeze %dma_wait3A_660 : memref<1x128x128xf32, #tpu.memory_space<vmem>> -> memref<128x128xf32, #tpu.memory_space<vmem>>
    %dma_wait3A_662 = arith.constant 0 : i32
    %dma_wait3A_663 = arith.constant 0 : i32
    %dma_wait3A_664 = tpu.memref_slice %dma_wait3A_661[%dma_wait3A_662, %dma_wait3A_663] : memref<128x128xf32, #tpu.memory_space<vmem>> -> memref<64x128xf32, #tpu.memory_space<vmem>>
    tpu.wait_dma2 semaphore(%arg18 : memref<!tpu.dma_semaphore, #tpu.memory_space<semaphore_mem>>) src(%dma_wait3A_664 : memref<64x128xf32, #tpu.memory_space<vmem>>) dst(%dma_wait3A_657 : memref<64x128xf32, #tpu.memory_space<hbm>>)
    %dma_wait3A_665 = arith.constant 3 : i32
    %dma_wait3A_666 = arith.constant 3 : i32
    %dma_wait3A_667 = arith.constant 0 : i32
    %dma_wait3A_668 = arith.constant 0 : i32
    %dma_wait3A_669 = tpu.memref_slice %arg8[%dma_wait3A_665, %dma_wait3A_667, %dma_wait3A_668] : memref<5x128x128xf32, #tpu.memory_space<vmem>> -> memref<1x128x128xf32, #tpu.memory_space<vmem>>
    %dma_wait3A_670 = tpu.memref_squeeze %dma_wait3A_669 : memref<1x128x128xf32, #tpu.memory_space<vmem>> -> memref<128x128xf32, #tpu.memory_space<vmem>>
    %dma_wait3A_671 = arith.constant 0 : i32
    %dma_wait3A_672 = arith.constant 0 : i32
    %dma_wait3A_673 = tpu.memref_slice %dma_wait3A_670[%dma_wait3A_671, %dma_wait3A_672] : memref<128x128xf32, #tpu.memory_space<vmem>> -> memref<64x128xf32, #tpu.memory_space<vmem>>
    %dma_wait3A_674 = arith.constant 0 : i32
    %dma_wait3A_675 = tpu.memref_slice %arg5[%dma_wait3A_666, %add3A_576, %dma_wait3A_674] : memref<4x8192x128xf32, #tpu.memory_space<hbm>> -> memref<1x64x128xf32, #tpu.memory_space<hbm>>
    %dma_wait3A_676 = tpu.memref_squeeze %dma_wait3A_675 : memref<1x64x128xf32, #tpu.memory_space<hbm>> -> memref<64x128xf32, #tpu.memory_space<hbm>>
    %dma_wait3A_677 = arith.constant 0 : i32
    %dma_wait3A_678 = tpu.memref_slice %arg5[%dma_wait3A_666, %add3A_576, %dma_wait3A_677] : memref<4x8192x128xf32, #tpu.memory_space<hbm>> -> memref<1x64x128xf32, #tpu.memory_space<hbm>>
    %dma_wait3A_679 = tpu.memref_squeeze %dma_wait3A_678 : memref<1x64x128xf32, #tpu.memory_space<hbm>> -> memref<64x128xf32, #tpu.memory_space<hbm>>
    %dma_wait3A_680 = arith.constant 0 : i32
    %dma_wait3A_681 = arith.constant 0 : i32
    %dma_wait3A_682 = tpu.memref_slice %arg8[%dma_wait3A_665, %dma_wait3A_680, %dma_wait3A_681] : memref<5x128x128xf32, #tpu.memory_space<vmem>> -> memref<1x128x128xf32, #tpu.memory_space<vmem>>
    %dma_wait3A_683 = tpu.memref_squeeze %dma_wait3A_682 : memref<1x128x128xf32, #tpu.memory_space<vmem>> -> memref<128x128xf32, #tpu.memory_space<vmem>>
    %dma_wait3A_684 = arith.constant 0 : i32
    %dma_wait3A_685 = arith.constant 0 : i32
    %dma_wait3A_686 = tpu.memref_slice %dma_wait3A_683[%dma_wait3A_684, %dma_wait3A_685] : memref<128x128xf32, #tpu.memory_space<vmem>> -> memref<64x128xf32, #tpu.memory_space<vmem>>
    tpu.wait_dma2 semaphore(%arg19 : memref<!tpu.dma_semaphore, #tpu.memory_space<semaphore_mem>>) src(%dma_wait3A_686 : memref<64x128xf32, #tpu.memory_space<vmem>>) dst(%dma_wait3A_679 : memref<64x128xf32, #tpu.memory_space<hbm>>)
    %dma_wait3A_687 = arith.constant 4 : i32
    %dma_wait3A_688 = arith.constant 0 : i32
    %dma_wait3A_689 = arith.constant 0 : i32
    %dma_wait3A_690 = arith.constant 0 : i32
    %dma_wait3A_691 = tpu.memref_slice %arg8[%dma_wait3A_687, %dma_wait3A_689, %dma_wait3A_690] : memref<5x128x128xf32, #tpu.memory_space<vmem>> -> memref<1x128x128xf32, #tpu.memory_space<vmem>>
    %dma_wait3A_692 = tpu.memref_squeeze %dma_wait3A_691 : memref<1x128x128xf32, #tpu.memory_space<vmem>> -> memref<128x128xf32, #tpu.memory_space<vmem>>
    %dma_wait3A_693 = arith.constant 0 : i32
    %dma_wait3A_694 = arith.constant 0 : i32
    %dma_wait3A_695 = tpu.memref_slice %dma_wait3A_692[%dma_wait3A_693, %dma_wait3A_694] : memref<128x128xf32, #tpu.memory_space<vmem>> -> memref<128x128xf32, #tpu.memory_space<vmem>>
    %dma_wait3A_696 = arith.constant 0 : i32
    %dma_wait3A_697 = tpu.memref_slice %arg5[%dma_wait3A_688, %add3A_370, %dma_wait3A_696] : memref<4x8192x128xf32, #tpu.memory_space<hbm>> -> memref<1x128x128xf32, #tpu.memory_space<hbm>>
    %dma_wait3A_698 = tpu.memref_squeeze %dma_wait3A_697 : memref<1x128x128xf32, #tpu.memory_space<hbm>> -> memref<128x128xf32, #tpu.memory_space<hbm>>
    %dma_wait3A_699 = arith.constant 0 : i32
    %dma_wait3A_700 = tpu.memref_slice %arg5[%dma_wait3A_688, %add3A_370, %dma_wait3A_699] : memref<4x8192x128xf32, #tpu.memory_space<hbm>> -> memref<1x128x128xf32, #tpu.memory_space<hbm>>
    %dma_wait3A_701 = tpu.memref_squeeze %dma_wait3A_700 : memref<1x128x128xf32, #tpu.memory_space<hbm>> -> memref<128x128xf32, #tpu.memory_space<hbm>>
    %dma_wait3A_702 = arith.constant 0 : i32
    %dma_wait3A_703 = arith.constant 0 : i32
    %dma_wait3A_704 = tpu.memref_slice %arg8[%dma_wait3A_687, %dma_wait3A_702, %dma_wait3A_703] : memref<5x128x128xf32, #tpu.memory_space<vmem>> -> memref<1x128x128xf32, #tpu.memory_space<vmem>>
    %dma_wait3A_705 = tpu.memref_squeeze %dma_wait3A_704 : memref<1x128x128xf32, #tpu.memory_space<vmem>> -> memref<128x128xf32, #tpu.memory_space<vmem>>
    %dma_wait3A_706 = arith.constant 0 : i32
    %dma_wait3A_707 = arith.constant 0 : i32
    %dma_wait3A_708 = tpu.memref_slice %dma_wait3A_705[%dma_wait3A_706, %dma_wait3A_707] : memref<128x128xf32, #tpu.memory_space<vmem>> -> memref<128x128xf32, #tpu.memory_space<vmem>>
    tpu.wait_dma2 semaphore(%arg20 : memref<!tpu.dma_semaphore, #tpu.memory_space<semaphore_mem>>) src(%dma_wait3A_708 : memref<128x128xf32, #tpu.memory_space<vmem>>) dst(%dma_wait3A_701 : memref<128x128xf32, #tpu.memory_space<hbm>>)
    return
  }
}

</mosaic_0001>

<sc_bundles>
// kernel: kernel.3.cloned.1.call-start
scs
__scs_entry_jumppad:
0x0: {  	(pc) =	sbr.rel $0x88, $3  }
0x1: {  	(tag) =	ssettag $0x0;
	lr =	simm.s32 $0x1  }
0x2: {  	[smem:$0x3F9E] =	sst lr;
	_ =	strace $0xD0000000  }
0x3: {  	_ = 	snop  }
0x4: {  	_ = 	snop  }
0x5: {  	_ = 	snop  }
0x6: {  	_ = 	snop  }
0x7: {  	_ = 	snop  }
__scs_overlays_trampoline_lowered:
0x8: {  	[smem:$0x3FAD] =	sst s0  }
0x9: {  	[smem:$0x3FAE] =	sst s1  }
0xa: {  	[smem:$0x3FAF] =	sst s2  }
0xb: {  	[smem:$0x3FB0] =	sst s3  }
0xc: {  	[smem:$0x3FB1] =	sst s4  }
0xd: {  	[smem:$0x3FB2] =	sst s5  }
0xe: {  	[smem:$0x3FB3] =	sst s6  }
0xf: {  	[smem:$0x3FB4] =	sst s7  }
0x10: {  	[smem:$0x3FB5] =	sst s8  }
0x11: {  	[smem:$0x3FB6] =	sst s9;
	s0 =	simm.s32 @!p0 $0x0  }
0x12: {  	s1 =	sld [smem:$0x3F9C];
	s0 =	simm.s32 @p0 $0x1  }
0x13: {  	[smem:$0x3FB7] =	sst s0;
	s0 =	simm.s32 @!p1 $0x0  }
0x14: {  	s2 =	sld [smem:$0x3F9B];
	s0 =	simm.s32 @p1 $0x1  }
0x15: {  	[smem:$0x3FB8] =	sst s0;
	s0 =	simm.s32 @!p2 $0x0  }
0x16: {  	s3 =	sld [smem:$0x3FDB];
	s0 =	simm.s32 @p2 $0x1  }
0x17: {  	s4 =	simm.s32 $0x1BF5;
	[smem:$0x3FBA] =	sst s0  }
0x18: {  	s0 =	sld [smem:$0x3F9D];
	_ =	swait.ge [sflag:s4], $0x0  }
0x19: {  	s7 =	sld [smem:$0x3F9E]  }
0x1a: {  	s8 =	sadd.s32 $0xFFFFE003, lr  }
0x1b: {  	s9 =	sadd.s32 $0xFFFFFEF7, lr;
	s5 =	simm.s32 $0xFFFFFFFF;
	p2 =	slt.u32 s8, $0xFFFFF086  }
0x1c: {  	p1 =	slt.u32 s9, $0xF7A;
	s5 =	simm.s32 @!p2 $0x0  }
0x1d: {  	s5 =	simm.s32 @p1 $0x1;
	p0 =	seq.s32 s7, s2  }
0x1e: {  	s7 =	smul.u32 @!p0 $0xF7A, s2;
	p2 =	seq.s32 @!p0 s5, $0x0  }
0x1f: {  	s9 =	smul.u32 $0xF7A, s1;
	s8 =	simm.s32 @!p0 $0x1BF5;
	p2 =	por !p2, p0  }
0x20: {  	[sflag:s8] =	ssyncset.s32 @!p0 $0xFFFFF086;
	s6 =	sadd.s32 @!p0 s3, s7;
	s7 =	simm.s32 @!p0 $0x108  }
0x21: {  	s3 =	sadd.s32 s3, s9;
	s6 =	sadd.s32 @!p0 $0x88, s6;
	s7 =	simm.s32 @p2 $0x1082  }
0x22: {  	[simem:s7], [sflag:s8] =	dma.local @!p0 [hbm:s6], $0xF7A  }
0x23: {  	s9 =	sor.u32 $0xD0000000, s2;
	s6 =	simm.s32 $0x108;
	_ =	swait.ge @!p0 [sflag:s8], $0x0  }
0x24: {  	s3 =	sadd.s32 $0x88, s3;
	s6 =	simm.s32 @!p1 $0x1082;
	[sflag:s4] =	ssyncset.s32 $0xFFFFF086  }
0x25: {  	[simem:s6], [sflag:s4] =	dma.local [hbm:s3], $0xF7A  }
0x26: {  	[smem:$0x3F9E] =	sst s1;
	(tag) =	ssettag s2;
	_ =	strace s9  }
0x27: {  	s1 =	sld [smem:$0x3FAE]  }
0x28: {  	s2 =	sld [smem:$0x3FAF]  }
0x29: {  	s4 =	sld [smem:$0x3FB1]  }
0x2a: {  	p0 =	seq.s32 s5, $0x0;
	s5 =	sld [smem:$0x3FB2]  }
0x2b: {  	s6 =	sld [smem:$0x3FB3]  }
0x2c: {  	s7 =	sld [smem:$0x3FB4]  }
0x2d: {  	s3 =	simm.s32 $0x108;
	s8 =	sld [smem:$0x3FB5]  }
0x2e: {  	s3 =	simm.s32 @!p0 $0x1082;
	s9 =	sld [smem:$0x3FB6]  }
0x2f: {  	lr =	sadd.s32 s0, s3;
	s0 =	sld [smem:$0x3FAD]  }
0x30: {  	s3 =	sld [smem:$0x3FB0]  }
0x31: {  	[smem:$0x3FB9] =	sst s10  }
0x32: {  	s10 =	sld [smem:$0x3FB7];
	_ =	sdelay $0x3  }
0x33: {  	p0 =	seq.s32 s10, $0x1;
	s10 =	sld [smem:$0x3FB9];
	_ =	sdelay $0x3  }
0x34: {  	[smem:$0x3FB9] =	sst s10  }
0x35: {  	s10 =	sld [smem:$0x3FB8];
	_ =	sdelay $0x3  }
0x36: {  	p1 =	seq.s32 s10, $0x1;
	s10 =	sld [smem:$0x3FB9];
	_ =	sdelay $0x3  }
0x37: {  	[smem:$0x3FB9] =	sst s10  }
0x38: {  	s10 =	sld [smem:$0x3FBA]  }
0x39: {  	_ = 	snop;
	(pc) =	sbr.ind lr, $3  }
0x3a: {  	_ = 	snop  }
0x3b: {  	_ = 	snop  }
0x3c: {  	p2 =	seq.s32 s10, $0x1;
	s10 =	sld [smem:$0x3FB9]  }
0x3d: {  	_ =	shalt  }
0x3e: {  	_ =	shalt  }
0x3f: {  	_ =	shalt  }
0x40: {  	_ =	shalt  }
0x41: {  	_ =	shalt  }
0x42: {  	_ =	shalt  }
0x43: {  	_ =	shalt  }
0x44: {  	_ =	shalt  }
0x45: {  	_ =	shalt  }
0x46: {  	_ =	shalt  }
0x47: {  	_ =	shalt  }
0x48: {  	_ =	shalt  }
0x49: {  	_ =	shalt  }
0x4a: {  	_ =	shalt  }
0x4b: {  	_ =	shalt  }
0x4c: {  	_ =	shalt  }
0x4d: {  	_ =	shalt  }
0x4e: {  	_ =	shalt  }
0x4f: {  	_ =	shalt  }
0x50: {  	_ =	shalt  }
0x51: {  	_ =	shalt  }
0x52: {  	_ =	shalt  }
0x53: {  	_ =	shalt  }
0x54: {  	_ =	shalt  }
0x55: {  	_ =	shalt  }
0x56: {  	_ =	shalt  }
0x57: {  	_ =	shalt  }
0x58: {  	_ =	shalt  }
0x59: {  	_ =	shalt  }
0x5a: {  	_ =	shalt  }
0x5b: {  	_ =	shalt  }
0x5c: {  	_ =	shalt  }
0x5d: {  	_ =	shalt  }
0x5e: {  	_ =	shalt  }
0x5f: {  	_ =	shalt  }
0x60: {  	_ =	shalt  }
0x61: {  	_ =	shalt  }
0x62: {  	_ =	shalt  }
0x63: {  	_ =	shalt  }
0x64: {  	_ =	shalt  }
0x65: {  	_ =	shalt  }
0x66: {  	_ =	shalt  }
0x67: {  	_ =	shalt  }
0x68: {  	_ =	shalt  }
0x69: {  	_ =	shalt  }
0x6a: {  	_ =	shalt  }
0x6b: {  	_ =	shalt  }
0x6c: {  	_ =	shalt  }
0x6d: {  	_ =	shalt  }
0x6e: {  	_ =	shalt  }
0x6f: {  	_ =	shalt  }
0x70: {  	_ =	shalt  }
0x71: {  	_ =	shalt  }
0x72: {  	_ =	shalt  }
0x73: {  	_ =	shalt  }
0x74: {  	_ =	shalt  }
0x75: {  	_ =	shalt  }
0x76: {  	_ =	shalt  }
0x77: {  	_ =	shalt  }
0x78: {  	_ =	shalt  }
0x79: {  	_ =	shalt  }
0x7a: {  	_ =	shalt  }
0x7b: {  	_ =	shalt  }
0x7c: {  	_ =	shalt  }
0x7d: {  	_ =	shalt  }
0x7e: {  	_ =	shalt  }
0x7f: {  	_ =	shalt  }
0x80: {  	_ =	shalt  }
0x81: {  	_ =	shalt  }
0x82: {  	_ =	shalt  }
0x83: {  	_ =	shalt  }
0x84: {  	_ =	shalt  }
0x85: {  	_ =	shalt  }
0x86: {  	_ =	shalt  }
0x87: {  	_ =	shalt  }
.Lfunc_end0:
.L_simem_size_0:
called_computation_lowered:
.L_overlay_start_0:
0x88: {  	s2 =	sld [smem:$0x3FD9]  }
0x89: {  	s3 =	sld [smem:$0x3FFE];
	_ =	sdelay $0x1  }
0x8a: {  	s1 =	srdreg.scid  }
0x8b: {  	s0 =	sand.u32 $0x1, s1  }
0x8c: {  	s18 =	sshll.u32 s0, $0xA;
	s2 =	sadd.s32 s3, s2  }
0x8d: {  	s2 =	sadd.s32 s2, s18  }
0x8e: {  	[smem:$0x3FC5] =	sst s2  }
0x8f: {  	_ = 	snop  }
0x90: {  	s2 =	sld [smem:$0x3FC9]  }
0x91: {  	s19 =	sld [smem:$0x3FC8]  }
0x92: {  	s4 =	sld [smem:$0x3FC7]  }
0x93: {  	s5 =	sld [smem:$0x3FD0];
	(tm) =	ssettm $0x1  }
0x94: {  	s6 =	sld [smem:$0x3FFB];
	_ =	sdelay $0x3  }
0x95: {  	_ =	strace s6  }
0x96: {  	s6 =	sld [smem:$0x3FFC];
	_ =	sdelay $0x3  }
0x97: {  	_ =	strace s6  }
0x98: {  	s6 =	sld [smem:$0x3FFD];
	_ =	sdelay $0x3  }
0x99: {  	_ =	strace s6  }
0x9a: {  	_ =	strace $0x8FFFFFFF  }
0x9b: {  	s20 =	sld [smem:$0x3FDB];
	_ =	sdelay $0x1  }
0x9c: {  	s7 =	simm.s32 $_scs_section_size  }
0x9d: {  	s8 =	simm.s32 $_size__tile_overlayer_lowered;
	s9 =	simm.s32 $_tile_overlayer_lowered  }
0x9e: {  	s23 =	simm.s32 $0x1BFF;
	s22 =	sshll.u32 s9, $0x1;
	s6 =	sadd.s32 s7, s20  }
0x9f: {  	s10 =	simm.s32 $0x0;
	s21 =	sshll.u32 s8, $0x1;
	s8 =	sadd.s32 s22, s6  }
0xa0: {  	[timem:s10], [sflag:s23] =	dma.local [hbm:s8], s21  }
0xa1: {  	_ =	swait.ge [sflag:s23], s21  }
0xa2: {  	s7 =	ssub.s32 $0x0, s21;
	[sflag:s23] =	ssyncset.done $0x0  }
0xa3: {  	[sflag:s23] =	ssyncadd.s32 s7;
	_ =	sdelay $0x1  }
0xa4: {  	s24 =	simm.s32 $0x1B8B  }
0xa5: {  	_ =	swait.ge [sflag:s24], $0x1  }
0xa6: {  	[sflag:s24] =	ssyncset.done $0x0  }
0xa7: {  	s25 =	simm.s32 $0x1B8E;
	[sflag:s24] =	ssyncadd.s32 $0xFFFFFFFF  }
0xa8: {  	s26 =	simm.s32 $execute0_lowered;
	[smem:$0x3FD2] =	sst s25  }
0xa9: {  	s7 =	sshll.u32 s26, $0x1;
	_ =	strace $0x80000046;
	[dreg:$0x1] =	wrdreg $0xFFFFFFFF  }
0xaa: {  	s28 =	simm.s32 $_size_execute0_lowered;
	s6 =	sadd.s32 s6, s7;
	[dreg:$0x0] =	wrdreg $0x0  }
0xab: {  	s7 =	sshll.u32 s28, $0x1;
	[dreg:$0x2] =	wrdreg s6  }
0xac: {  	[dreg:$0x3] =	wrdreg s7  }
0xad: {  	[dreg:$0x4] =	wrdreg $0xC0  }
0xae: {  	_ =	task [dreg:s10], $0x5FFFF  }
0xaf: {  	[dreg:$0x1] =	wrdreg $0xFFFFFFFF  }
0xb0: {  	[dreg:$0x0] =	wrdreg $0x60  }
0xb1: {  	[dreg:$0x2] =	wrdreg s2  }
0xb2: {  	[dreg:$0x3] =	wrdreg s19  }
0xb3: {  	[dreg:$0x4] =	wrdreg s4  }
0xb4: {  	[dreg:$0x5] =	wrdreg s5  }
0xb5: {  	[dreg:$0x6] =	wrdreg $0x9  }
0xb6: {  	_ =	task.clear_ibuf [dreg:s10], $0x7FFFF;
	_ =	strace $0x90000046  }
0xb7: {  	s29 =	simm.s32 $0x9;
	_ =	strace $0x80000048  }
0xb8: {  	_ =	swait.ge [sflag:s29], $0x1  }
0xb9: {  	[sflag:s29] =	ssyncadd.s32 $0xFFFFFFFF  }
0xba: {  	_ =	strace $0x90000048  }
0xbb: {  	_ =	sfence  }
0xbc: {  	s30 =	sld [smem:$0x0];
	_ =	sdelay $0x2  }
0xbd: {  	s31 =	sshll.u32 s1, $0xD;
	s1 =	sshrl.u32 s1, $0x2  }
0xbe: {  	s3 =	sand.u32 $0x4000, s31;
	s1 =	sadd.s32 s1, s30  }
0xbf: {  	s0 =	sor.u32 s3, s0;
	s1 =	sshll.u32 s1, $0x11  }
0xc0: {  	s0 =	sor.u32 s1, s0  }
0xc1: {  	s0 =	sadd.s32 $0x8F2B, s0  }
0xc2: {  	[sflag:s0] =	ssyncadd.remote.s32 $0x1  }
0xc3: {  	_ =	sfence.sel $0xFFFF  }
0xc4: {  	[dreg:$0x0] =	wrdreg $0xFFFFFFFF;
	(pc) =	sbr.abs _section_cstart, $3  }
0xc5: {  	[dreg:$0x1] =	wrdreg $0xFFFFFFFF  }
0xc6: {  	_ =	task.clear_ibuf [dreg:s10], $0x2FFFF;
	_ =	strace $0x9FFFFFFF  }
0xc7: {  	(tm) =	ssettm $0x7FFFFFFF  }
tec
execute0_lowered:
.L_overlay_start_1:
0x0: {  	(tag) =	ssettag $0x1  }
0x1: {  	s0 =	rddreg [dreg:$0x0]  }
0x2: {  	s1 =	rddreg [dreg:$0x1]  }
0x3: {  	s2 =	rddreg [dreg:$0x2]  }
0x4: {  	s4 =	rddreg [dreg:$0x3]  }
0x5: {  	s3 =	srdreg.scid;
	s6 =	stileid.u32;
	s17 =	simm.s32 $0x1  }
0x6: {  	s18 =	simm.s32 $0x80;
	s19 =	simm.s32 $0x8400;
	s20 =	simm.s32 $0xC400  }
0x7: {  	s29 =	simm.s32 $0x18400;
	s30 =	simm.s32 $0x4;
	s31 =	simm.s32 $0x8  }
0x8: {  	s16 =	simm.s32 $0x9;
	s28 =	simm.s32 $0xA;
	s21 =	simm.s32 $0x7  }
0x9: {  	s5 =	sand.u32 $0x1, s3;
	s3 =	simm.s32 $0x0;
	s6 =	sshll.u32 s6, $0x9  }
0xa: {  	s7 =	sshll.u32 s5, $0x8;
	[smem:$0x7FF] =	sst s3;
	s5 =	ssub.s32 $0x2, s5  }
0xb: {  	s6 =	sor.u32 s7, s6;
	_ =	strace $0x80000047;
	s22 =	sshrl.u32 s5, $0x1  }
0xc: {  	s7 =	simm.s32 $0x0;
	s8 =	sshll.u32 s6, $0x4;
	s5 =	ssub.s32 s5, s22  }
0xd: {  	s6 =	sshrl.u32 s6, $0x1;
	s22 =	simm.s32 $0x10400;
	s4 =	sadd.s32 s4, s8  }
0xe: {  	s0 =	sadd.s32 s0, s6;
	s23 =	sadd.s32 s2, s8;
	s15 =	smax.u32 s5, $0x1  }
0xf: {  	s2 =	simm.s32 $0x5;
	s5 =	simm.s32 $0xB;
	[dreg:$0x5] =	wrdreg s0  }
0x10: {  	s6 =	simm.s32 $0xC;
	[dreg:$0x6] =	wrdreg s23;
	s24 =	sadd.s32 $0x20000, s4  }
0x11: {  	s25 =	sadd.s32 $0x40000, s4;
	s26 =	sadd.s32 $0x60000, s4;
	s10 =	sadd.s32 $0x800, s4  }
0x12: {  	s11 =	sadd.s32 $0x20800, s4;
	s12 =	sadd.s32 $0x40800, s4;
	[dreg:$0x7] =	wrdreg s24  }
0x13: {  	s13 =	sadd.s32 $0x60800, s4;
	s14 =	sadd.s32 $0x60C00, s4;
	[dreg:$0x8] =	wrdreg s25  }
0x14: {  	s23 =	simm.s32 $0x2;
	s0 =	simm.s32 $0x40;
	[dreg:$0x9] =	wrdreg s26  }
0x15: {  	s25 =	simm.s32 $0x14400;
	s26 =	simm.s32 $0x3;
	s24 =	simm.s32 $0x6  }
.LBB2_1:
0x16: {  	s8 =	rddreg [dreg:$0x5]  }
0x17: {  	[tilespmem:s3], [sflag:$0x1] =	stream.linear.gather [hbm4b:s8+s3], $0x400, $0x38;
	[tilespmem:$0x1C400] =	vst v63  }
0x18: {  	s9 =	simm.s32 $0x400;
	s8 =	rddreg [dreg:$0x6]  }
0x19: {  	[tilespmem:s9], [sflag:$0x2] =	stream.linear.gather [hbm4b:s8+s3], $0x8000, $0x38;
	[tilespmem:$0x1C400] =	vst v63  }
0x1a: {  	_ =	swait.ge [sflag:s17], $0x400  }
0x1b: {  	[sflag:s17] =	ssyncset.done $0x0  }
0x1c: {  	[sflag:s17] =	ssyncadd.s32 $0xFFFFFC00  }
0x1d: {  	[tilespmem:s19], [sflag:$0x3] =	stream.indirect.gather [hbm4b:s1+s18], $0x80, s3, s18, $0xb8;
	[tilespmem:$0x1C400] =	vst v63  }
0x1e: {  	_ = 	snop  }
0x1f: {  	[tilespmem:s20], [sflag:$0x4] =	stream.indirect.gather [hbm4b:s1+s18], $0x80, s18, s18, $0xb8;
	[tilespmem:$0x1C400] =	vst v63  }
0x20: {  	s9 =	simm.s32 $0x100  }
0x21: {  	[tilespmem:s22], [sflag:$0x5] =	stream.indirect.gather [hbm4b:s1+s18], $0x80, s9, s18, $0xb8;
	[tilespmem:$0x1C400] =	vst v63  }
0x22: {  	_ =	swait.ge [sflag:s23], $0x8000  }
0x23: {  	[sflag:s23] =	ssyncset.done $0x0  }
0x24: {  	s9 =	simm.s32 $0x180;
	[sflag:s23] =	ssyncadd.s32 $0xFFFF8000  }
0x25: {  	[tilespmem:s25], [sflag:$0x6] =	stream.indirect.gather [hbm4b:s1+s18], $0x80, s9, s18, $0xb8;
	[tilespmem:$0x1C400] =	vst v63  }
0x26: {  	_ =	swait.ge [sflag:s26], $0x4000  }
0x27: {  	[sflag:s26] =	ssyncset.done $0x0  }
0x28: {  	s8 =	simm.s32 $0x0;
	s9 =	simm.s32 $0x200;
	[sflag:s26] =	ssyncadd.s32 $0xFFFFC000  }
.LBB2_2:
0x29: {  	p0 =	sne.s32 s9, $0xFE00;
	v0 =	vld [tilespmem:s8+$0x470]  }
0x2a: {  	v1 =	vld [tilespmem:s8+$0x400]  }
0x2b: {  	v2 =	vld [tilespmem:s8+$0x410]  }
0x2c: {  	v3 =	vld [tilespmem:s8+$0x420]  }
0x2d: {  	v4 =	vld [tilespmem:s8+$0x430]  }
0x2e: {  	[tilespmem:s8+$0x8470] =	vst.add.f32.msk $0xffff, v0  }
0x2f: {  	v0 =	vld [tilespmem:s8+$0x440]  }
0x30: {  	v5 =	vld [tilespmem:s8+$0x450]  }
0x31: {  	v6 =	vld [tilespmem:s8+$0x460]  }
0x32: {  	[tilespmem:s8+$0x8400] =	vst.add.f32.msk $0xffff, v1  }
0x33: {  	[tilespmem:s8+$0x8410] =	vst.add.f32.msk $0xffff, v2  }
.Ltmp0:
0x34: {  	[tilespmem:s8+$0x8420] =	vst.add.f32.msk $0xffff, v3;
	(pc) =	sbr.rel @p0 .LBB2_2-.Ltmp0, $4  }
0x35: {  	[tilespmem:s8+$0x8430] =	vst.add.f32.msk $0xffff, v4  }
0x36: {  	[tilespmem:s8+$0x8440] =	vst.add.f32.msk $0xffff, v0  }
0x37: {  	[tilespmem:s8+$0x8450] =	vst.add.f32.msk $0xffff, v5  }
0x38: {  	[tilespmem:s8+$0x8460] =	vst.add.f32.msk $0xffff, v6;
	s8 =	sshra.s32 s9, $0x2;
	s9 =	sadd.s32 $0x200, s9  }
0x39: {  	v0 =	vld [tilespmem:s8+$0x470]  }
0x3a: {  	v1 =	vld [tilespmem:s8+$0x400]  }
0x3b: {  	v2 =	vld [tilespmem:s8+$0x410]  }
0x3c: {  	v3 =	vld [tilespmem:s8+$0x420]  }
0x3d: {  	v4 =	vld [tilespmem:s8+$0x430]  }
0x3e: {  	v63 =	vld [tilespmem:s8+$0x440]  }
0x3f: {  	v5 =	vld [tilespmem:s8+$0x450]  }
0x40: {  	v6 =	vld [tilespmem:s8+$0x460]  }
0x41: {  	[tilespmem:s8+$0x8470] =	vst.add.f32.msk $0xffff, v0  }
0x42: {  	[tilespmem:s8+$0x8400] =	vst.add.f32.msk $0xffff, v1  }
0x43: {  	[tilespmem:s8+$0x8410] =	vst.add.f32.msk $0xffff, v2  }
0x44: {  	[tilespmem:s8+$0x8420] =	vst.add.f32.msk $0xffff, v3  }
0x45: {  	[tilespmem:s8+$0x8430] =	vst.add.f32.msk $0xffff, v4  }
0x46: {  	[tilespmem:s8+$0x8440] =	vst.add.f32.msk $0xffff, v63  }
0x47: {  	[tilespmem:s8+$0x8450] =	vst.add.f32.msk $0xffff, v5  }
0x48: {  	s9 =	simm.s32 $0x0;
	[tilespmem:s8+$0x8460] =	vst.add.f32.msk $0xffff, v6  }
0x49: {  	[hbm4b:s4+s9] =	stream.linear.scatter [tilespmem:s19], [sflag:$0x8], $0x4000, $0x38;
	[tilespmem:$0x1C400] =	vst v63  }
0x4a: {  	s9 =	simm.s32 $0x200  }
0x4b: {  	[tilespmem:s29], [sflag:$0x7] =	stream.indirect.gather [hbm4b:s1+s18], $0x80, s9, s18, $0xb8;
	[tilespmem:$0x1C400] =	vst v63  }
0x4c: {  	_ =	swait.ge [sflag:s30], $0x4000  }
0x4d: {  	[sflag:s30] =	ssyncset.done $0x0  }
0x4e: {  	s8 =	simm.s32 $0x0;
	s9 =	simm.s32 $0x200;
	[sflag:s30] =	ssyncadd.s32 $0xFFFFC000  }
.LBB2_4:
0x4f: {  	p0 =	sne.s32 s9, $0xFE00;
	v0 =	vld [tilespmem:s8+$0x470]  }
0x50: {  	v1 =	vld [tilespmem:s8+$0x400]  }
0x51: {  	v2 =	vld [tilespmem:s8+$0x410]  }
0x52: {  	v3 =	vld [tilespmem:s8+$0x420]  }
0x53: {  	v4 =	vld [tilespmem:s8+$0x430]  }
0x54: {  	[tilespmem:s8+$0xC470] =	vst.add.f32.msk $0xffff, v0  }
0x55: {  	v0 =	vld [tilespmem:s8+$0x440]  }
0x56: {  	v5 =	vld [tilespmem:s8+$0x450]  }
0x57: {  	v6 =	vld [tilespmem:s8+$0x460]  }
0x58: {  	[tilespmem:s8+$0xC400] =	vst.add.f32.msk $0xffff, v1  }
0x59: {  	[tilespmem:s8+$0xC410] =	vst.add.f32.msk $0xffff, v2  }
.Ltmp1:
0x5a: {  	[tilespmem:s8+$0xC420] =	vst.add.f32.msk $0xffff, v3;
	(pc) =	sbr.rel @p0 .LBB2_4-.Ltmp1, $4  }
0x5b: {  	[tilespmem:s8+$0xC430] =	vst.add.f32.msk $0xffff, v4  }
0x5c: {  	[tilespmem:s8+$0xC440] =	vst.add.f32.msk $0xffff, v0  }
0x5d: {  	[tilespmem:s8+$0xC450] =	vst.add.f32.msk $0xffff, v5  }
0x5e: {  	[tilespmem:s8+$0xC460] =	vst.add.f32.msk $0xffff, v6;
	s8 =	sshra.s32 s9, $0x2;
	s9 =	sadd.s32 $0x200, s9  }
0x5f: {  	v0 =	vld [tilespmem:s8+$0x470]  }
0x60: {  	v1 =	vld [tilespmem:s8+$0x400]  }
0x61: {  	v2 =	vld [tilespmem:s8+$0x410]  }
0x62: {  	v3 =	vld [tilespmem:s8+$0x420]  }
0x63: {  	v4 =	vld [tilespmem:s8+$0x430]  }
0x64: {  	v63 =	vld [tilespmem:s8+$0x440]  }
0x65: {  	v5 =	vld [tilespmem:s8+$0x450]  }
0x66: {  	v6 =	vld [tilespmem:s8+$0x460]  }
0x67: {  	[tilespmem:s8+$0xC470] =	vst.add.f32.msk $0xffff, v0  }
0x68: {  	[tilespmem:s8+$0xC400] =	vst.add.f32.msk $0xffff, v1  }
0x69: {  	[tilespmem:s8+$0xC410] =	vst.add.f32.msk $0xffff, v2  }
0x6a: {  	[tilespmem:s8+$0xC420] =	vst.add.f32.msk $0xffff, v3  }
0x6b: {  	[tilespmem:s8+$0xC430] =	vst.add.f32.msk $0xffff, v4  }
0x6c: {  	[tilespmem:s8+$0xC440] =	vst.add.f32.msk $0xffff, v63  }
0x6d: {  	[tilespmem:s8+$0xC450] =	vst.add.f32.msk $0xffff, v5  }
0x6e: {  	s9 =	rddreg [dreg:$0x7];
	[tilespmem:s8+$0xC460] =	vst.add.f32.msk $0xffff, v6;
	s8 =	simm.s32 $0x0  }
0x6f: {  	[hbm4b:s9+s8] =	stream.linear.scatter [tilespmem:s20], [sflag:$0x9], $0x4000, $0x38;
	[tilespmem:$0x1C400] =	vst v63  }
0x70: {  	_ =	swait.ge [sflag:s31], $0x4000  }
0x71: {  	[sflag:s31] =	ssyncset.done $0x0  }
0x72: {  	s9 =	simm.s32 $0x280;
	[sflag:s31] =	ssyncadd.s32 $0xFFFFC000  }
0x73: {  	[tilespmem:s19], [sflag:$0x3] =	stream.indirect.gather [hbm4b:s1+s18], $0x80, s9, s18, $0xb8;
	[tilespmem:$0x1C400] =	vst v63  }
0x74: {  	_ =	swait.ge [sflag:s2], $0x4000  }
0x75: {  	[sflag:s2] =	ssyncset.done $0x0  }
0x76: {  	s8 =	simm.s32 $0x0;
	s9 =	simm.s32 $0x200;
	[sflag:s2] =	ssyncadd.s32 $0xFFFFC000  }
.LBB2_6:
0x77: {  	p0 =	sne.s32 s9, $0xFE00;
	v0 =	vld [tilespmem:s8+$0x470]  }
0x78: {  	v1 =	vld [tilespmem:s8+$0x400]  }
0x79: {  	v2 =	vld [tilespmem:s8+$0x410]  }
0x7a: {  	v3 =	vld [tilespmem:s8+$0x420]  }
0x7b: {  	v4 =	vld [tilespmem:s8+$0x430]  }
0x7c: {  	[tilespmem:s8+$0x10470] =	vst.add.f32.msk $0xffff, v0  }
0x7d: {  	v0 =	vld [tilespmem:s8+$0x440]  }
0x7e: {  	v5 =	vld [tilespmem:s8+$0x450]  }
0x7f: {  	v6 =	vld [tilespmem:s8+$0x460]  }
0x80: {  	[tilespmem:s8+$0x10400] =	vst.add.f32.msk $0xffff, v1  }
0x81: {  	[tilespmem:s8+$0x10410] =	vst.add.f32.msk $0xffff, v2  }
.Ltmp2:
0x82: {  	[tilespmem:s8+$0x10420] =	vst.add.f32.msk $0xffff, v3;
	(pc) =	sbr.rel @p0 .LBB2_6-.Ltmp2, $4  }
0x83: {  	[tilespmem:s8+$0x10430] =	vst.add.f32.msk $0xffff, v4  }
0x84: {  	[tilespmem:s8+$0x10440] =	vst.add.f32.msk $0xffff, v0  }
0x85: {  	[tilespmem:s8+$0x10450] =	vst.add.f32.msk $0xffff, v5  }
0x86: {  	[tilespmem:s8+$0x10460] =	vst.add.f32.msk $0xffff, v6;
	s8 =	sshra.s32 s9, $0x2;
	s9 =	sadd.s32 $0x200, s9  }
0x87: {  	v0 =	vld [tilespmem:s8+$0x470]  }
0x88: {  	v1 =	vld [tilespmem:s8+$0x400]  }
0x89: {  	v2 =	vld [tilespmem:s8+$0x410]  }
0x8a: {  	v3 =	vld [tilespmem:s8+$0x420]  }
0x8b: {  	v4 =	vld [tilespmem:s8+$0x430]  }
0x8c: {  	v63 =	vld [tilespmem:s8+$0x440]  }
0x8d: {  	v5 =	vld [tilespmem:s8+$0x450]  }
0x8e: {  	v6 =	vld [tilespmem:s8+$0x460]  }
0x8f: {  	[tilespmem:s8+$0x10470] =	vst.add.f32.msk $0xffff, v0  }
0x90: {  	[tilespmem:s8+$0x10400] =	vst.add.f32.msk $0xffff, v1  }
0x91: {  	[tilespmem:s8+$0x10410] =	vst.add.f32.msk $0xffff, v2  }
0x92: {  	[tilespmem:s8+$0x10420] =	vst.add.f32.msk $0xffff, v3  }
0x93: {  	[tilespmem:s8+$0x10430] =	vst.add.f32.msk $0xffff, v4  }
0x94: {  	[tilespmem:s8+$0x10440] =	vst.add.f32.msk $0xffff, v63  }
0x95: {  	[tilespmem:s8+$0x10450] =	vst.add.f32.msk $0xffff, v5  }
0x96: {  	s9 =	rddreg [dreg:$0x8];
	[tilespmem:s8+$0x10460] =	vst.add.f32.msk $0xffff, v6;
	s8 =	simm.s32 $0x0  }
0x97: {  	[hbm4b:s9+s8] =	stream.linear.scatter [tilespmem:s22], [sflag:$0xA], $0x4000, $0x38;
	[tilespmem:$0x1C400] =	vst v63  }
0x98: {  	_ =	swait.ge [sflag:s16], $0x4000  }
0x99: {  	[sflag:s16] =	ssyncset.done $0x0  }
0x9a: {  	s9 =	simm.s32 $0x300;
	[sflag:s16] =	ssyncadd.s32 $0xFFFFC000  }
0x9b: {  	[tilespmem:s20], [sflag:$0x4] =	stream.indirect.gather [hbm4b:s1+s18], $0x80, s9, s18, $0xb8;
	[tilespmem:$0x1C400] =	vst v63  }
0x9c: {  	_ =	swait.ge [sflag:s24], $0x4000  }
0x9d: {  	[sflag:s24] =	ssyncset.done $0x0  }
0x9e: {  	s8 =	simm.s32 $0x0;
	s9 =	simm.s32 $0x200;
	[sflag:s24] =	ssyncadd.s32 $0xFFFFC000  }
.LBB2_8:
0x9f: {  	p0 =	sne.s32 s9, $0xFE00;
	v0 =	vld [tilespmem:s8+$0x470]  }
0xa0: {  	v1 =	vld [tilespmem:s8+$0x400]  }
0xa1: {  	v2 =	vld [tilespmem:s8+$0x410]  }
0xa2: {  	v3 =	vld [tilespmem:s8+$0x420]  }
0xa3: {  	v4 =	vld [tilespmem:s8+$0x430]  }
0xa4: {  	[tilespmem:s8+$0x14470] =	vst.add.f32.msk $0xffff, v0  }
0xa5: {  	v0 =	vld [tilespmem:s8+$0x440]  }
0xa6: {  	v5 =	vld [tilespmem:s8+$0x450]  }
0xa7: {  	v6 =	vld [tilespmem:s8+$0x460]  }
0xa8: {  	[tilespmem:s8+$0x14400] =	vst.add.f32.msk $0xffff, v1  }
0xa9: {  	[tilespmem:s8+$0x14410] =	vst.add.f32.msk $0xffff, v2  }
.Ltmp3:
0xaa: {  	[tilespmem:s8+$0x14420] =	vst.add.f32.msk $0xffff, v3;
	(pc) =	sbr.rel @p0 .LBB2_8-.Ltmp3, $4  }
0xab: {  	[tilespmem:s8+$0x14430] =	vst.add.f32.msk $0xffff, v4  }
0xac: {  	[tilespmem:s8+$0x14440] =	vst.add.f32.msk $0xffff, v0  }
0xad: {  	[tilespmem:s8+$0x14450] =	vst.add.f32.msk $0xffff, v5  }
0xae: {  	[tilespmem:s8+$0x14460] =	vst.add.f32.msk $0xffff, v6;
	s8 =	sshra.s32 s9, $0x2;
	s9 =	sadd.s32 $0x200, s9  }
0xaf: {  	v0 =	vld [tilespmem:s8+$0x470]  }
0xb0: {  	v1 =	vld [tilespmem:s8+$0x400]  }
0xb1: {  	v2 =	vld [tilespmem:s8+$0x410]  }
0xb2: {  	v3 =	vld [tilespmem:s8+$0x420]  }
0xb3: {  	v4 =	vld [tilespmem:s8+$0x430]  }
0xb4: {  	v63 =	vld [tilespmem:s8+$0x440]  }
0xb5: {  	v5 =	vld [tilespmem:s8+$0x450]  }
0xb6: {  	v6 =	vld [tilespmem:s8+$0x460]  }
0xb7: {  	[tilespmem:s8+$0x14470] =	vst.add.f32.msk $0xffff, v0  }
0xb8: {  	[tilespmem:s8+$0x14400] =	vst.add.f32.msk $0xffff, v1  }
0xb9: {  	[tilespmem:s8+$0x14410] =	vst.add.f32.msk $0xffff, v2  }
0xba: {  	[tilespmem:s8+$0x14420] =	vst.add.f32.msk $0xffff, v3  }
0xbb: {  	[tilespmem:s8+$0x14430] =	vst.add.f32.msk $0xffff, v4  }
0xbc: {  	[tilespmem:s8+$0x14440] =	vst.add.f32.msk $0xffff, v63  }
0xbd: {  	[tilespmem:s8+$0x14450] =	vst.add.f32.msk $0xffff, v5  }
0xbe: {  	s9 =	rddreg [dreg:$0x9];
	[tilespmem:s8+$0x14460] =	vst.add.f32.msk $0xffff, v6;
	s8 =	simm.s32 $0x0  }
0xbf: {  	[hbm4b:s9+s8] =	stream.linear.scatter [tilespmem:s25], [sflag:$0xB], $0x4000, $0x38;
	[tilespmem:$0x1C400] =	vst v63  }
0xc0: {  	_ =	swait.ge [sflag:s28], $0x4000  }
0xc1: {  	[sflag:s28] =	ssyncset.done $0x0  }
0xc2: {  	s9 =	simm.s32 $0x380;
	[sflag:s28] =	ssyncadd.s32 $0xFFFFC000  }
0xc3: {  	[tilespmem:s22], [sflag:$0x5] =	stream.indirect.gather [hbm4b:s1+s0], $0x80, s9, s0, $0xb8;
	[tilespmem:$0x1C400] =	vst v63  }
0xc4: {  	_ =	swait.ge [sflag:s21], $0x4000  }
0xc5: {  	[sflag:s21] =	ssyncset.done $0x0  }
0xc6: {  	s8 =	simm.s32 $0x0;
	s9 =	simm.s32 $0x200;
	[sflag:s21] =	ssyncadd.s32 $0xFFFFC000  }
.LBB2_10:
0xc7: {  	p0 =	sne.s32 s9, $0xFE00;
	v0 =	vld [tilespmem:s8+$0x4470]  }
0xc8: {  	v1 =	vld [tilespmem:s8+$0x4400]  }
0xc9: {  	v2 =	vld [tilespmem:s8+$0x4410]  }
0xca: {  	v3 =	vld [tilespmem:s8+$0x4420]  }
0xcb: {  	v4 =	vld [tilespmem:s8+$0x4430]  }
0xcc: {  	[tilespmem:s8+$0x18470] =	vst.add.f32.msk $0xffff, v0  }
0xcd: {  	v0 =	vld [tilespmem:s8+$0x4440]  }
0xce: {  	v5 =	vld [tilespmem:s8+$0x4450]  }
0xcf: {  	v6 =	vld [tilespmem:s8+$0x4460]  }
0xd0: {  	[tilespmem:s8+$0x18400] =	vst.add.f32.msk $0xffff, v1  }
0xd1: {  	[tilespmem:s8+$0x18410] =	vst.add.f32.msk $0xffff, v2  }
.Ltmp4:
0xd2: {  	[tilespmem:s8+$0x18420] =	vst.add.f32.msk $0xffff, v3;
	(pc) =	sbr.rel @p0 .LBB2_10-.Ltmp4, $4  }
0xd3: {  	[tilespmem:s8+$0x18430] =	vst.add.f32.msk $0xffff, v4  }
0xd4: {  	[tilespmem:s8+$0x18440] =	vst.add.f32.msk $0xffff, v0  }
0xd5: {  	[tilespmem:s8+$0x18450] =	vst.add.f32.msk $0xffff, v5  }
0xd6: {  	[tilespmem:s8+$0x18460] =	vst.add.f32.msk $0xffff, v6;
	s8 =	sshra.s32 s9, $0x2;
	s9 =	sadd.s32 $0x200, s9  }
0xd7: {  	v0 =	vld [tilespmem:s8+$0x4470]  }
0xd8: {  	v1 =	vld [tilespmem:s8+$0x4400]  }
0xd9: {  	v2 =	vld [tilespmem:s8+$0x4410]  }
0xda: {  	v3 =	vld [tilespmem:s8+$0x4420]  }
0xdb: {  	v4 =	vld [tilespmem:s8+$0x4430]  }
0xdc: {  	v63 =	vld [tilespmem:s8+$0x4440]  }
0xdd: {  	v5 =	vld [tilespmem:s8+$0x4450]  }
0xde: {  	v6 =	vld [tilespmem:s8+$0x4460]  }
0xdf: {  	[tilespmem:s8+$0x18470] =	vst.add.f32.msk $0xffff, v0  }
0xe0: {  	[tilespmem:s8+$0x18400] =	vst.add.f32.msk $0xffff, v1  }
0xe1: {  	[tilespmem:s8+$0x18410] =	vst.add.f32.msk $0xffff, v2  }
0xe2: {  	[tilespmem:s8+$0x18420] =	vst.add.f32.msk $0xffff, v3  }
0xe3: {  	[tilespmem:s8+$0x18430] =	vst.add.f32.msk $0xffff, v4  }
0xe4: {  	[tilespmem:s8+$0x18440] =	vst.add.f32.msk $0xffff, v63  }
0xe5: {  	[tilespmem:s8+$0x18450] =	vst.add.f32.msk $0xffff, v5  }
0xe6: {  	s9 =	simm.s32 $0x0;
	[tilespmem:s8+$0x18460] =	vst.add.f32.msk $0xffff, v6  }
0xe7: {  	[hbm4b:s10+s9] =	stream.linear.scatter [tilespmem:s29], [sflag:$0xC], $0x4000, $0x38;
	[tilespmem:$0x1C400] =	vst v63  }
0xe8: {  	_ =	swait.ge [sflag:s5], $0x4000  }
0xe9: {  	[sflag:s5] =	ssyncset.done $0x0  }
0xea: {  	s9 =	simm.s32 $0x3C0;
	[sflag:s5] =	ssyncadd.s32 $0xFFFFC000  }
0xeb: {  	[tilespmem:s25], [sflag:$0x6] =	stream.indirect.gather [hbm4b:s1+s0], $0x80, s9, s0, $0xb8;
	[tilespmem:$0x1C400] =	vst v63  }
0xec: {  	_ =	swait.ge [sflag:s26], $0x4000  }
0xed: {  	[sflag:s26] =	ssyncset.done $0x0  }
0xee: {  	s8 =	simm.s32 $0x0;
	s9 =	simm.s32 $0x200;
	[sflag:s26] =	ssyncadd.s32 $0xFFFFC000  }
.LBB2_12:
0xef: {  	p0 =	sne.s32 s9, $0xFE00;
	v0 =	vld [tilespmem:s8+$0x4470]  }
0xf0: {  	v1 =	vld [tilespmem:s8+$0x4400]  }
0xf1: {  	v2 =	vld [tilespmem:s8+$0x4410]  }
0xf2: {  	v3 =	vld [tilespmem:s8+$0x4420]  }
0xf3: {  	v4 =	vld [tilespmem:s8+$0x4430]  }
0xf4: {  	[tilespmem:s8+$0x8470] =	vst.add.f32.msk $0xffff, v0  }
0xf5: {  	v0 =	vld [tilespmem:s8+$0x4440]  }
0xf6: {  	v5 =	vld [tilespmem:s8+$0x4450]  }
0xf7: {  	v6 =	vld [tilespmem:s8+$0x4460]  }
0xf8: {  	[tilespmem:s8+$0x8400] =	vst.add.f32.msk $0xffff, v1  }
0xf9: {  	[tilespmem:s8+$0x8410] =	vst.add.f32.msk $0xffff, v2  }
.Ltmp5:
0xfa: {  	[tilespmem:s8+$0x8420] =	vst.add.f32.msk $0xffff, v3;
	(pc) =	sbr.rel @p0 .LBB2_12-.Ltmp5, $4  }
0xfb: {  	[tilespmem:s8+$0x8430] =	vst.add.f32.msk $0xffff, v4  }
0xfc: {  	[tilespmem:s8+$0x8440] =	vst.add.f32.msk $0xffff, v0  }
0xfd: {  	[tilespmem:s8+$0x8450] =	vst.add.f32.msk $0xffff, v5  }
0xfe: {  	[tilespmem:s8+$0x8460] =	vst.add.f32.msk $0xffff, v6;
	s8 =	sshra.s32 s9, $0x2;
	s9 =	sadd.s32 $0x200, s9  }
0xff: {  	v0 =	vld [tilespmem:s8+$0x4470]  }
0x100: {  	v1 =	vld [tilespmem:s8+$0x4400]  }
0x101: {  	v2 =	vld [tilespmem:s8+$0x4410]  }
0x102: {  	v3 =	vld [tilespmem:s8+$0x4420]  }
0x103: {  	v4 =	vld [tilespmem:s8+$0x4430]  }
0x104: {  	v63 =	vld [tilespmem:s8+$0x4440]  }
0x105: {  	v5 =	vld [tilespmem:s8+$0x4450]  }
0x106: {  	v6 =	vld [tilespmem:s8+$0x4460]  }
0x107: {  	[tilespmem:s8+$0x8470] =	vst.add.f32.msk $0xffff, v0  }
0x108: {  	[tilespmem:s8+$0x8400] =	vst.add.f32.msk $0xffff, v1  }
0x109: {  	[tilespmem:s8+$0x8410] =	vst.add.f32.msk $0xffff, v2  }
0x10a: {  	[tilespmem:s8+$0x8420] =	vst.add.f32.msk $0xffff, v3  }
0x10b: {  	[tilespmem:s8+$0x8430] =	vst.add.f32.msk $0xffff, v4  }
0x10c: {  	[tilespmem:s8+$0x8440] =	vst.add.f32.msk $0xffff, v63  }
0x10d: {  	[tilespmem:s8+$0x8450] =	vst.add.f32.msk $0xffff, v5  }
0x10e: {  	s9 =	simm.s32 $0x0;
	[tilespmem:s8+$0x8460] =	vst.add.f32.msk $0xffff, v6  }
0x10f: {  	[hbm4b:s11+s9] =	stream.linear.scatter [tilespmem:s19], [sflag:$0x8], $0x4000, $0x38;
	[tilespmem:$0x1C400] =	vst v63  }
0x110: {  	_ =	swait.ge [sflag:s30], $0x4000  }
0x111: {  	[sflag:s30] =	ssyncset.done $0x0  }
0x112: {  	s8 =	simm.s32 $0x0;
	s9 =	simm.s32 $0x200;
	[sflag:s30] =	ssyncadd.s32 $0xFFFFC000  }
.LBB2_14:
0x113: {  	p0 =	sne.s32 s9, $0xFE00;
	v0 =	vld [tilespmem:s8+$0x4470]  }
0x114: {  	v1 =	vld [tilespmem:s8+$0x4400]  }
0x115: {  	v2 =	vld [tilespmem:s8+$0x4410]  }
0x116: {  	v3 =	vld [tilespmem:s8+$0x4420]  }
0x117: {  	v4 =	vld [tilespmem:s8+$0x4430]  }
0x118: {  	[tilespmem:s8+$0xC470] =	vst.add.f32.msk $0xffff, v0  }
0x119: {  	v0 =	vld [tilespmem:s8+$0x4440]  }
0x11a: {  	v5 =	vld [tilespmem:s8+$0x4450]  }
0x11b: {  	v6 =	vld [tilespmem:s8+$0x4460]  }
0x11c: {  	[tilespmem:s8+$0xC400] =	vst.add.f32.msk $0xffff, v1  }
0x11d: {  	[tilespmem:s8+$0xC410] =	vst.add.f32.msk $0xffff, v2  }
.Ltmp6:
0x11e: {  	[tilespmem:s8+$0xC420] =	vst.add.f32.msk $0xffff, v3;
	(pc) =	sbr.rel @p0 .LBB2_14-.Ltmp6, $4  }
0x11f: {  	[tilespmem:s8+$0xC430] =	vst.add.f32.msk $0xffff, v4  }
0x120: {  	[tilespmem:s8+$0xC440] =	vst.add.f32.msk $0xffff, v0  }
0x121: {  	[tilespmem:s8+$0xC450] =	vst.add.f32.msk $0xffff, v5  }
0x122: {  	[tilespmem:s8+$0xC460] =	vst.add.f32.msk $0xffff, v6;
	s8 =	sshra.s32 s9, $0x2;
	s9 =	sadd.s32 $0x200, s9  }
0x123: {  	v0 =	vld [tilespmem:s8+$0x4470]  }
0x124: {  	v1 =	vld [tilespmem:s8+$0x4400]  }
0x125: {  	v2 =	vld [tilespmem:s8+$0x4410]  }
0x126: {  	v3 =	vld [tilespmem:s8+$0x4420]  }
0x127: {  	v4 =	vld [tilespmem:s8+$0x4430]  }
0x128: {  	v63 =	vld [tilespmem:s8+$0x4440]  }
0x129: {  	v5 =	vld [tilespmem:s8+$0x4450]  }
0x12a: {  	v6 =	vld [tilespmem:s8+$0x4460]  }
0x12b: {  	[tilespmem:s8+$0xC470] =	vst.add.f32.msk $0xffff, v0  }
0x12c: {  	[tilespmem:s8+$0xC400] =	vst.add.f32.msk $0xffff, v1  }
0x12d: {  	[tilespmem:s8+$0xC410] =	vst.add.f32.msk $0xffff, v2  }
0x12e: {  	[tilespmem:s8+$0xC420] =	vst.add.f32.msk $0xffff, v3  }
0x12f: {  	[tilespmem:s8+$0xC430] =	vst.add.f32.msk $0xffff, v4  }
0x130: {  	[tilespmem:s8+$0xC440] =	vst.add.f32.msk $0xffff, v63  }
0x131: {  	[tilespmem:s8+$0xC450] =	vst.add.f32.msk $0xffff, v5  }
0x132: {  	s9 =	simm.s32 $0x0;
	[tilespmem:s8+$0xC460] =	vst.add.f32.msk $0xffff, v6  }
0x133: {  	[hbm4b:s12+s9] =	stream.linear.scatter [tilespmem:s20], [sflag:$0x9], $0x4000, $0x38;
	[tilespmem:$0x1C400] =	vst v63  }
0x134: {  	_ =	swait.ge [sflag:s2], $0x2000  }
0x135: {  	[sflag:s2] =	ssyncset.done $0x0  }
0x136: {  	s8 =	simm.s32 $0x0;
	s9 =	simm.s32 $0x200;
	[sflag:s2] =	ssyncadd.s32 $0xFFFFE000  }
.LBB2_16:
0x137: {  	p0 =	sne.s32 s9, $0x7E00;
	v0 =	vld [tilespmem:s8+$0x4470]  }
0x138: {  	v1 =	vld [tilespmem:s8+$0x4400]  }
0x139: {  	v2 =	vld [tilespmem:s8+$0x4410]  }
0x13a: {  	v3 =	vld [tilespmem:s8+$0x4420]  }
0x13b: {  	v4 =	vld [tilespmem:s8+$0x4430]  }
0x13c: {  	[tilespmem:s8+$0x10470] =	vst.add.f32.msk $0xffff, v0  }
0x13d: {  	v0 =	vld [tilespmem:s8+$0x4440]  }
0x13e: {  	v5 =	vld [tilespmem:s8+$0x4450]  }
0x13f: {  	v6 =	vld [tilespmem:s8+$0x4460]  }
0x140: {  	[tilespmem:s8+$0x10400] =	vst.add.f32.msk $0xffff, v1  }
0x141: {  	[tilespmem:s8+$0x10410] =	vst.add.f32.msk $0xffff, v2  }
.Ltmp7:
0x142: {  	[tilespmem:s8+$0x10420] =	vst.add.f32.msk $0xffff, v3;
	(pc) =	sbr.rel @p0 .LBB2_16-.Ltmp7, $4  }
0x143: {  	[tilespmem:s8+$0x10430] =	vst.add.f32.msk $0xffff, v4  }
0x144: {  	[tilespmem:s8+$0x10440] =	vst.add.f32.msk $0xffff, v0  }
0x145: {  	[tilespmem:s8+$0x10450] =	vst.add.f32.msk $0xffff, v5  }
0x146: {  	[tilespmem:s8+$0x10460] =	vst.add.f32.msk $0xffff, v6;
	s8 =	sshra.s32 s9, $0x2;
	s9 =	sadd.s32 $0x200, s9  }
0x147: {  	v0 =	vld [tilespmem:s8+$0x4470]  }
0x148: {  	v1 =	vld [tilespmem:s8+$0x4400]  }
0x149: {  	v2 =	vld [tilespmem:s8+$0x4410]  }
0x14a: {  	v3 =	vld [tilespmem:s8+$0x4420]  }
0x14b: {  	v4 =	vld [tilespmem:s8+$0x4430]  }
0x14c: {  	v63 =	vld [tilespmem:s8+$0x4440]  }
0x14d: {  	v5 =	vld [tilespmem:s8+$0x4450]  }
0x14e: {  	v6 =	vld [tilespmem:s8+$0x4460]  }
0x14f: {  	[tilespmem:s8+$0x10470] =	vst.add.f32.msk $0xffff, v0  }
0x150: {  	[tilespmem:s8+$0x10400] =	vst.add.f32.msk $0xffff, v1  }
0x151: {  	[tilespmem:s8+$0x10410] =	vst.add.f32.msk $0xffff, v2  }
0x152: {  	[tilespmem:s8+$0x10420] =	vst.add.f32.msk $0xffff, v3  }
0x153: {  	[tilespmem:s8+$0x10430] =	vst.add.f32.msk $0xffff, v4  }
0x154: {  	[tilespmem:s8+$0x10440] =	vst.add.f32.msk $0xffff, v63  }
0x155: {  	[tilespmem:s8+$0x10450] =	vst.add.f32.msk $0xffff, v5  }
0x156: {  	s9 =	simm.s32 $0x0;
	[tilespmem:s8+$0x10460] =	vst.add.f32.msk $0xffff, v6  }
0x157: {  	[hbm4b:s13+s9] =	stream.linear.scatter [tilespmem:s22], [sflag:$0xA], $0x2000, $0x38;
	[tilespmem:$0x1C400] =	vst v63  }
0x158: {  	_ =	swait.ge [sflag:s24], $0x2000  }
0x159: {  	[sflag:s24] =	ssyncset.done $0x0  }
0x15a: {  	s8 =	simm.s32 $0x0;
	s9 =	simm.s32 $0x200;
	[sflag:s24] =	ssyncadd.s32 $0xFFFFE000  }
.LBB2_18:
0x15b: {  	p0 =	sne.s32 s9, $0x7E00;
	v0 =	vld [tilespmem:s8+$0x6470]  }
0x15c: {  	v1 =	vld [tilespmem:s8+$0x6400]  }
0x15d: {  	v2 =	vld [tilespmem:s8+$0x6410]  }
0x15e: {  	v3 =	vld [tilespmem:s8+$0x6420]  }
0x15f: {  	v4 =	vld [tilespmem:s8+$0x6430]  }
0x160: {  	[tilespmem:s8+$0x14470] =	vst.add.f32.msk $0xffff, v0  }
0x161: {  	v0 =	vld [tilespmem:s8+$0x6440]  }
0x162: {  	v5 =	vld [tilespmem:s8+$0x6450]  }
0x163: {  	v6 =	vld [tilespmem:s8+$0x6460]  }
0x164: {  	[tilespmem:s8+$0x14400] =	vst.add.f32.msk $0xffff, v1  }
0x165: {  	[tilespmem:s8+$0x14410] =	vst.add.f32.msk $0xffff, v2  }
.Ltmp8:
0x166: {  	[tilespmem:s8+$0x14420] =	vst.add.f32.msk $0xffff, v3;
	(pc) =	sbr.rel @p0 .LBB2_18-.Ltmp8, $4  }
0x167: {  	[tilespmem:s8+$0x14430] =	vst.add.f32.msk $0xffff, v4  }
0x168: {  	[tilespmem:s8+$0x14440] =	vst.add.f32.msk $0xffff, v0  }
0x169: {  	[tilespmem:s8+$0x14450] =	vst.add.f32.msk $0xffff, v5  }
0x16a: {  	[tilespmem:s8+$0x14460] =	vst.add.f32.msk $0xffff, v6;
	s8 =	sshra.s32 s9, $0x2;
	s9 =	sadd.s32 $0x200, s9  }
0x16b: {  	v0 =	vld [tilespmem:s8+$0x6470]  }
0x16c: {  	v1 =	vld [tilespmem:s8+$0x6400]  }
0x16d: {  	v2 =	vld [tilespmem:s8+$0x6410]  }
0x16e: {  	v3 =	vld [tilespmem:s8+$0x6420]  }
0x16f: {  	v4 =	vld [tilespmem:s8+$0x6430]  }
0x170: {  	v63 =	vld [tilespmem:s8+$0x6440]  }
0x171: {  	v5 =	vld [tilespmem:s8+$0x6450]  }
0x172: {  	v6 =	vld [tilespmem:s8+$0x6460]  }
0x173: {  	[tilespmem:s8+$0x14470] =	vst.add.f32.msk $0xffff, v0  }
0x174: {  	[tilespmem:s8+$0x14400] =	vst.add.f32.msk $0xffff, v1  }
0x175: {  	[tilespmem:s8+$0x14410] =	vst.add.f32.msk $0xffff, v2  }
0x176: {  	[tilespmem:s8+$0x14420] =	vst.add.f32.msk $0xffff, v3  }
0x177: {  	[tilespmem:s8+$0x14430] =	vst.add.f32.msk $0xffff, v4  }
0x178: {  	[tilespmem:s8+$0x14440] =	vst.add.f32.msk $0xffff, v63  }
0x179: {  	[tilespmem:s8+$0x14450] =	vst.add.f32.msk $0xffff, v5  }
0x17a: {  	[tilespmem:s8+$0x14460] =	vst.add.f32.msk $0xffff, v6  }
0x17b: {  	[hbm4b:s14+s3] =	stream.linear.scatter [tilespmem:s25], [sflag:$0xB], $0x2000, $0x38;
	[tilespmem:$0x1C400] =	vst v63  }
0x17c: {  	_ =	swait.ge [sflag:s31], $0x4000  }
0x17d: {  	[sflag:s31] =	ssyncset.done $0x0  }
0x17e: {  	[sflag:s31] =	ssyncadd.s32 $0xFFFFC000  }
0x17f: {  	_ =	swait.ge [sflag:s16], $0x4000  }
0x180: {  	[sflag:s16] =	ssyncset.done $0x0  }
0x181: {  	[sflag:s16] =	ssyncadd.s32 $0xFFFFC000  }
0x182: {  	_ =	swait.ge [sflag:s28], $0x2000  }
0x183: {  	[sflag:s28] =	ssyncset.done $0x0  }
0x184: {  	s7 =	sadd.s32 $0x1, s7;
	[sflag:s28] =	ssyncadd.s32 $0xFFFFE000  }
0x185: {  	p0 =	sne.s32 s7, s15;
	_ =	swait.ge [sflag:s5], $0x2000  }
.Ltmp9:
0x186: {  	[sflag:s5] =	ssyncset.done $0x0;
	(pc) =	sbr.rel @p0 .LBB2_1-.Ltmp9, $4  }
0x187: {  	[sflag:s5] =	ssyncadd.s32 $0xFFFFE000  }
0x188: {  	_ =	swait.ge [sflag:s6], $0x4000  }
0x189: {  	[sflag:s6] =	ssyncset.done $0x0  }
0x18a: {  	[sflag:s6] =	ssyncadd.s32 $0xFFFFC000  }
0x18b: {  	_ =	sfence.sel $0x180000  }
0x18c: {  	[bflag:$0x0] =	sbarrier.arrive $0xFFFF  }
0x18d: {  	_ =	strace $0x90000047  }
0x18e: {  	s0 =	stileid.u32;
	[bflag:$0x2] =	sbarrier.arrive $0xFFFF  }
0x18f: {  	p0 =	sne.s32 s0, $0x0;
	s0 =	rddreg [dreg:$0x4]  }
0x190: {  	s0 =	sadd.s32 @!p0 $0x100000, s0  }
0x191: {  	[sflag:s0] =	ssyncadd.tile.s32 @!p0 $0x1;
	_ =	shalt  }
.Lfunc_end2:
_tile_overlayer_lowered:
.L_overlay_start_2:
0x192: {  	(tag) =	ssettag $0x2  }
0x193: {  	s0 =	rddreg [dreg:$0x0];
	s2 =	stileid.u32  }
0x194: {  	s1 =	rddreg [dreg:$0x1];
	p0 =	sne.s32 s2, $0x0  }
0x195: {  	s3 =	rddreg [dreg:$0x2];
	[bflag:$0x3] =	sbarrier.arrive $0xFFFF;
	s2 =	simm.s32 @!p0 $0x1C0D  }
0x196: {  	[timem:s3], [sflag:s2] =	dma.local @!p0 [hbm:s0], s1  }
0x197: {  	s0 =	simm.s32 @!p0 $0xD  }
0x198: {  	_ =	swait.ge @!p0 [sflag:s0], s1  }
0x199: {  	s1 =	ssub.s32 @!p0 $0x0, s1;
	[sflag:s0] =	ssyncset.done @!p0 $0x0  }
0x19a: {  	[sflag:s0] =	ssyncadd.s32 @!p0 s1  }
0x19b: {  	[bflag:$0x3] =	sbarrier.arrive $0xFFFF  }
0x19c: {  	_ =	shalt  }

</sc_bundles>
